<compile_context>
chip_gen: v7x
topology: tpu7x:2x2x1
jax: 0.10.2.dev20260603
libtpu: 0.0.44.dev20260713+nightly
codegen_flags: <defaults>
</compile_context>

<pallas_src>
import functools
import math

import jax
import jax.numpy as jnp
from jax import lax
from jax.experimental import pallas as pl
from jax.experimental.pallas import tpu as pltpu
from jax.experimental.pallas import tpu_sc as plsc

_D = 128
_K = 4
_DD = _D // _K

_SC_CORES = 2
_SC_SUBCORES = 16
_SC_WORKERS = _SC_CORES * _SC_SUBCORES


def _capsule_masks():
    r = lax.broadcasted_iota(jnp.int32, (_D, _K), 0) // _DD
    c = lax.broadcasted_iota(jnp.int32, (_D, _K), 1)
    s = (r == c).astype(jnp.float32)
    rr = lax.broadcasted_iota(jnp.int32, (_D, _D), 0) // _DD
    cc = lax.broadcasted_iota(jnp.int32, (_D, _D), 1) // _DD
    bd = (rr == cc).astype(jnp.float32)
    return s, bd


def _cap_normalize(v, bd):
    s2 = lax.dot_general(v * v, bd, (((1,), (0,)), ((), ())),
                         preferred_element_type=jnp.float32)
    return v * (1.0 / jnp.maximum(jnp.sqrt(s2), 1e-12))


def _norm_body(x_ref, o_ref):
    _, bd = _capsule_masks()
    o_ref[...] = _cap_normalize(x_ref[...], bd)


def _msum(v, m):
    while m > 1:
        m //= 2
        v = v[:, :m, :] + v[:, m:, :]
    return v[:, 0, :]


def _routing_body(z_ref, x_ref, o_ref, *, bn, m):
    s, bd = _capsule_masks()
    z2 = z_ref[0].astype(jnp.float32)
    z = z2.reshape(bn, m, _D)
    x = x_ref[...]

    u = (1.0 / _K) * _msum(z, m) + x
    u = _cap_normalize(u, bd)

    ones_k = jnp.ones((_K, _K), dtype=jnp.float32)
    for it in range(1, 3):
        zw = z * u[:, None, :]
        p = lax.dot_general(zw.reshape(bn * m, _D), s,
                            (((1,), (0,)), ((), ())),
                            preferred_element_type=jnp.float32)
        e = jnp.exp(p)
        den = lax.dot_general(e, ones_k, (((1,), (0,)), ((), ())),
                              preferred_element_type=jnp.float32)
        r = e * (1.0 / den)
        pe = lax.dot_general(r, s.T, (((1,), (0,)), ((), ())),
                             preferred_element_type=jnp.float32)
        u = _msum(pe.reshape(bn, m, _D) * z, m) + x
        if it < 2:
            u = _cap_normalize(u, bd)

    o_ref[...] = u


def _mix_body(u0_ref, u1_ref, u2_ref, o_ref, *, w1):
    e0 = u0_ref[...]
    e1 = 0.25 * e0 + 0.5 * u1_ref[...]
    o_ref[0] = e0
    o_ref[1] = e1
    o_ref[2] = 0.125 * e0 + (0.25 * w1) * e1 + 0.5 * u2_ref[...]


_NBUF = 4


def _make_sc_gather(n_idx, d, dtype, ch):
    b_per_w = n_idx // _SC_WORKERS
    n_ch = b_per_w // ch
    assert n_ch * ch == b_per_w and (b_per_w % 8 == 0) and (ch % 8 == 0)
    start = n_ch % _NBUF
    n_quad = (n_ch - start) // _NBUF
    assert n_quad >= 2
    mesh = plsc.VectorSubcoreMesh(core_axis_name="c", subcore_axis_name="s")

    @functools.partial(
        pl.kernel, mesh=mesh,
        out_type=jax.ShapeDtypeStruct((n_idx, d), dtype),
        scratch_types=[pltpu.VMEM((b_per_w,), jnp.int32)]
        + [pltpu.VMEM((ch, d), dtype)] * _NBUF
        + [pltpu.SemaphoreType.DMA] * (2 * _NBUF),
    )
    def gather_k(table_hbm, idx_hbm, out_hbm, idx_v, *rest):
        bufs = rest[:_NBUF]
        sgs = rest[_NBUF:2 * _NBUF]
        sss = rest[2 * _NBUF:]
        wid = lax.axis_index("s") * _SC_CORES + lax.axis_index("c")
        base = wid * b_per_w

        pltpu.sync_copy(idx_hbm.at[pl.ds(base, b_per_w)], idx_v)

        def g_start(i, b):
            pltpu.async_copy(
                table_hbm.at[idx_v.at[pl.ds(i * ch, ch)]], bufs[b], sgs[b])

        def g_wait(i, b):
            pltpu.make_async_copy(
                table_hbm.at[idx_v.at[pl.ds(i * ch, ch)]], bufs[b],
                sgs[b]).wait()

        def s_start(i, b):
            pltpu.async_copy(
                bufs[b], out_hbm.at[pl.ds(base + i * ch, ch)], sss[b])

        def s_wait(i, b):
            pltpu.make_async_copy(
                bufs[b], out_hbm.at[pl.ds(base + i * ch, ch)],
                sss[b]).wait()

        for j in range(start):
            g_start(j, 0)
            g_wait(j, 0)
            s_start(j, 0)
            s_wait(j, 0)

        for b in range(_NBUF):
            g_start(start + b, b)

        def body(g, carry):
            i0 = start + _NBUF * g
            for b in range(_NBUF):
                g_wait(i0 + b, b)
                s_start(i0 + b, b)
            for b in range(_NBUF):
                s_wait(i0 + b, b)
                g_start(i0 + b + _NBUF, b)
            return carry

        lax.fori_loop(0, n_quad - 1, body, 0)

        i0 = start + _NBUF * (n_quad - 1)
        for b in range(_NBUF):
            g_wait(i0 + b, b)
            s_start(i0 + b, b)
        for b in range(_NBUF):
            s_wait(i0 + b, b)

    return gather_k


def kernel(x_all, neighbors_all, max_iter):
    t_, n, d = x_all.shape
    m = neighbors_all.shape[2]
    assert d == _D

    x_flat = x_all.reshape(t_ * n, d)
    nb_rows = 1000
    x_norm = pl.pallas_call(
        _norm_body,
        grid=(t_ * n // nb_rows,),
        in_specs=[pl.BlockSpec((nb_rows, d), lambda i: (i, 0))],
        out_specs=pl.BlockSpec((nb_rows, d), lambda i: (i, 0)),
        out_shape=jax.ShapeDtypeStruct((t_ * n, d), jnp.float32),
    )(x_flat)

    def routing_call(n_piece, bn):
        nblk = n_piece // bn
        return pl.pallas_call(
            functools.partial(_routing_body, bn=bn, m=m),
            grid=(nblk,),
            in_specs=[
                pl.BlockSpec((1, bn * m, d), lambda i: (i, 0, 0)),
                pl.BlockSpec((bn, d), lambda i: (i, 0)),
            ],
            out_specs=pl.BlockSpec((bn, d), lambda i: (i, 0)),
            out_shape=jax.ShapeDtypeStruct((n_piece, d), jnp.float32),
        ), nblk

    gidx_all = (neighbors_all
                + (jnp.arange(t_, dtype=jnp.int32) * n)[:, None, None]
                ).reshape(t_ * n, m)
    pieces = [(2000, 200), (8000, 400), (10000, 400), (10000, 400)]
    assert sum(p for p, _ in pieces) == t_ * n
    parts = []
    lo = 0
    for n_piece, bn in pieces:
        gidx = gidx_all[lo:lo + n_piece].reshape(-1)
        zg = _make_sc_gather(n_piece * m, d, jnp.float32, ch=80)(x_norm, gidx)
        rfn, nblk = routing_call(n_piece, bn)
        xt = lax.slice(x_norm, (lo, 0), (lo + n_piece, d))
        parts.append(rfn(zg.reshape(nblk, bn * m, d), xt))
        lo += n_piece
    us = [jnp.concatenate(parts[:2], axis=0), parts[2], parts[3]]

    w1 = float(1.0 / (1.0 + math.exp(-1.0)))
    out = pl.pallas_call(
        functools.partial(_mix_body, w1=w1),
        grid=(n // nb_rows,),
        in_specs=[pl.BlockSpec((nb_rows, d), lambda i: (i, 0))] * 3,
        out_specs=pl.BlockSpec((t_, nb_rows, d), lambda i: (0, i, 0)),
        out_shape=jax.ShapeDtypeStruct((t_, n, d), jnp.float32),
    )(*us)
    return out

# --- scband reference (transcript-rebuilt; emitter-appended) ---
"""Pipeline reference for scband-eaconv-7361573945622 (READ-ONLY COPY).

The authoritative reference and input builder live on the scoring server;
editing this copy changes nothing except your own understanding.
"""

import jax, jax.numpy as jnp
import numpy as np

DIM = 128
K = 4
DELTA_D = DIM // K
AGG_PARAM = 0.5
TIMES = 3
N = 10000
M = 32
MAX_ITER = 3


def _normalize(v, axis):
    norm = jnp.linalg.norm(v, axis=axis, keepdims=True)
    return v / jnp.maximum(norm, 1e-12)


def _aggregate_former_v2(x, neighbors, max_iter):
    n = x.shape[0]
    m = neighbors.shape[0] // n
    d, k, delta_d = DIM, K, DELTA_D
    x = _normalize(x.reshape(n, k, delta_d), 2).reshape(n, d)
    z = jnp.concatenate([x, jnp.zeros((1, d), dtype=x.dtype)], axis=0)
    z = z[neighbors].reshape(n, m, k, delta_d)
    u = None
    for clus_iter in range(max_iter):
        if u is None:
            p = jnp.zeros((n, m, k), dtype=x.dtype)
        else:
            p = jnp.sum(z * u.reshape(n, 1, k, delta_d), axis=3)
        p = jax.nn.softmax(p, axis=2)
        u = jnp.sum(z * p.reshape(n, m, k, 1), axis=1)
        u = u + x.reshape(n, k, delta_d)
        if clus_iter < max_iter - 1:
            u = _normalize(u, 2)
    return u.reshape(n, k * delta_d)


def _forward(x_all, neighbors_all, max_iter):
    times = x_all.shape[0]
    n = x_all.shape[1]
    embs = []
    for t in range(times):
        x_temp = _aggregate_former_v2(x_all[t], neighbors_all[t].reshape(-1), max_iter)
        if t > 0:
            weights = jax.nn.sigmoid(jnp.arange(t, dtype=jnp.float32)).reshape(t, 1, 1)
            prev = jnp.stack(embs, axis=0)
            emb_t = jnp.sum(weights * prev, axis=0) / t * AGG_PARAM + x_temp * (1.0 - AGG_PARAM)
        else:
            emb_t = x_temp
        embs.append(emb_t.reshape(n, DIM))
    return jnp.stack(embs, axis=0)


def setup_inputs(seed: int = 0):
    key = jax.random.key(seed)
    k1, k2 = jax.random.split(key)
    x_all = jax.random.normal(k1, (TIMES, N, DIM), dtype=jnp.float32)
    neighbors_all = jax.random.randint(k2, (TIMES, N, M), 0, N, dtype=jnp.int32)
    return {"x_all": x_all, "neighbors_all": neighbors_all, "max_iter": MAX_ITER}


def reference(x_all, neighbors_all, max_iter):
    x_all = x_all + jnp.zeros((), dtype=x_all.dtype) * max_iter
    return _forward(x_all, neighbors_all, MAX_ITER)

if __name__ == "__main__":
    import jax
    _d = setup_inputs()
    print(jax.jit(kernel)(*tuple(_d.values())))

</pallas_src>

<mosaic_0001>
#map = affine_map<(d0, d1) -> (0, 0)>
#map1 = affine_map<(d0, d1) -> (0)>
module attributes {stable_mosaic.version = 14 : i64} {
  func.func @gather_k(%arg0: i32, %arg1: i32, %arg2: memref<30000x128xf32, #tpu.memory_space<hbm>>, %arg3: memref<64000xi32, #tpu.memory_space<hbm>>, %arg4: memref<64000x128xf32, #tpu.memory_space<hbm>>, %arg5: memref<2000xi32, #tpu.memory_space<vmem>>, %arg6: memref<80x128xf32, #tpu.memory_space<vmem>>, %arg7: memref<80x128xf32, #tpu.memory_space<vmem>>, %arg8: memref<80x128xf32, #tpu.memory_space<vmem>>, %arg9: memref<80x128xf32, #tpu.memory_space<vmem>>, %arg10: memref<!tpu.dma_semaphore, #tpu.memory_space<semaphore_mem>>, %arg11: memref<!tpu.dma_semaphore, #tpu.memory_space<semaphore_mem>>, %arg12: memref<!tpu.dma_semaphore, #tpu.memory_space<semaphore_mem>>, %arg13: memref<!tpu.dma_semaphore, #tpu.memory_space<semaphore_mem>>, %arg14: memref<!tpu.dma_semaphore, #tpu.memory_space<semaphore_mem>>, %arg15: memref<!tpu.dma_semaphore, #tpu.memory_space<semaphore_mem>>, %arg16: memref<!tpu.dma_semaphore, #tpu.memory_space<semaphore_mem>>, %arg17: memref<!tpu.dma_semaphore, #tpu.memory_space<semaphore_mem>>) attributes {dimension_semantics = [#tpu.dimension_semantics<core_parallel>, #tpu.dimension_semantics<subcore_parallel>], iteration_bounds = array<i64: 2, 16>, scalar_prefetch = 0 : i64, scratch_operands = 13 : i64, tpu.core_type = #tpu.core_type<sc_vector_subcore>, window_params = [{transform_indices = #map}, {transform_indices = #map1}, {transform_indices = #map}]} {
    %mul3A = arith.constant 2 : i32
    %mul3A_0 = arith.muli %arg1, %mul3A : i32
    %add3A = arith.addi %mul3A_0, %arg0 : i32
    %mul3A_1 = arith.constant 2000 : i32
    %mul3A_2 = arith.muli %add3A, %mul3A_1 : i32
    "tpu.region"() ({
      %run_scoped3A = tpu.sem_alloc : memref<!tpu.dma_semaphore, #tpu.memory_space<semaphore_mem>>
      %dma_start3A_116 = tpu.memref_slice %arg3[%mul3A_2] : memref<64000xi32, #tpu.memory_space<hbm>> -> memref<2000xi32, #tpu.memory_space<hbm>>
      %dma_start3A_117 = tpu.memref_slice %arg3[%mul3A_2] : memref<64000xi32, #tpu.memory_space<hbm>> -> memref<2000xi32, #tpu.memory_space<hbm>>
      tpu.enqueue_dma source(%dma_start3A_117 : memref<2000xi32, #tpu.memory_space<hbm>>) target(%arg5 : memref<2000xi32, #tpu.memory_space<vmem>>) target_semaphore(%run_scoped3A : memref<!tpu.dma_semaphore, #tpu.memory_space<semaphore_mem>>)
      %dma_wait3A_118 = tpu.memref_slice %arg3[%mul3A_2] : memref<64000xi32, #tpu.memory_space<hbm>> -> memref<2000xi32, #tpu.memory_space<hbm>>
      %dma_wait3A_119 = tpu.memref_slice %arg3[%mul3A_2] : memref<64000xi32, #tpu.memory_space<hbm>> -> memref<2000xi32, #tpu.memory_space<hbm>>
      tpu.wait_dma2 semaphore(%run_scoped3A : memref<!tpu.dma_semaphore, #tpu.memory_space<semaphore_mem>>) src(%dma_wait3A_119 : memref<2000xi32, #tpu.memory_space<hbm>>) dst(%arg5 : memref<2000xi32, #tpu.memory_space<vmem>>)
      tpu.yield
    }) : () -> ()
    %dma_start3A = arith.constant 0 : i32
    %dma_start3A_3 = tpu.memref_slice %arg5[%dma_start3A] : memref<2000xi32, #tpu.memory_space<vmem>> -> memref<80xi32, #tpu.memory_space<vmem>>
    %dma_start3A_4 = arith.constant 0 : i32
    %dma_start3A_5 = arith.constant 0 : i32
    %dma_start3A_6 = tpu.memref_slice %arg2[%dma_start3A_4, %dma_start3A_5] : memref<30000x128xf32, #tpu.memory_space<hbm>> -> memref<30000x128xf32, #tpu.memory_space<hbm>>
    tpu.enqueue_indirect_dma source(%dma_start3A_6 : memref<30000x128xf32, #tpu.memory_space<hbm>>) target(%arg6 : memref<80x128xf32, #tpu.memory_space<vmem>>) offsets(%dma_start3A_3 : memref<80xi32, #tpu.memory_space<vmem>>) semaphore(%arg10 : memref<!tpu.dma_semaphore, #tpu.memory_space<semaphore_mem>>)
    %dma_wait3A = arith.constant 0 : i32
    %dma_wait3A_7 = tpu.memref_slice %arg5[%dma_wait3A] : memref<2000xi32, #tpu.memory_space<vmem>> -> memref<80xi32, #tpu.memory_space<vmem>>
    %dma_wait3A_8 = arith.constant 0 : i32
    %dma_wait3A_9 = arith.constant 0 : i32
    %dma_wait3A_10 = tpu.memref_slice %arg2[%dma_wait3A_8, %dma_wait3A_9] : memref<30000x128xf32, #tpu.memory_space<hbm>> -> memref<30000x128xf32, #tpu.memory_space<hbm>>
    tpu.wait_indirect_dma semaphore(%arg10 : memref<!tpu.dma_semaphore, #tpu.memory_space<semaphore_mem>>) src(%dma_wait3A_10 : memref<30000x128xf32, #tpu.memory_space<hbm>>) dst(%arg6 : memref<80x128xf32, #tpu.memory_space<vmem>>)
    %add3A_11 = arith.constant 0 : i32
    %add3A_12 = arith.addi %mul3A_2, %add3A_11 : i32
    %dma_start3A_13 = arith.constant 0 : i32
    %dma_start3A_14 = tpu.memref_slice %arg4[%add3A_12, %dma_start3A_13] : memref<64000x128xf32, #tpu.memory_space<hbm>> -> memref<80x128xf32, #tpu.memory_space<hbm>>
    %dma_start3A_15 = arith.constant 0 : i32
    %dma_start3A_16 = tpu.memref_slice %arg4[%add3A_12, %dma_start3A_15] : memref<64000x128xf32, #tpu.memory_space<hbm>> -> memref<80x128xf32, #tpu.memory_space<hbm>>
    tpu.enqueue_dma source(%arg6 : memref<80x128xf32, #tpu.memory_space<vmem>>) target(%dma_start3A_16 : memref<80x128xf32, #tpu.memory_space<hbm>>) target_semaphore(%arg14 : memref<!tpu.dma_semaphore, #tpu.memory_space<semaphore_mem>>)
    %add3A_17 = arith.constant 0 : i32
    %add3A_18 = arith.addi %mul3A_2, %add3A_17 : i32
    %dma_wait3A_19 = arith.constant 0 : i32
    %dma_wait3A_20 = tpu.memref_slice %arg4[%add3A_18, %dma_wait3A_19] : memref<64000x128xf32, #tpu.memory_space<hbm>> -> memref<80x128xf32, #tpu.memory_space<hbm>>
    %dma_wait3A_21 = arith.constant 0 : i32
    %dma_wait3A_22 = tpu.memref_slice %arg4[%add3A_18, %dma_wait3A_21] : memref<64000x128xf32, #tpu.memory_space<hbm>> -> memref<80x128xf32, #tpu.memory_space<hbm>>
    tpu.wait_dma2 semaphore(%arg14 : memref<!tpu.dma_semaphore, #tpu.memory_space<semaphore_mem>>) src(%arg6 : memref<80x128xf32, #tpu.memory_space<vmem>>) dst(%dma_wait3A_22 : memref<80x128xf32, #tpu.memory_space<hbm>>)
    %dma_start3A_23 = arith.constant 80 : i32
    %dma_start3A_24 = tpu.memref_slice %arg5[%dma_start3A_23] : memref<2000xi32, #tpu.memory_space<vmem>> -> memref<80xi32, #tpu.memory_space<vmem>>
    %dma_start3A_25 = arith.constant 0 : i32
    %dma_start3A_26 = arith.constant 0 : i32
    %dma_start3A_27 = tpu.memref_slice %arg2[%dma_start3A_25, %dma_start3A_26] : memref<30000x128xf32, #tpu.memory_space<hbm>> -> memref<30000x128xf32, #tpu.memory_space<hbm>>
    tpu.enqueue_indirect_dma source(%dma_start3A_27 : memref<30000x128xf32, #tpu.memory_space<hbm>>) target(%arg6 : memref<80x128xf32, #tpu.memory_space<vmem>>) offsets(%dma_start3A_24 : memref<80xi32, #tpu.memory_space<vmem>>) semaphore(%arg10 : memref<!tpu.dma_semaphore, #tpu.memory_space<semaphore_mem>>)
    %dma_start3A_28 = arith.constant 160 : i32
    %dma_start3A_29 = tpu.memref_slice %arg5[%dma_start3A_28] : memref<2000xi32, #tpu.memory_space<vmem>> -> memref<80xi32, #tpu.memory_space<vmem>>
    %dma_start3A_30 = arith.constant 0 : i32
    %dma_start3A_31 = arith.constant 0 : i32
    %dma_start3A_32 = tpu.memref_slice %arg2[%dma_start3A_30, %dma_start3A_31] : memref<30000x128xf32, #tpu.memory_space<hbm>> -> memref<30000x128xf32, #tpu.memory_space<hbm>>
    tpu.enqueue_indirect_dma source(%dma_start3A_32 : memref<30000x128xf32, #tpu.memory_space<hbm>>) target(%arg7 : memref<80x128xf32, #tpu.memory_space<vmem>>) offsets(%dma_start3A_29 : memref<80xi32, #tpu.memory_space<vmem>>) semaphore(%arg11 : memref<!tpu.dma_semaphore, #tpu.memory_space<semaphore_mem>>)
    %dma_start3A_33 = arith.constant 240 : i32
    %dma_start3A_34 = tpu.memref_slice %arg5[%dma_start3A_33] : memref<2000xi32, #tpu.memory_space<vmem>> -> memref<80xi32, #tpu.memory_space<vmem>>
    %dma_start3A_35 = arith.constant 0 : i32
    %dma_start3A_36 = arith.constant 0 : i32
    %dma_start3A_37 = tpu.memref_slice %arg2[%dma_start3A_35, %dma_start3A_36] : memref<30000x128xf32, #tpu.memory_space<hbm>> -> memref<30000x128xf32, #tpu.memory_space<hbm>>
    tpu.enqueue_indirect_dma source(%dma_start3A_37 : memref<30000x128xf32, #tpu.memory_space<hbm>>) target(%arg8 : memref<80x128xf32, #tpu.memory_space<vmem>>) offsets(%dma_start3A_34 : memref<80xi32, #tpu.memory_space<vmem>>) semaphore(%arg12 : memref<!tpu.dma_semaphore, #tpu.memory_space<semaphore_mem>>)
    %dma_start3A_38 = arith.constant 320 : i32
    %dma_start3A_39 = tpu.memref_slice %arg5[%dma_start3A_38] : memref<2000xi32, #tpu.memory_space<vmem>> -> memref<80xi32, #tpu.memory_space<vmem>>
    %dma_start3A_40 = arith.constant 0 : i32
    %dma_start3A_41 = arith.constant 0 : i32
    %dma_start3A_42 = tpu.memref_slice %arg2[%dma_start3A_40, %dma_start3A_41] : memref<30000x128xf32, #tpu.memory_space<hbm>> -> memref<30000x128xf32, #tpu.memory_space<hbm>>
    tpu.enqueue_indirect_dma source(%dma_start3A_42 : memref<30000x128xf32, #tpu.memory_space<hbm>>) target(%arg9 : memref<80x128xf32, #tpu.memory_space<vmem>>) offsets(%dma_start3A_39 : memref<80xi32, #tpu.memory_space<vmem>>) semaphore(%arg13 : memref<!tpu.dma_semaphore, #tpu.memory_space<semaphore_mem>>)
    %scan3A = arith.constant 0 : i32
    %scan3A_43 = arith.constant 0 : i32
    %scan3A_44 = arith.constant 5 : i32
    %scan3A_45 = arith.addi %scan3A_43, %scan3A_44 : i32
    %scan3A_46 = arith.constant 1 : i32
    scf.for %scan3A_116 = %scan3A_43 to %scan3A_45 step %scan3A_46  : i32 {
      %mul3A_117 = arith.constant 4 : i32
      %mul3A_118 = arith.muli %mul3A_117, %scan3A_116 : i32
      %add3A_119 = arith.constant 1 : i32
      %add3A_120 = arith.addi %add3A_119, %mul3A_118 : i32
      %add3A_121 = arith.constant 0 : i32
      %add3A_122 = arith.addi %add3A_120, %add3A_121 : i32
      %mul3A_123 = arith.constant 80 : i32
      %mul3A_124 = arith.muli %add3A_122, %mul3A_123 : i32
      %dma_wait3A_125 = tpu.memref_slice %arg5[%mul3A_124] : memref<2000xi32, #tpu.memory_space<vmem>> -> memref<80xi32, #tpu.memory_space<vmem>>
      %dma_wait3A_126 = arith.constant 0 : i32
      %dma_wait3A_127 = arith.constant 0 : i32
      %dma_wait3A_128 = tpu.memref_slice %arg2[%dma_wait3A_126, %dma_wait3A_127] : memref<30000x128xf32, #tpu.memory_space<hbm>> -> memref<30000x128xf32, #tpu.memory_space<hbm>>
      tpu.wait_indirect_dma semaphore(%arg10 : memref<!tpu.dma_semaphore, #tpu.memory_space<semaphore_mem>>) src(%dma_wait3A_128 : memref<30000x128xf32, #tpu.memory_space<hbm>>) dst(%arg6 : memref<80x128xf32, #tpu.memory_space<vmem>>)
      %add3A_129 = arith.constant 0 : i32
      %add3A_130 = arith.addi %add3A_120, %add3A_129 : i32
      %mul3A_131 = arith.constant 80 : i32
      %mul3A_132 = arith.muli %add3A_130, %mul3A_131 : i32
      %add3A_133 = arith.addi %mul3A_2, %mul3A_132 : i32
      %dma_start3A_134 = arith.constant 0 : i32
      %dma_start3A_135 = tpu.memref_slice %arg4[%add3A_133, %dma_start3A_134] : memref<64000x128xf32, #tpu.memory_space<hbm>> -> memref<80x128xf32, #tpu.memory_space<hbm>>
      %dma_start3A_136 = arith.constant 0 : i32
      %dma_start3A_137 = tpu.memref_slice %arg4[%add3A_133, %dma_start3A_136] : memref<64000x128xf32, #tpu.memory_space<hbm>> -> memref<80x128xf32, #tpu.memory_space<hbm>>
      tpu.enqueue_dma source(%arg6 : memref<80x128xf32, #tpu.memory_space<vmem>>) target(%dma_start3A_137 : memref<80x128xf32, #tpu.memory_space<hbm>>) target_semaphore(%arg14 : memref<!tpu.dma_semaphore, #tpu.memory_space<semaphore_mem>>)
      %add3A_138 = arith.constant 1 : i32
      %add3A_139 = arith.addi %add3A_120, %add3A_138 : i32
      %mul3A_140 = arith.constant 80 : i32
      %mul3A_141 = arith.muli %add3A_139, %mul3A_140 : i32
      %dma_wait3A_142 = tpu.memref_slice %arg5[%mul3A_141] : memref<2000xi32, #tpu.memory_space<vmem>> -> memref<80xi32, #tpu.memory_space<vmem>>
      %dma_wait3A_143 = arith.constant 0 : i32
      %dma_wait3A_144 = arith.constant 0 : i32
      %dma_wait3A_145 = tpu.memref_slice %arg2[%dma_wait3A_143, %dma_wait3A_144] : memref<30000x128xf32, #tpu.memory_space<hbm>> -> memref<30000x128xf32, #tpu.memory_space<hbm>>
      tpu.wait_indirect_dma semaphore(%arg11 : memref<!tpu.dma_semaphore, #tpu.memory_space<semaphore_mem>>) src(%dma_wait3A_145 : memref<30000x128xf32, #tpu.memory_space<hbm>>) dst(%arg7 : memref<80x128xf32, #tpu.memory_space<vmem>>)
      %add3A_146 = arith.constant 1 : i32
      %add3A_147 = arith.addi %add3A_120, %add3A_146 : i32
      %mul3A_148 = arith.constant 80 : i32
      %mul3A_149 = arith.muli %add3A_147, %mul3A_148 : i32
      %add3A_150 = arith.addi %mul3A_2, %mul3A_149 : i32
      %dma_start3A_151 = arith.constant 0 : i32
      %dma_start3A_152 = tpu.memref_slice %arg4[%add3A_150, %dma_start3A_151] : memref<64000x128xf32, #tpu.memory_space<hbm>> -> memref<80x128xf32, #tpu.memory_space<hbm>>
      %dma_start3A_153 = arith.constant 0 : i32
      %dma_start3A_154 = tpu.memref_slice %arg4[%add3A_150, %dma_start3A_153] : memref<64000x128xf32, #tpu.memory_space<hbm>> -> memref<80x128xf32, #tpu.memory_space<hbm>>
      tpu.enqueue_dma source(%arg7 : memref<80x128xf32, #tpu.memory_space<vmem>>) target(%dma_start3A_154 : memref<80x128xf32, #tpu.memory_space<hbm>>) target_semaphore(%arg15 : memref<!tpu.dma_semaphore, #tpu.memory_space<semaphore_mem>>)
      %add3A_155 = arith.constant 2 : i32
      %add3A_156 = arith.addi %add3A_120, %add3A_155 : i32
      %mul3A_157 = arith.constant 80 : i32
      %mul3A_158 = arith.muli %add3A_156, %mul3A_157 : i32
      %dma_wait3A_159 = tpu.memref_slice %arg5[%mul3A_158] : memref<2000xi32, #tpu.memory_space<vmem>> -> memref<80xi32, #tpu.memory_space<vmem>>
      %dma_wait3A_160 = arith.constant 0 : i32
      %dma_wait3A_161 = arith.constant 0 : i32
      %dma_wait3A_162 = tpu.memref_slice %arg2[%dma_wait3A_160, %dma_wait3A_161] : memref<30000x128xf32, #tpu.memory_space<hbm>> -> memref<30000x128xf32, #tpu.memory_space<hbm>>
      tpu.wait_indirect_dma semaphore(%arg12 : memref<!tpu.dma_semaphore, #tpu.memory_space<semaphore_mem>>) src(%dma_wait3A_162 : memref<30000x128xf32, #tpu.memory_space<hbm>>) dst(%arg8 : memref<80x128xf32, #tpu.memory_space<vmem>>)
      %add3A_163 = arith.constant 2 : i32
      %add3A_164 = arith.addi %add3A_120, %add3A_163 : i32
      %mul3A_165 = arith.constant 80 : i32
      %mul3A_166 = arith.muli %add3A_164, %mul3A_165 : i32
      %add3A_167 = arith.addi %mul3A_2, %mul3A_166 : i32
      %dma_start3A_168 = arith.constant 0 : i32
      %dma_start3A_169 = tpu.memref_slice %arg4[%add3A_167, %dma_start3A_168] : memref<64000x128xf32, #tpu.memory_space<hbm>> -> memref<80x128xf32, #tpu.memory_space<hbm>>
      %dma_start3A_170 = arith.constant 0 : i32
      %dma_start3A_171 = tpu.memref_slice %arg4[%add3A_167, %dma_start3A_170] : memref<64000x128xf32, #tpu.memory_space<hbm>> -> memref<80x128xf32, #tpu.memory_space<hbm>>
      tpu.enqueue_dma source(%arg8 : memref<80x128xf32, #tpu.memory_space<vmem>>) target(%dma_start3A_171 : memref<80x128xf32, #tpu.memory_space<hbm>>) target_semaphore(%arg16 : memref<!tpu.dma_semaphore, #tpu.memory_space<semaphore_mem>>)
      %add3A_172 = arith.constant 3 : i32
      %add3A_173 = arith.addi %add3A_120, %add3A_172 : i32
      %mul3A_174 = arith.constant 80 : i32
      %mul3A_175 = arith.muli %add3A_173, %mul3A_174 : i32
      %dma_wait3A_176 = tpu.memref_slice %arg5[%mul3A_175] : memref<2000xi32, #tpu.memory_space<vmem>> -> memref<80xi32, #tpu.memory_space<vmem>>
      %dma_wait3A_177 = arith.constant 0 : i32
      %dma_wait3A_178 = arith.constant 0 : i32
      %dma_wait3A_179 = tpu.memref_slice %arg2[%dma_wait3A_177, %dma_wait3A_178] : memref<30000x128xf32, #tpu.memory_space<hbm>> -> memref<30000x128xf32, #tpu.memory_space<hbm>>
      tpu.wait_indirect_dma semaphore(%arg13 : memref<!tpu.dma_semaphore, #tpu.memory_space<semaphore_mem>>) src(%dma_wait3A_179 : memref<30000x128xf32, #tpu.memory_space<hbm>>) dst(%arg9 : memref<80x128xf32, #tpu.memory_space<vmem>>)
      %add3A_180 = arith.constant 3 : i32
      %add3A_181 = arith.addi %add3A_120, %add3A_180 : i32
      %mul3A_182 = arith.constant 80 : i32
      %mul3A_183 = arith.muli %add3A_181, %mul3A_182 : i32
      %add3A_184 = arith.addi %mul3A_2, %mul3A_183 : i32
      %dma_start3A_185 = arith.constant 0 : i32
      %dma_start3A_186 = tpu.memref_slice %arg4[%add3A_184, %dma_start3A_185] : memref<64000x128xf32, #tpu.memory_space<hbm>> -> memref<80x128xf32, #tpu.memory_space<hbm>>
      %dma_start3A_187 = arith.constant 0 : i32
      %dma_start3A_188 = tpu.memref_slice %arg4[%add3A_184, %dma_start3A_187] : memref<64000x128xf32, #tpu.memory_space<hbm>> -> memref<80x128xf32, #tpu.memory_space<hbm>>
      tpu.enqueue_dma source(%arg9 : memref<80x128xf32, #tpu.memory_space<vmem>>) target(%dma_start3A_188 : memref<80x128xf32, #tpu.memory_space<hbm>>) target_semaphore(%arg17 : memref<!tpu.dma_semaphore, #tpu.memory_space<semaphore_mem>>)
      %add3A_189 = arith.constant 0 : i32
      %add3A_190 = arith.addi %add3A_120, %add3A_189 : i32
      %mul3A_191 = arith.constant 80 : i32
      %mul3A_192 = arith.muli %add3A_190, %mul3A_191 : i32
      %add3A_193 = arith.addi %mul3A_2, %mul3A_192 : i32
      %dma_wait3A_194 = arith.constant 0 : i32
      %dma_wait3A_195 = tpu.memref_slice %arg4[%add3A_193, %dma_wait3A_194] : memref<64000x128xf32, #tpu.memory_space<hbm>> -> memref<80x128xf32, #tpu.memory_space<hbm>>
      %dma_wait3A_196 = arith.constant 0 : i32
      %dma_wait3A_197 = tpu.memref_slice %arg4[%add3A_193, %dma_wait3A_196] : memref<64000x128xf32, #tpu.memory_space<hbm>> -> memref<80x128xf32, #tpu.memory_space<hbm>>
      tpu.wait_dma2 semaphore(%arg14 : memref<!tpu.dma_semaphore, #tpu.memory_space<semaphore_mem>>) src(%arg6 : memref<80x128xf32, #tpu.memory_space<vmem>>) dst(%dma_wait3A_197 : memref<80x128xf32, #tpu.memory_space<hbm>>)
      %add3A_198 = arith.constant 0 : i32
      %add3A_199 = arith.addi %add3A_120, %add3A_198 : i32
      %add3A_200 = arith.constant 4 : i32
      %add3A_201 = arith.addi %add3A_199, %add3A_200 : i32
      %mul3A_202 = arith.constant 80 : i32
      %mul3A_203 = arith.muli %add3A_201, %mul3A_202 : i32
      %dma_start3A_204 = tpu.memref_slice %arg5[%mul3A_203] : memref<2000xi32, #tpu.memory_space<vmem>> -> memref<80xi32, #tpu.memory_space<vmem>>
      %dma_start3A_205 = arith.constant 0 : i32
      %dma_start3A_206 = arith.constant 0 : i32
      %dma_start3A_207 = tpu.memref_slice %arg2[%dma_start3A_205, %dma_start3A_206] : memref<30000x128xf32, #tpu.memory_space<hbm>> -> memref<30000x128xf32, #tpu.memory_space<hbm>>
      tpu.enqueue_indirect_dma source(%dma_start3A_207 : memref<30000x128xf32, #tpu.memory_space<hbm>>) target(%arg6 : memref<80x128xf32, #tpu.memory_space<vmem>>) offsets(%dma_start3A_204 : memref<80xi32, #tpu.memory_space<vmem>>) semaphore(%arg10 : memref<!tpu.dma_semaphore, #tpu.memory_space<semaphore_mem>>)
      %add3A_208 = arith.constant 1 : i32
      %add3A_209 = arith.addi %add3A_120, %add3A_208 : i32
      %mul3A_210 = arith.constant 80 : i32
      %mul3A_211 = arith.muli %add3A_209, %mul3A_210 : i32
      %add3A_212 = arith.addi %mul3A_2, %mul3A_211 : i32
      %dma_wait3A_213 = arith.constant 0 : i32
      %dma_wait3A_214 = tpu.memref_slice %arg4[%add3A_212, %dma_wait3A_213] : memref<64000x128xf32, #tpu.memory_space<hbm>> -> memref<80x128xf32, #tpu.memory_space<hbm>>
      %dma_wait3A_215 = arith.constant 0 : i32
      %dma_wait3A_216 = tpu.memref_slice %arg4[%add3A_212, %dma_wait3A_215] : memref<64000x128xf32, #tpu.memory_space<hbm>> -> memref<80x128xf32, #tpu.memory_space<hbm>>
      tpu.wait_dma2 semaphore(%arg15 : memref<!tpu.dma_semaphore, #tpu.memory_space<semaphore_mem>>) src(%arg7 : memref<80x128xf32, #tpu.memory_space<vmem>>) dst(%dma_wait3A_216 : memref<80x128xf32, #tpu.memory_space<hbm>>)
      %add3A_217 = arith.constant 1 : i32
      %add3A_218 = arith.addi %add3A_120, %add3A_217 : i32
      %add3A_219 = arith.constant 4 : i32
      %add3A_220 = arith.addi %add3A_218, %add3A_219 : i32
      %mul3A_221 = arith.constant 80 : i32
      %mul3A_222 = arith.muli %add3A_220, %mul3A_221 : i32
      %dma_start3A_223 = tpu.memref_slice %arg5[%mul3A_222] : memref<2000xi32, #tpu.memory_space<vmem>> -> memref<80xi32, #tpu.memory_space<vmem>>
      %dma_start3A_224 = arith.constant 0 : i32
      %dma_start3A_225 = arith.constant 0 : i32
      %dma_start3A_226 = tpu.memref_slice %arg2[%dma_start3A_224, %dma_start3A_225] : memref<30000x128xf32, #tpu.memory_space<hbm>> -> memref<30000x128xf32, #tpu.memory_space<hbm>>
      tpu.enqueue_indirect_dma source(%dma_start3A_226 : memref<30000x128xf32, #tpu.memory_space<hbm>>) target(%arg7 : memref<80x128xf32, #tpu.memory_space<vmem>>) offsets(%dma_start3A_223 : memref<80xi32, #tpu.memory_space<vmem>>) semaphore(%arg11 : memref<!tpu.dma_semaphore, #tpu.memory_space<semaphore_mem>>)
      %add3A_227 = arith.constant 2 : i32
      %add3A_228 = arith.addi %add3A_120, %add3A_227 : i32
      %mul3A_229 = arith.constant 80 : i32
      %mul3A_230 = arith.muli %add3A_228, %mul3A_229 : i32
      %add3A_231 = arith.addi %mul3A_2, %mul3A_230 : i32
      %dma_wait3A_232 = arith.constant 0 : i32
      %dma_wait3A_233 = tpu.memref_slice %arg4[%add3A_231, %dma_wait3A_232] : memref<64000x128xf32, #tpu.memory_space<hbm>> -> memref<80x128xf32, #tpu.memory_space<hbm>>
      %dma_wait3A_234 = arith.constant 0 : i32
      %dma_wait3A_235 = tpu.memref_slice %arg4[%add3A_231, %dma_wait3A_234] : memref<64000x128xf32, #tpu.memory_space<hbm>> -> memref<80x128xf32, #tpu.memory_space<hbm>>
      tpu.wait_dma2 semaphore(%arg16 : memref<!tpu.dma_semaphore, #tpu.memory_space<semaphore_mem>>) src(%arg8 : memref<80x128xf32, #tpu.memory_space<vmem>>) dst(%dma_wait3A_235 : memref<80x128xf32, #tpu.memory_space<hbm>>)
      %add3A_236 = arith.constant 2 : i32
      %add3A_237 = arith.addi %add3A_120, %add3A_236 : i32
      %add3A_238 = arith.constant 4 : i32
      %add3A_239 = arith.addi %add3A_237, %add3A_238 : i32
      %mul3A_240 = arith.constant 80 : i32
      %mul3A_241 = arith.muli %add3A_239, %mul3A_240 : i32
      %dma_start3A_242 = tpu.memref_slice %arg5[%mul3A_241] : memref<2000xi32, #tpu.memory_space<vmem>> -> memref<80xi32, #tpu.memory_space<vmem>>
      %dma_start3A_243 = arith.constant 0 : i32
      %dma_start3A_244 = arith.constant 0 : i32
      %dma_start3A_245 = tpu.memref_slice %arg2[%dma_start3A_243, %dma_start3A_244] : memref<30000x128xf32, #tpu.memory_space<hbm>> -> memref<30000x128xf32, #tpu.memory_space<hbm>>
      tpu.enqueue_indirect_dma source(%dma_start3A_245 : memref<30000x128xf32, #tpu.memory_space<hbm>>) target(%arg8 : memref<80x128xf32, #tpu.memory_space<vmem>>) offsets(%dma_start3A_242 : memref<80xi32, #tpu.memory_space<vmem>>) semaphore(%arg12 : memref<!tpu.dma_semaphore, #tpu.memory_space<semaphore_mem>>)
      %add3A_246 = arith.constant 3 : i32
      %add3A_247 = arith.addi %add3A_120, %add3A_246 : i32
      %mul3A_248 = arith.constant 80 : i32
      %mul3A_249 = arith.muli %add3A_247, %mul3A_248 : i32
      %add3A_250 = arith.addi %mul3A_2, %mul3A_249 : i32
      %dma_wait3A_251 = arith.constant 0 : i32
      %dma_wait3A_252 = tpu.memref_slice %arg4[%add3A_250, %dma_wait3A_251] : memref<64000x128xf32, #tpu.memory_space<hbm>> -> memref<80x128xf32, #tpu.memory_space<hbm>>
      %dma_wait3A_253 = arith.constant 0 : i32
      %dma_wait3A_254 = tpu.memref_slice %arg4[%add3A_250, %dma_wait3A_253] : memref<64000x128xf32, #tpu.memory_space<hbm>> -> memref<80x128xf32, #tpu.memory_space<hbm>>
      tpu.wait_dma2 semaphore(%arg17 : memref<!tpu.dma_semaphore, #tpu.memory_space<semaphore_mem>>) src(%arg9 : memref<80x128xf32, #tpu.memory_space<vmem>>) dst(%dma_wait3A_254 : memref<80x128xf32, #tpu.memory_space<hbm>>)
      %add3A_255 = arith.constant 3 : i32
      %add3A_256 = arith.addi %add3A_120, %add3A_255 : i32
      %add3A_257 = arith.constant 4 : i32
      %add3A_258 = arith.addi %add3A_256, %add3A_257 : i32
      %mul3A_259 = arith.constant 80 : i32
      %mul3A_260 = arith.muli %add3A_258, %mul3A_259 : i32
      %dma_start3A_261 = tpu.memref_slice %arg5[%mul3A_260] : memref<2000xi32, #tpu.memory_space<vmem>> -> memref<80xi32, #tpu.memory_space<vmem>>
      %dma_start3A_262 = arith.constant 0 : i32
      %dma_start3A_263 = arith.constant 0 : i32
      %dma_start3A_264 = tpu.memref_slice %arg2[%dma_start3A_262, %dma_start3A_263] : memref<30000x128xf32, #tpu.memory_space<hbm>> -> memref<30000x128xf32, #tpu.memory_space<hbm>>
      tpu.enqueue_indirect_dma source(%dma_start3A_264 : memref<30000x128xf32, #tpu.memory_space<hbm>>) target(%arg9 : memref<80x128xf32, #tpu.memory_space<vmem>>) offsets(%dma_start3A_261 : memref<80xi32, #tpu.memory_space<vmem>>) semaphore(%arg13 : memref<!tpu.dma_semaphore, #tpu.memory_space<semaphore_mem>>)
    }
    %scan3A_47 = arith.constant 5 : i32
    %dma_wait3A_48 = arith.constant 1680 : i32
    %dma_wait3A_49 = tpu.memref_slice %arg5[%dma_wait3A_48] : memref<2000xi32, #tpu.memory_space<vmem>> -> memref<80xi32, #tpu.memory_space<vmem>>
    %dma_wait3A_50 = arith.constant 0 : i32
    %dma_wait3A_51 = arith.constant 0 : i32
    %dma_wait3A_52 = tpu.memref_slice %arg2[%dma_wait3A_50, %dma_wait3A_51] : memref<30000x128xf32, #tpu.memory_space<hbm>> -> memref<30000x128xf32, #tpu.memory_space<hbm>>
    tpu.wait_indirect_dma semaphore(%arg10 : memref<!tpu.dma_semaphore, #tpu.memory_space<semaphore_mem>>) src(%dma_wait3A_52 : memref<30000x128xf32, #tpu.memory_space<hbm>>) dst(%arg6 : memref<80x128xf32, #tpu.memory_space<vmem>>)
    %add3A_53 = arith.constant 1680 : i32
    %add3A_54 = arith.addi %mul3A_2, %add3A_53 : i32
    %dma_start3A_55 = arith.constant 0 : i32
    %dma_start3A_56 = tpu.memref_slice %arg4[%add3A_54, %dma_start3A_55] : memref<64000x128xf32, #tpu.memory_space<hbm>> -> memref<80x128xf32, #tpu.memory_space<hbm>>
    %dma_start3A_57 = arith.constant 0 : i32
    %dma_start3A_58 = tpu.memref_slice %arg4[%add3A_54, %dma_start3A_57] : memref<64000x128xf32, #tpu.memory_space<hbm>> -> memref<80x128xf32, #tpu.memory_space<hbm>>
    tpu.enqueue_dma source(%arg6 : memref<80x128xf32, #tpu.memory_space<vmem>>) target(%dma_start3A_58 : memref<80x128xf32, #tpu.memory_space<hbm>>) target_semaphore(%arg14 : memref<!tpu.dma_semaphore, #tpu.memory_space<semaphore_mem>>)
    %dma_wait3A_59 = arith.constant 1760 : i32
    %dma_wait3A_60 = tpu.memref_slice %arg5[%dma_wait3A_59] : memref<2000xi32, #tpu.memory_space<vmem>> -> memref<80xi32, #tpu.memory_space<vmem>>
    %dma_wait3A_61 = arith.constant 0 : i32
    %dma_wait3A_62 = arith.constant 0 : i32
    %dma_wait3A_63 = tpu.memref_slice %arg2[%dma_wait3A_61, %dma_wait3A_62] : memref<30000x128xf32, #tpu.memory_space<hbm>> -> memref<30000x128xf32, #tpu.memory_space<hbm>>
    tpu.wait_indirect_dma semaphore(%arg11 : memref<!tpu.dma_semaphore, #tpu.memory_space<semaphore_mem>>) src(%dma_wait3A_63 : memref<30000x128xf32, #tpu.memory_space<hbm>>) dst(%arg7 : memref<80x128xf32, #tpu.memory_space<vmem>>)
    %add3A_64 = arith.constant 1760 : i32
    %add3A_65 = arith.addi %mul3A_2, %add3A_64 : i32
    %dma_start3A_66 = arith.constant 0 : i32
    %dma_start3A_67 = tpu.memref_slice %arg4[%add3A_65, %dma_start3A_66] : memref<64000x128xf32, #tpu.memory_space<hbm>> -> memref<80x128xf32, #tpu.memory_space<hbm>>
    %dma_start3A_68 = arith.constant 0 : i32
    %dma_start3A_69 = tpu.memref_slice %arg4[%add3A_65, %dma_start3A_68] : memref<64000x128xf32, #tpu.memory_space<hbm>> -> memref<80x128xf32, #tpu.memory_space<hbm>>
    tpu.enqueue_dma source(%arg7 : memref<80x128xf32, #tpu.memory_space<vmem>>) target(%dma_start3A_69 : memref<80x128xf32, #tpu.memory_space<hbm>>) target_semaphore(%arg15 : memref<!tpu.dma_semaphore, #tpu.memory_space<semaphore_mem>>)
    %dma_wait3A_70 = arith.constant 1840 : i32
    %dma_wait3A_71 = tpu.memref_slice %arg5[%dma_wait3A_70] : memref<2000xi32, #tpu.memory_space<vmem>> -> memref<80xi32, #tpu.memory_space<vmem>>
    %dma_wait3A_72 = arith.constant 0 : i32
    %dma_wait3A_73 = arith.constant 0 : i32
    %dma_wait3A_74 = tpu.memref_slice %arg2[%dma_wait3A_72, %dma_wait3A_73] : memref<30000x128xf32, #tpu.memory_space<hbm>> -> memref<30000x128xf32, #tpu.memory_space<hbm>>
    tpu.wait_indirect_dma semaphore(%arg12 : memref<!tpu.dma_semaphore, #tpu.memory_space<semaphore_mem>>) src(%dma_wait3A_74 : memref<30000x128xf32, #tpu.memory_space<hbm>>) dst(%arg8 : memref<80x128xf32, #tpu.memory_space<vmem>>)
    %add3A_75 = arith.constant 1840 : i32
    %add3A_76 = arith.addi %mul3A_2, %add3A_75 : i32
    %dma_start3A_77 = arith.constant 0 : i32
    %dma_start3A_78 = tpu.memref_slice %arg4[%add3A_76, %dma_start3A_77] : memref<64000x128xf32, #tpu.memory_space<hbm>> -> memref<80x128xf32, #tpu.memory_space<hbm>>
    %dma_start3A_79 = arith.constant 0 : i32
    %dma_start3A_80 = tpu.memref_slice %arg4[%add3A_76, %dma_start3A_79] : memref<64000x128xf32, #tpu.memory_space<hbm>> -> memref<80x128xf32, #tpu.memory_space<hbm>>
    tpu.enqueue_dma source(%arg8 : memref<80x128xf32, #tpu.memory_space<vmem>>) target(%dma_start3A_80 : memref<80x128xf32, #tpu.memory_space<hbm>>) target_semaphore(%arg16 : memref<!tpu.dma_semaphore, #tpu.memory_space<semaphore_mem>>)
    %dma_wait3A_81 = arith.constant 1920 : i32
    %dma_wait3A_82 = tpu.memref_slice %arg5[%dma_wait3A_81] : memref<2000xi32, #tpu.memory_space<vmem>> -> memref<80xi32, #tpu.memory_space<vmem>>
    %dma_wait3A_83 = arith.constant 0 : i32
    %dma_wait3A_84 = arith.constant 0 : i32
    %dma_wait3A_85 = tpu.memref_slice %arg2[%dma_wait3A_83, %dma_wait3A_84] : memref<30000x128xf32, #tpu.memory_space<hbm>> -> memref<30000x128xf32, #tpu.memory_space<hbm>>
    tpu.wait_indirect_dma semaphore(%arg13 : memref<!tpu.dma_semaphore, #tpu.memory_space<semaphore_mem>>) src(%dma_wait3A_85 : memref<30000x128xf32, #tpu.memory_space<hbm>>) dst(%arg9 : memref<80x128xf32, #tpu.memory_space<vmem>>)
    %add3A_86 = arith.constant 1920 : i32
    %add3A_87 = arith.addi %mul3A_2, %add3A_86 : i32
    %dma_start3A_88 = arith.constant 0 : i32
    %dma_start3A_89 = tpu.memref_slice %arg4[%add3A_87, %dma_start3A_88] : memref<64000x128xf32, #tpu.memory_space<hbm>> -> memref<80x128xf32, #tpu.memory_space<hbm>>
    %dma_start3A_90 = arith.constant 0 : i32
    %dma_start3A_91 = tpu.memref_slice %arg4[%add3A_87, %dma_start3A_90] : memref<64000x128xf32, #tpu.memory_space<hbm>> -> memref<80x128xf32, #tpu.memory_space<hbm>>
    tpu.enqueue_dma source(%arg9 : memref<80x128xf32, #tpu.memory_space<vmem>>) target(%dma_start3A_91 : memref<80x128xf32, #tpu.memory_space<hbm>>) target_semaphore(%arg17 : memref<!tpu.dma_semaphore, #tpu.memory_space<semaphore_mem>>)
    %add3A_92 = arith.constant 1680 : i32
    %add3A_93 = arith.addi %mul3A_2, %add3A_92 : i32
    %dma_wait3A_94 = arith.constant 0 : i32
    %dma_wait3A_95 = tpu.memref_slice %arg4[%add3A_93, %dma_wait3A_94] : memref<64000x128xf32, #tpu.memory_space<hbm>> -> memref<80x128xf32, #tpu.memory_space<hbm>>
    %dma_wait3A_96 = arith.constant 0 : i32
    %dma_wait3A_97 = tpu.memref_slice %arg4[%add3A_93, %dma_wait3A_96] : memref<64000x128xf32, #tpu.memory_space<hbm>> -> memref<80x128xf32, #tpu.memory_space<hbm>>
    tpu.wait_dma2 semaphore(%arg14 : memref<!tpu.dma_semaphore, #tpu.memory_space<semaphore_mem>>) src(%arg6 : memref<80x128xf32, #tpu.memory_space<vmem>>) dst(%dma_wait3A_97 : memref<80x128xf32, #tpu.memory_space<hbm>>)
    %add3A_98 = arith.constant 1760 : i32
    %add3A_99 = arith.addi %mul3A_2, %add3A_98 : i32
    %dma_wait3A_100 = arith.constant 0 : i32
    %dma_wait3A_101 = tpu.memref_slice %arg4[%add3A_99, %dma_wait3A_100] : memref<64000x128xf32, #tpu.memory_space<hbm>> -> memref<80x128xf32, #tpu.memory_space<hbm>>
    %dma_wait3A_102 = arith.constant 0 : i32
    %dma_wait3A_103 = tpu.memref_slice %arg4[%add3A_99, %dma_wait3A_102] : memref<64000x128xf32, #tpu.memory_space<hbm>> -> memref<80x128xf32, #tpu.memory_space<hbm>>
    tpu.wait_dma2 semaphore(%arg15 : memref<!tpu.dma_semaphore, #tpu.memory_space<semaphore_mem>>) src(%arg7 : memref<80x128xf32, #tpu.memory_space<vmem>>) dst(%dma_wait3A_103 : memref<80x128xf32, #tpu.memory_space<hbm>>)
    %add3A_104 = arith.constant 1840 : i32
    %add3A_105 = arith.addi %mul3A_2, %add3A_104 : i32
    %dma_wait3A_106 = arith.constant 0 : i32
    %dma_wait3A_107 = tpu.memref_slice %arg4[%add3A_105, %dma_wait3A_106] : memref<64000x128xf32, #tpu.memory_space<hbm>> -> memref<80x128xf32, #tpu.memory_space<hbm>>
    %dma_wait3A_108 = arith.constant 0 : i32
    %dma_wait3A_109 = tpu.memref_slice %arg4[%add3A_105, %dma_wait3A_108] : memref<64000x128xf32, #tpu.memory_space<hbm>> -> memref<80x128xf32, #tpu.memory_space<hbm>>
    tpu.wait_dma2 semaphore(%arg16 : memref<!tpu.dma_semaphore, #tpu.memory_space<semaphore_mem>>) src(%arg8 : memref<80x128xf32, #tpu.memory_space<vmem>>) dst(%dma_wait3A_109 : memref<80x128xf32, #tpu.memory_space<hbm>>)
    %add3A_110 = arith.constant 1920 : i32
    %add3A_111 = arith.addi %mul3A_2, %add3A_110 : i32
    %dma_wait3A_112 = arith.constant 0 : i32
    %dma_wait3A_113 = tpu.memref_slice %arg4[%add3A_111, %dma_wait3A_112] : memref<64000x128xf32, #tpu.memory_space<hbm>> -> memref<80x128xf32, #tpu.memory_space<hbm>>
    %dma_wait3A_114 = arith.constant 0 : i32
    %dma_wait3A_115 = tpu.memref_slice %arg4[%add3A_111, %dma_wait3A_114] : memref<64000x128xf32, #tpu.memory_space<hbm>> -> memref<80x128xf32, #tpu.memory_space<hbm>>
    tpu.wait_dma2 semaphore(%arg17 : memref<!tpu.dma_semaphore, #tpu.memory_space<semaphore_mem>>) src(%arg9 : memref<80x128xf32, #tpu.memory_space<vmem>>) dst(%dma_wait3A_115 : memref<80x128xf32, #tpu.memory_space<hbm>>)
    return
  }
}

#map = affine_map<(d0, d1) -> (0, 0)>
#map1 = affine_map<(d0, d1) -> (0)>
module attributes {stable_mosaic.version = 14 : i64} {
  func.func @gather_k(%arg0: i32, %arg1: i32, %arg2: memref<30000x128xf32, #tpu.memory_space<hbm>>, %arg3: memref<256000xi32, #tpu.memory_space<hbm>>, %arg4: memref<256000x128xf32, #tpu.memory_space<hbm>>, %arg5: memref<8000xi32, #tpu.memory_space<vmem>>, %arg6: memref<80x128xf32, #tpu.memory_space<vmem>>, %arg7: memref<80x128xf32, #tpu.memory_space<vmem>>, %arg8: memref<80x128xf32, #tpu.memory_space<vmem>>, %arg9: memref<80x128xf32, #tpu.memory_space<vmem>>, %arg10: memref<!tpu.dma_semaphore, #tpu.memory_space<semaphore_mem>>, %arg11: memref<!tpu.dma_semaphore, #tpu.memory_space<semaphore_mem>>, %arg12: memref<!tpu.dma_semaphore, #tpu.memory_space<semaphore_mem>>, %arg13: memref<!tpu.dma_semaphore, #tpu.memory_space<semaphore_mem>>, %arg14: memref<!tpu.dma_semaphore, #tpu.memory_space<semaphore_mem>>, %arg15: memref<!tpu.dma_semaphore, #tpu.memory_space<semaphore_mem>>, %arg16: memref<!tpu.dma_semaphore, #tpu.memory_space<semaphore_mem>>, %arg17: memref<!tpu.dma_semaphore, #tpu.memory_space<semaphore_mem>>) attributes {dimension_semantics = [#tpu.dimension_semantics<core_parallel>, #tpu.dimension_semantics<subcore_parallel>], iteration_bounds = array<i64: 2, 16>, scalar_prefetch = 0 : i64, scratch_operands = 13 : i64, tpu.core_type = #tpu.core_type<sc_vector_subcore>, window_params = [{transform_indices = #map}, {transform_indices = #map1}, {transform_indices = #map}]} {
    %mul3A = arith.constant 2 : i32
    %mul3A_0 = arith.muli %arg1, %mul3A : i32
    %add3A = arith.addi %mul3A_0, %arg0 : i32
    %mul3A_1 = arith.constant 8000 : i32
    %mul3A_2 = arith.muli %add3A, %mul3A_1 : i32
    "tpu.region"() ({
      %run_scoped3A = tpu.sem_alloc : memref<!tpu.dma_semaphore, #tpu.memory_space<semaphore_mem>>
      %dma_start3A_94 = tpu.memref_slice %arg3[%mul3A_2] : memref<256000xi32, #tpu.memory_space<hbm>> -> memref<8000xi32, #tpu.memory_space<hbm>>
      %dma_start3A_95 = tpu.memref_slice %arg3[%mul3A_2] : memref<256000xi32, #tpu.memory_space<hbm>> -> memref<8000xi32, #tpu.memory_space<hbm>>
      tpu.enqueue_dma source(%dma_start3A_95 : memref<8000xi32, #tpu.memory_space<hbm>>) target(%arg5 : memref<8000xi32, #tpu.memory_space<vmem>>) target_semaphore(%run_scoped3A : memref<!tpu.dma_semaphore, #tpu.memory_space<semaphore_mem>>)
      %dma_wait3A_96 = tpu.memref_slice %arg3[%mul3A_2] : memref<256000xi32, #tpu.memory_space<hbm>> -> memref<8000xi32, #tpu.memory_space<hbm>>
      %dma_wait3A_97 = tpu.memref_slice %arg3[%mul3A_2] : memref<256000xi32, #tpu.memory_space<hbm>> -> memref<8000xi32, #tpu.memory_space<hbm>>
      tpu.wait_dma2 semaphore(%run_scoped3A : memref<!tpu.dma_semaphore, #tpu.memory_space<semaphore_mem>>) src(%dma_wait3A_97 : memref<8000xi32, #tpu.memory_space<hbm>>) dst(%arg5 : memref<8000xi32, #tpu.memory_space<vmem>>)
      tpu.yield
    }) : () -> ()
    %dma_start3A = arith.constant 0 : i32
    %dma_start3A_3 = tpu.memref_slice %arg5[%dma_start3A] : memref<8000xi32, #tpu.memory_space<vmem>> -> memref<80xi32, #tpu.memory_space<vmem>>
    %dma_start3A_4 = arith.constant 0 : i32
    %dma_start3A_5 = arith.constant 0 : i32
    %dma_start3A_6 = tpu.memref_slice %arg2[%dma_start3A_4, %dma_start3A_5] : memref<30000x128xf32, #tpu.memory_space<hbm>> -> memref<30000x128xf32, #tpu.memory_space<hbm>>
    tpu.enqueue_indirect_dma source(%dma_start3A_6 : memref<30000x128xf32, #tpu.memory_space<hbm>>) target(%arg6 : memref<80x128xf32, #tpu.memory_space<vmem>>) offsets(%dma_start3A_3 : memref<80xi32, #tpu.memory_space<vmem>>) semaphore(%arg10 : memref<!tpu.dma_semaphore, #tpu.memory_space<semaphore_mem>>)
    %dma_start3A_7 = arith.constant 80 : i32
    %dma_start3A_8 = tpu.memref_slice %arg5[%dma_start3A_7] : memref<8000xi32, #tpu.memory_space<vmem>> -> memref<80xi32, #tpu.memory_space<vmem>>
    %dma_start3A_9 = arith.constant 0 : i32
    %dma_start3A_10 = arith.constant 0 : i32
    %dma_start3A_11 = tpu.memref_slice %arg2[%dma_start3A_9, %dma_start3A_10] : memref<30000x128xf32, #tpu.memory_space<hbm>> -> memref<30000x128xf32, #tpu.memory_space<hbm>>
    tpu.enqueue_indirect_dma source(%dma_start3A_11 : memref<30000x128xf32, #tpu.memory_space<hbm>>) target(%arg7 : memref<80x128xf32, #tpu.memory_space<vmem>>) offsets(%dma_start3A_8 : memref<80xi32, #tpu.memory_space<vmem>>) semaphore(%arg11 : memref<!tpu.dma_semaphore, #tpu.memory_space<semaphore_mem>>)
    %dma_start3A_12 = arith.constant 160 : i32
    %dma_start3A_13 = tpu.memref_slice %arg5[%dma_start3A_12] : memref<8000xi32, #tpu.memory_space<vmem>> -> memref<80xi32, #tpu.memory_space<vmem>>
    %dma_start3A_14 = arith.constant 0 : i32
    %dma_start3A_15 = arith.constant 0 : i32
    %dma_start3A_16 = tpu.memref_slice %arg2[%dma_start3A_14, %dma_start3A_15] : memref<30000x128xf32, #tpu.memory_space<hbm>> -> memref<30000x128xf32, #tpu.memory_space<hbm>>
    tpu.enqueue_indirect_dma source(%dma_start3A_16 : memref<30000x128xf32, #tpu.memory_space<hbm>>) target(%arg8 : memref<80x128xf32, #tpu.memory_space<vmem>>) offsets(%dma_start3A_13 : memref<80xi32, #tpu.memory_space<vmem>>) semaphore(%arg12 : memref<!tpu.dma_semaphore, #tpu.memory_space<semaphore_mem>>)
    %dma_start3A_17 = arith.constant 240 : i32
    %dma_start3A_18 = tpu.memref_slice %arg5[%dma_start3A_17] : memref<8000xi32, #tpu.memory_space<vmem>> -> memref<80xi32, #tpu.memory_space<vmem>>
    %dma_start3A_19 = arith.constant 0 : i32
    %dma_start3A_20 = arith.constant 0 : i32
    %dma_start3A_21 = tpu.memref_slice %arg2[%dma_start3A_19, %dma_start3A_20] : memref<30000x128xf32, #tpu.memory_space<hbm>> -> memref<30000x128xf32, #tpu.memory_space<hbm>>
    tpu.enqueue_indirect_dma source(%dma_start3A_21 : memref<30000x128xf32, #tpu.memory_space<hbm>>) target(%arg9 : memref<80x128xf32, #tpu.memory_space<vmem>>) offsets(%dma_start3A_18 : memref<80xi32, #tpu.memory_space<vmem>>) semaphore(%arg13 : memref<!tpu.dma_semaphore, #tpu.memory_space<semaphore_mem>>)
    %scan3A = arith.constant 0 : i32
    %scan3A_22 = arith.constant 0 : i32
    %scan3A_23 = arith.constant 24 : i32
    %scan3A_24 = arith.addi %scan3A_22, %scan3A_23 : i32
    %scan3A_25 = arith.constant 1 : i32
    scf.for %scan3A_94 = %scan3A_22 to %scan3A_24 step %scan3A_25  : i32 {
      %mul3A_95 = arith.constant 4 : i32
      %mul3A_96 = arith.muli %mul3A_95, %scan3A_94 : i32
      %add3A_97 = arith.constant 0 : i32
      %add3A_98 = arith.addi %add3A_97, %mul3A_96 : i32
      %add3A_99 = arith.constant 0 : i32
      %add3A_100 = arith.addi %add3A_98, %add3A_99 : i32
      %mul3A_101 = arith.constant 80 : i32
      %mul3A_102 = arith.muli %add3A_100, %mul3A_101 : i32
      %dma_wait3A_103 = tpu.memref_slice %arg5[%mul3A_102] : memref<8000xi32, #tpu.memory_space<vmem>> -> memref<80xi32, #tpu.memory_space<vmem>>
      %dma_wait3A_104 = arith.constant 0 : i32
      %dma_wait3A_105 = arith.constant 0 : i32
      %dma_wait3A_106 = tpu.memref_slice %arg2[%dma_wait3A_104, %dma_wait3A_105] : memref<30000x128xf32, #tpu.memory_space<hbm>> -> memref<30000x128xf32, #tpu.memory_space<hbm>>
      tpu.wait_indirect_dma semaphore(%arg10 : memref<!tpu.dma_semaphore, #tpu.memory_space<semaphore_mem>>) src(%dma_wait3A_106 : memref<30000x128xf32, #tpu.memory_space<hbm>>) dst(%arg6 : memref<80x128xf32, #tpu.memory_space<vmem>>)
      %add3A_107 = arith.constant 0 : i32
      %add3A_108 = arith.addi %add3A_98, %add3A_107 : i32
      %mul3A_109 = arith.constant 80 : i32
      %mul3A_110 = arith.muli %add3A_108, %mul3A_109 : i32
      %add3A_111 = arith.addi %mul3A_2, %mul3A_110 : i32
      %dma_start3A_112 = arith.constant 0 : i32
      %dma_start3A_113 = tpu.memref_slice %arg4[%add3A_111, %dma_start3A_112] : memref<256000x128xf32, #tpu.memory_space<hbm>> -> memref<80x128xf32, #tpu.memory_space<hbm>>
      %dma_start3A_114 = arith.constant 0 : i32
      %dma_start3A_115 = tpu.memref_slice %arg4[%add3A_111, %dma_start3A_114] : memref<256000x128xf32, #tpu.memory_space<hbm>> -> memref<80x128xf32, #tpu.memory_space<hbm>>
      tpu.enqueue_dma source(%arg6 : memref<80x128xf32, #tpu.memory_space<vmem>>) target(%dma_start3A_115 : memref<80x128xf32, #tpu.memory_space<hbm>>) target_semaphore(%arg14 : memref<!tpu.dma_semaphore, #tpu.memory_space<semaphore_mem>>)
      %add3A_116 = arith.constant 1 : i32
      %add3A_117 = arith.addi %add3A_98, %add3A_116 : i32
      %mul3A_118 = arith.constant 80 : i32
      %mul3A_119 = arith.muli %add3A_117, %mul3A_118 : i32
      %dma_wait3A_120 = tpu.memref_slice %arg5[%mul3A_119] : memref<8000xi32, #tpu.memory_space<vmem>> -> memref<80xi32, #tpu.memory_space<vmem>>
      %dma_wait3A_121 = arith.constant 0 : i32
      %dma_wait3A_122 = arith.constant 0 : i32
      %dma_wait3A_123 = tpu.memref_slice %arg2[%dma_wait3A_121, %dma_wait3A_122] : memref<30000x128xf32, #tpu.memory_space<hbm>> -> memref<30000x128xf32, #tpu.memory_space<hbm>>
      tpu.wait_indirect_dma semaphore(%arg11 : memref<!tpu.dma_semaphore, #tpu.memory_space<semaphore_mem>>) src(%dma_wait3A_123 : memref<30000x128xf32, #tpu.memory_space<hbm>>) dst(%arg7 : memref<80x128xf32, #tpu.memory_space<vmem>>)
      %add3A_124 = arith.constant 1 : i32
      %add3A_125 = arith.addi %add3A_98, %add3A_124 : i32
      %mul3A_126 = arith.constant 80 : i32
      %mul3A_127 = arith.muli %add3A_125, %mul3A_126 : i32
      %add3A_128 = arith.addi %mul3A_2, %mul3A_127 : i32
      %dma_start3A_129 = arith.constant 0 : i32
      %dma_start3A_130 = tpu.memref_slice %arg4[%add3A_128, %dma_start3A_129] : memref<256000x128xf32, #tpu.memory_space<hbm>> -> memref<80x128xf32, #tpu.memory_space<hbm>>
      %dma_start3A_131 = arith.constant 0 : i32
      %dma_start3A_132 = tpu.memref_slice %arg4[%add3A_128, %dma_start3A_131] : memref<256000x128xf32, #tpu.memory_space<hbm>> -> memref<80x128xf32, #tpu.memory_space<hbm>>
      tpu.enqueue_dma source(%arg7 : memref<80x128xf32, #tpu.memory_space<vmem>>) target(%dma_start3A_132 : memref<80x128xf32, #tpu.memory_space<hbm>>) target_semaphore(%arg15 : memref<!tpu.dma_semaphore, #tpu.memory_space<semaphore_mem>>)
      %add3A_133 = arith.constant 2 : i32
      %add3A_134 = arith.addi %add3A_98, %add3A_133 : i32
      %mul3A_135 = arith.constant 80 : i32
      %mul3A_136 = arith.muli %add3A_134, %mul3A_135 : i32
      %dma_wait3A_137 = tpu.memref_slice %arg5[%mul3A_136] : memref<8000xi32, #tpu.memory_space<vmem>> -> memref<80xi32, #tpu.memory_space<vmem>>
      %dma_wait3A_138 = arith.constant 0 : i32
      %dma_wait3A_139 = arith.constant 0 : i32
      %dma_wait3A_140 = tpu.memref_slice %arg2[%dma_wait3A_138, %dma_wait3A_139] : memref<30000x128xf32, #tpu.memory_space<hbm>> -> memref<30000x128xf32, #tpu.memory_space<hbm>>
      tpu.wait_indirect_dma semaphore(%arg12 : memref<!tpu.dma_semaphore, #tpu.memory_space<semaphore_mem>>) src(%dma_wait3A_140 : memref<30000x128xf32, #tpu.memory_space<hbm>>) dst(%arg8 : memref<80x128xf32, #tpu.memory_space<vmem>>)
      %add3A_141 = arith.constant 2 : i32
      %add3A_142 = arith.addi %add3A_98, %add3A_141 : i32
      %mul3A_143 = arith.constant 80 : i32
      %mul3A_144 = arith.muli %add3A_142, %mul3A_143 : i32
      %add3A_145 = arith.addi %mul3A_2, %mul3A_144 : i32
      %dma_start3A_146 = arith.constant 0 : i32
      %dma_start3A_147 = tpu.memref_slice %arg4[%add3A_145, %dma_start3A_146] : memref<256000x128xf32, #tpu.memory_space<hbm>> -> memref<80x128xf32, #tpu.memory_space<hbm>>
      %dma_start3A_148 = arith.constant 0 : i32
      %dma_start3A_149 = tpu.memref_slice %arg4[%add3A_145, %dma_start3A_148] : memref<256000x128xf32, #tpu.memory_space<hbm>> -> memref<80x128xf32, #tpu.memory_space<hbm>>
      tpu.enqueue_dma source(%arg8 : memref<80x128xf32, #tpu.memory_space<vmem>>) target(%dma_start3A_149 : memref<80x128xf32, #tpu.memory_space<hbm>>) target_semaphore(%arg16 : memref<!tpu.dma_semaphore, #tpu.memory_space<semaphore_mem>>)
      %add3A_150 = arith.constant 3 : i32
      %add3A_151 = arith.addi %add3A_98, %add3A_150 : i32
      %mul3A_152 = arith.constant 80 : i32
      %mul3A_153 = arith.muli %add3A_151, %mul3A_152 : i32
      %dma_wait3A_154 = tpu.memref_slice %arg5[%mul3A_153] : memref<8000xi32, #tpu.memory_space<vmem>> -> memref<80xi32, #tpu.memory_space<vmem>>
      %dma_wait3A_155 = arith.constant 0 : i32
      %dma_wait3A_156 = arith.constant 0 : i32
      %dma_wait3A_157 = tpu.memref_slice %arg2[%dma_wait3A_155, %dma_wait3A_156] : memref<30000x128xf32, #tpu.memory_space<hbm>> -> memref<30000x128xf32, #tpu.memory_space<hbm>>
      tpu.wait_indirect_dma semaphore(%arg13 : memref<!tpu.dma_semaphore, #tpu.memory_space<semaphore_mem>>) src(%dma_wait3A_157 : memref<30000x128xf32, #tpu.memory_space<hbm>>) dst(%arg9 : memref<80x128xf32, #tpu.memory_space<vmem>>)
      %add3A_158 = arith.constant 3 : i32
      %add3A_159 = arith.addi %add3A_98, %add3A_158 : i32
      %mul3A_160 = arith.constant 80 : i32
      %mul3A_161 = arith.muli %add3A_159, %mul3A_160 : i32
      %add3A_162 = arith.addi %mul3A_2, %mul3A_161 : i32
      %dma_start3A_163 = arith.constant 0 : i32
      %dma_start3A_164 = tpu.memref_slice %arg4[%add3A_162, %dma_start3A_163] : memref<256000x128xf32, #tpu.memory_space<hbm>> -> memref<80x128xf32, #tpu.memory_space<hbm>>
      %dma_start3A_165 = arith.constant 0 : i32
      %dma_start3A_166 = tpu.memref_slice %arg4[%add3A_162, %dma_start3A_165] : memref<256000x128xf32, #tpu.memory_space<hbm>> -> memref<80x128xf32, #tpu.memory_space<hbm>>
      tpu.enqueue_dma source(%arg9 : memref<80x128xf32, #tpu.memory_space<vmem>>) target(%dma_start3A_166 : memref<80x128xf32, #tpu.memory_space<hbm>>) target_semaphore(%arg17 : memref<!tpu.dma_semaphore, #tpu.memory_space<semaphore_mem>>)
      %add3A_167 = arith.constant 0 : i32
      %add3A_168 = arith.addi %add3A_98, %add3A_167 : i32
      %mul3A_169 = arith.constant 80 : i32
      %mul3A_170 = arith.muli %add3A_168, %mul3A_169 : i32
      %add3A_171 = arith.addi %mul3A_2, %mul3A_170 : i32
      %dma_wait3A_172 = arith.constant 0 : i32
      %dma_wait3A_173 = tpu.memref_slice %arg4[%add3A_171, %dma_wait3A_172] : memref<256000x128xf32, #tpu.memory_space<hbm>> -> memref<80x128xf32, #tpu.memory_space<hbm>>
      %dma_wait3A_174 = arith.constant 0 : i32
      %dma_wait3A_175 = tpu.memref_slice %arg4[%add3A_171, %dma_wait3A_174] : memref<256000x128xf32, #tpu.memory_space<hbm>> -> memref<80x128xf32, #tpu.memory_space<hbm>>
      tpu.wait_dma2 semaphore(%arg14 : memref<!tpu.dma_semaphore, #tpu.memory_space<semaphore_mem>>) src(%arg6 : memref<80x128xf32, #tpu.memory_space<vmem>>) dst(%dma_wait3A_175 : memref<80x128xf32, #tpu.memory_space<hbm>>)
      %add3A_176 = arith.constant 0 : i32
      %add3A_177 = arith.addi %add3A_98, %add3A_176 : i32
      %add3A_178 = arith.constant 4 : i32
      %add3A_179 = arith.addi %add3A_177, %add3A_178 : i32
      %mul3A_180 = arith.constant 80 : i32
      %mul3A_181 = arith.muli %add3A_179, %mul3A_180 : i32
      %dma_start3A_182 = tpu.memref_slice %arg5[%mul3A_181] : memref<8000xi32, #tpu.memory_space<vmem>> -> memref<80xi32, #tpu.memory_space<vmem>>
      %dma_start3A_183 = arith.constant 0 : i32
      %dma_start3A_184 = arith.constant 0 : i32
      %dma_start3A_185 = tpu.memref_slice %arg2[%dma_start3A_183, %dma_start3A_184] : memref<30000x128xf32, #tpu.memory_space<hbm>> -> memref<30000x128xf32, #tpu.memory_space<hbm>>
      tpu.enqueue_indirect_dma source(%dma_start3A_185 : memref<30000x128xf32, #tpu.memory_space<hbm>>) target(%arg6 : memref<80x128xf32, #tpu.memory_space<vmem>>) offsets(%dma_start3A_182 : memref<80xi32, #tpu.memory_space<vmem>>) semaphore(%arg10 : memref<!tpu.dma_semaphore, #tpu.memory_space<semaphore_mem>>)
      %add3A_186 = arith.constant 1 : i32
      %add3A_187 = arith.addi %add3A_98, %add3A_186 : i32
      %mul3A_188 = arith.constant 80 : i32
      %mul3A_189 = arith.muli %add3A_187, %mul3A_188 : i32
      %add3A_190 = arith.addi %mul3A_2, %mul3A_189 : i32
      %dma_wait3A_191 = arith.constant 0 : i32
      %dma_wait3A_192 = tpu.memref_slice %arg4[%add3A_190, %dma_wait3A_191] : memref<256000x128xf32, #tpu.memory_space<hbm>> -> memref<80x128xf32, #tpu.memory_space<hbm>>
      %dma_wait3A_193 = arith.constant 0 : i32
      %dma_wait3A_194 = tpu.memref_slice %arg4[%add3A_190, %dma_wait3A_193] : memref<256000x128xf32, #tpu.memory_space<hbm>> -> memref<80x128xf32, #tpu.memory_space<hbm>>
      tpu.wait_dma2 semaphore(%arg15 : memref<!tpu.dma_semaphore, #tpu.memory_space<semaphore_mem>>) src(%arg7 : memref<80x128xf32, #tpu.memory_space<vmem>>) dst(%dma_wait3A_194 : memref<80x128xf32, #tpu.memory_space<hbm>>)
      %add3A_195 = arith.constant 1 : i32
      %add3A_196 = arith.addi %add3A_98, %add3A_195 : i32
      %add3A_197 = arith.constant 4 : i32
      %add3A_198 = arith.addi %add3A_196, %add3A_197 : i32
      %mul3A_199 = arith.constant 80 : i32
      %mul3A_200 = arith.muli %add3A_198, %mul3A_199 : i32
      %dma_start3A_201 = tpu.memref_slice %arg5[%mul3A_200] : memref<8000xi32, #tpu.memory_space<vmem>> -> memref<80xi32, #tpu.memory_space<vmem>>
      %dma_start3A_202 = arith.constant 0 : i32
      %dma_start3A_203 = arith.constant 0 : i32
      %dma_start3A_204 = tpu.memref_slice %arg2[%dma_start3A_202, %dma_start3A_203] : memref<30000x128xf32, #tpu.memory_space<hbm>> -> memref<30000x128xf32, #tpu.memory_space<hbm>>
      tpu.enqueue_indirect_dma source(%dma_start3A_204 : memref<30000x128xf32, #tpu.memory_space<hbm>>) target(%arg7 : memref<80x128xf32, #tpu.memory_space<vmem>>) offsets(%dma_start3A_201 : memref<80xi32, #tpu.memory_space<vmem>>) semaphore(%arg11 : memref<!tpu.dma_semaphore, #tpu.memory_space<semaphore_mem>>)
      %add3A_205 = arith.constant 2 : i32
      %add3A_206 = arith.addi %add3A_98, %add3A_205 : i32
      %mul3A_207 = arith.constant 80 : i32
      %mul3A_208 = arith.muli %add3A_206, %mul3A_207 : i32
      %add3A_209 = arith.addi %mul3A_2, %mul3A_208 : i32
      %dma_wait3A_210 = arith.constant 0 : i32
      %dma_wait3A_211 = tpu.memref_slice %arg4[%add3A_209, %dma_wait3A_210] : memref<256000x128xf32, #tpu.memory_space<hbm>> -> memref<80x128xf32, #tpu.memory_space<hbm>>
      %dma_wait3A_212 = arith.constant 0 : i32
      %dma_wait3A_213 = tpu.memref_slice %arg4[%add3A_209, %dma_wait3A_212] : memref<256000x128xf32, #tpu.memory_space<hbm>> -> memref<80x128xf32, #tpu.memory_space<hbm>>
      tpu.wait_dma2 semaphore(%arg16 : memref<!tpu.dma_semaphore, #tpu.memory_space<semaphore_mem>>) src(%arg8 : memref<80x128xf32, #tpu.memory_space<vmem>>) dst(%dma_wait3A_213 : memref<80x128xf32, #tpu.memory_space<hbm>>)
      %add3A_214 = arith.constant 2 : i32
      %add3A_215 = arith.addi %add3A_98, %add3A_214 : i32
      %add3A_216 = arith.constant 4 : i32
      %add3A_217 = arith.addi %add3A_215, %add3A_216 : i32
      %mul3A_218 = arith.constant 80 : i32
      %mul3A_219 = arith.muli %add3A_217, %mul3A_218 : i32
      %dma_start3A_220 = tpu.memref_slice %arg5[%mul3A_219] : memref<8000xi32, #tpu.memory_space<vmem>> -> memref<80xi32, #tpu.memory_space<vmem>>
      %dma_start3A_221 = arith.constant 0 : i32
      %dma_start3A_222 = arith.constant 0 : i32
      %dma_start3A_223 = tpu.memref_slice %arg2[%dma_start3A_221, %dma_start3A_222] : memref<30000x128xf32, #tpu.memory_space<hbm>> -> memref<30000x128xf32, #tpu.memory_space<hbm>>
      tpu.enqueue_indirect_dma source(%dma_start3A_223 : memref<30000x128xf32, #tpu.memory_space<hbm>>) target(%arg8 : memref<80x128xf32, #tpu.memory_space<vmem>>) offsets(%dma_start3A_220 : memref<80xi32, #tpu.memory_space<vmem>>) semaphore(%arg12 : memref<!tpu.dma_semaphore, #tpu.memory_space<semaphore_mem>>)
      %add3A_224 = arith.constant 3 : i32
      %add3A_225 = arith.addi %add3A_98, %add3A_224 : i32
      %mul3A_226 = arith.constant 80 : i32
      %mul3A_227 = arith.muli %add3A_225, %mul3A_226 : i32
      %add3A_228 = arith.addi %mul3A_2, %mul3A_227 : i32
      %dma_wait3A_229 = arith.constant 0 : i32
      %dma_wait3A_230 = tpu.memref_slice %arg4[%add3A_228, %dma_wait3A_229] : memref<256000x128xf32, #tpu.memory_space<hbm>> -> memref<80x128xf32, #tpu.memory_space<hbm>>
      %dma_wait3A_231 = arith.constant 0 : i32
      %dma_wait3A_232 = tpu.memref_slice %arg4[%add3A_228, %dma_wait3A_231] : memref<256000x128xf32, #tpu.memory_space<hbm>> -> memref<80x128xf32, #tpu.memory_space<hbm>>
      tpu.wait_dma2 semaphore(%arg17 : memref<!tpu.dma_semaphore, #tpu.memory_space<semaphore_mem>>) src(%arg9 : memref<80x128xf32, #tpu.memory_space<vmem>>) dst(%dma_wait3A_232 : memref<80x128xf32, #tpu.memory_space<hbm>>)
      %add3A_233 = arith.constant 3 : i32
      %add3A_234 = arith.addi %add3A_98, %add3A_233 : i32
      %add3A_235 = arith.constant 4 : i32
      %add3A_236 = arith.addi %add3A_234, %add3A_235 : i32
      %mul3A_237 = arith.constant 80 : i32
      %mul3A_238 = arith.muli %add3A_236, %mul3A_237 : i32
      %dma_start3A_239 = tpu.memref_slice %arg5[%mul3A_238] : memref<8000xi32, #tpu.memory_space<vmem>> -> memref<80xi32, #tpu.memory_space<vmem>>
      %dma_start3A_240 = arith.constant 0 : i32
      %dma_start3A_241 = arith.constant 0 : i32
      %dma_start3A_242 = tpu.memref_slice %arg2[%dma_start3A_240, %dma_start3A_241] : memref<30000x128xf32, #tpu.memory_space<hbm>> -> memref<30000x128xf32, #tpu.memory_space<hbm>>
      tpu.enqueue_indirect_dma source(%dma_start3A_242 : memref<30000x128xf32, #tpu.memory_space<hbm>>) target(%arg9 : memref<80x128xf32, #tpu.memory_space<vmem>>) offsets(%dma_start3A_239 : memref<80xi32, #tpu.memory_space<vmem>>) semaphore(%arg13 : memref<!tpu.dma_semaphore, #tpu.memory_space<semaphore_mem>>)
    }
    %scan3A_26 = arith.constant 24 : i32
    %dma_wait3A = arith.constant 7680 : i32
    %dma_wait3A_27 = tpu.memref_slice %arg5[%dma_wait3A] : memref<8000xi32, #tpu.memory_space<vmem>> -> memref<80xi32, #tpu.memory_space<vmem>>
    %dma_wait3A_28 = arith.constant 0 : i32
    %dma_wait3A_29 = arith.constant 0 : i32
    %dma_wait3A_30 = tpu.memref_slice %arg2[%dma_wait3A_28, %dma_wait3A_29] : memref<30000x128xf32, #tpu.memory_space<hbm>> -> memref<30000x128xf32, #tpu.memory_space<hbm>>
    tpu.wait_indirect_dma semaphore(%arg10 : memref<!tpu.dma_semaphore, #tpu.memory_space<semaphore_mem>>) src(%dma_wait3A_30 : memref<30000x128xf32, #tpu.memory_space<hbm>>) dst(%arg6 : memref<80x128xf32, #tpu.memory_space<vmem>>)
    %add3A_31 = arith.constant 7680 : i32
    %add3A_32 = arith.addi %mul3A_2, %add3A_31 : i32
    %dma_start3A_33 = arith.constant 0 : i32
    %dma_start3A_34 = tpu.memref_slice %arg4[%add3A_32, %dma_start3A_33] : memref<256000x128xf32, #tpu.memory_space<hbm>> -> memref<80x128xf32, #tpu.memory_space<hbm>>
    %dma_start3A_35 = arith.constant 0 : i32
    %dma_start3A_36 = tpu.memref_slice %arg4[%add3A_32, %dma_start3A_35] : memref<256000x128xf32, #tpu.memory_space<hbm>> -> memref<80x128xf32, #tpu.memory_space<hbm>>
    tpu.enqueue_dma source(%arg6 : memref<80x128xf32, #tpu.memory_space<vmem>>) target(%dma_start3A_36 : memref<80x128xf32, #tpu.memory_space<hbm>>) target_semaphore(%arg14 : memref<!tpu.dma_semaphore, #tpu.memory_space<semaphore_mem>>)
    %dma_wait3A_37 = arith.constant 7760 : i32
    %dma_wait3A_38 = tpu.memref_slice %arg5[%dma_wait3A_37] : memref<8000xi32, #tpu.memory_space<vmem>> -> memref<80xi32, #tpu.memory_space<vmem>>
    %dma_wait3A_39 = arith.constant 0 : i32
    %dma_wait3A_40 = arith.constant 0 : i32
    %dma_wait3A_41 = tpu.memref_slice %arg2[%dma_wait3A_39, %dma_wait3A_40] : memref<30000x128xf32, #tpu.memory_space<hbm>> -> memref<30000x128xf32, #tpu.memory_space<hbm>>
    tpu.wait_indirect_dma semaphore(%arg11 : memref<!tpu.dma_semaphore, #tpu.memory_space<semaphore_mem>>) src(%dma_wait3A_41 : memref<30000x128xf32, #tpu.memory_space<hbm>>) dst(%arg7 : memref<80x128xf32, #tpu.memory_space<vmem>>)
    %add3A_42 = arith.constant 7760 : i32
    %add3A_43 = arith.addi %mul3A_2, %add3A_42 : i32
    %dma_start3A_44 = arith.constant 0 : i32
    %dma_start3A_45 = tpu.memref_slice %arg4[%add3A_43, %dma_start3A_44] : memref<256000x128xf32, #tpu.memory_space<hbm>> -> memref<80x128xf32, #tpu.memory_space<hbm>>
    %dma_start3A_46 = arith.constant 0 : i32
    %dma_start3A_47 = tpu.memref_slice %arg4[%add3A_43, %dma_start3A_46] : memref<256000x128xf32, #tpu.memory_space<hbm>> -> memref<80x128xf32, #tpu.memory_space<hbm>>
    tpu.enqueue_dma source(%arg7 : memref<80x128xf32, #tpu.memory_space<vmem>>) target(%dma_start3A_47 : memref<80x128xf32, #tpu.memory_space<hbm>>) target_semaphore(%arg15 : memref<!tpu.dma_semaphore, #tpu.memory_space<semaphore_mem>>)
    %dma_wait3A_48 = arith.constant 7840 : i32
    %dma_wait3A_49 = tpu.memref_slice %arg5[%dma_wait3A_48] : memref<8000xi32, #tpu.memory_space<vmem>> -> memref<80xi32, #tpu.memory_space<vmem>>
    %dma_wait3A_50 = arith.constant 0 : i32
    %dma_wait3A_51 = arith.constant 0 : i32
    %dma_wait3A_52 = tpu.memref_slice %arg2[%dma_wait3A_50, %dma_wait3A_51] : memref<30000x128xf32, #tpu.memory_space<hbm>> -> memref<30000x128xf32, #tpu.memory_space<hbm>>
    tpu.wait_indirect_dma semaphore(%arg12 : memref<!tpu.dma_semaphore, #tpu.memory_space<semaphore_mem>>) src(%dma_wait3A_52 : memref<30000x128xf32, #tpu.memory_space<hbm>>) dst(%arg8 : memref<80x128xf32, #tpu.memory_space<vmem>>)
    %add3A_53 = arith.constant 7840 : i32
    %add3A_54 = arith.addi %mul3A_2, %add3A_53 : i32
    %dma_start3A_55 = arith.constant 0 : i32
    %dma_start3A_56 = tpu.memref_slice %arg4[%add3A_54, %dma_start3A_55] : memref<256000x128xf32, #tpu.memory_space<hbm>> -> memref<80x128xf32, #tpu.memory_space<hbm>>
    %dma_start3A_57 = arith.constant 0 : i32
    %dma_start3A_58 = tpu.memref_slice %arg4[%add3A_54, %dma_start3A_57] : memref<256000x128xf32, #tpu.memory_space<hbm>> -> memref<80x128xf32, #tpu.memory_space<hbm>>
    tpu.enqueue_dma source(%arg8 : memref<80x128xf32, #tpu.memory_space<vmem>>) target(%dma_start3A_58 : memref<80x128xf32, #tpu.memory_space<hbm>>) target_semaphore(%arg16 : memref<!tpu.dma_semaphore, #tpu.memory_space<semaphore_mem>>)
    %dma_wait3A_59 = arith.constant 7920 : i32
    %dma_wait3A_60 = tpu.memref_slice %arg5[%dma_wait3A_59] : memref<8000xi32, #tpu.memory_space<vmem>> -> memref<80xi32, #tpu.memory_space<vmem>>
    %dma_wait3A_61 = arith.constant 0 : i32
    %dma_wait3A_62 = arith.constant 0 : i32
    %dma_wait3A_63 = tpu.memref_slice %arg2[%dma_wait3A_61, %dma_wait3A_62] : memref<30000x128xf32, #tpu.memory_space<hbm>> -> memref<30000x128xf32, #tpu.memory_space<hbm>>
    tpu.wait_indirect_dma semaphore(%arg13 : memref<!tpu.dma_semaphore, #tpu.memory_space<semaphore_mem>>) src(%dma_wait3A_63 : memref<30000x128xf32, #tpu.memory_space<hbm>>) dst(%arg9 : memref<80x128xf32, #tpu.memory_space<vmem>>)
    %add3A_64 = arith.constant 7920 : i32
    %add3A_65 = arith.addi %mul3A_2, %add3A_64 : i32
    %dma_start3A_66 = arith.constant 0 : i32
    %dma_start3A_67 = tpu.memref_slice %arg4[%add3A_65, %dma_start3A_66] : memref<256000x128xf32, #tpu.memory_space<hbm>> -> memref<80x128xf32, #tpu.memory_space<hbm>>
    %dma_start3A_68 = arith.constant 0 : i32
    %dma_start3A_69 = tpu.memref_slice %arg4[%add3A_65, %dma_start3A_68] : memref<256000x128xf32, #tpu.memory_space<hbm>> -> memref<80x128xf32, #tpu.memory_space<hbm>>
    tpu.enqueue_dma source(%arg9 : memref<80x128xf32, #tpu.memory_space<vmem>>) target(%dma_start3A_69 : memref<80x128xf32, #tpu.memory_space<hbm>>) target_semaphore(%arg17 : memref<!tpu.dma_semaphore, #tpu.memory_space<semaphore_mem>>)
    %add3A_70 = arith.constant 7680 : i32
    %add3A_71 = arith.addi %mul3A_2, %add3A_70 : i32
    %dma_wait3A_72 = arith.constant 0 : i32
    %dma_wait3A_73 = tpu.memref_slice %arg4[%add3A_71, %dma_wait3A_72] : memref<256000x128xf32, #tpu.memory_space<hbm>> -> memref<80x128xf32, #tpu.memory_space<hbm>>
    %dma_wait3A_74 = arith.constant 0 : i32
    %dma_wait3A_75 = tpu.memref_slice %arg4[%add3A_71, %dma_wait3A_74] : memref<256000x128xf32, #tpu.memory_space<hbm>> -> memref<80x128xf32, #tpu.memory_space<hbm>>
    tpu.wait_dma2 semaphore(%arg14 : memref<!tpu.dma_semaphore, #tpu.memory_space<semaphore_mem>>) src(%arg6 : memref<80x128xf32, #tpu.memory_space<vmem>>) dst(%dma_wait3A_75 : memref<80x128xf32, #tpu.memory_space<hbm>>)
    %add3A_76 = arith.constant 7760 : i32
    %add3A_77 = arith.addi %mul3A_2, %add3A_76 : i32
    %dma_wait3A_78 = arith.constant 0 : i32
    %dma_wait3A_79 = tpu.memref_slice %arg4[%add3A_77, %dma_wait3A_78] : memref<256000x128xf32, #tpu.memory_space<hbm>> -> memref<80x128xf32, #tpu.memory_space<hbm>>
    %dma_wait3A_80 = arith.constant 0 : i32
    %dma_wait3A_81 = tpu.memref_slice %arg4[%add3A_77, %dma_wait3A_80] : memref<256000x128xf32, #tpu.memory_space<hbm>> -> memref<80x128xf32, #tpu.memory_space<hbm>>
    tpu.wait_dma2 semaphore(%arg15 : memref<!tpu.dma_semaphore, #tpu.memory_space<semaphore_mem>>) src(%arg7 : memref<80x128xf32, #tpu.memory_space<vmem>>) dst(%dma_wait3A_81 : memref<80x128xf32, #tpu.memory_space<hbm>>)
    %add3A_82 = arith.constant 7840 : i32
    %add3A_83 = arith.addi %mul3A_2, %add3A_82 : i32
    %dma_wait3A_84 = arith.constant 0 : i32
    %dma_wait3A_85 = tpu.memref_slice %arg4[%add3A_83, %dma_wait3A_84] : memref<256000x128xf32, #tpu.memory_space<hbm>> -> memref<80x128xf32, #tpu.memory_space<hbm>>
    %dma_wait3A_86 = arith.constant 0 : i32
    %dma_wait3A_87 = tpu.memref_slice %arg4[%add3A_83, %dma_wait3A_86] : memref<256000x128xf32, #tpu.memory_space<hbm>> -> memref<80x128xf32, #tpu.memory_space<hbm>>
    tpu.wait_dma2 semaphore(%arg16 : memref<!tpu.dma_semaphore, #tpu.memory_space<semaphore_mem>>) src(%arg8 : memref<80x128xf32, #tpu.memory_space<vmem>>) dst(%dma_wait3A_87 : memref<80x128xf32, #tpu.memory_space<hbm>>)
    %add3A_88 = arith.constant 7920 : i32
    %add3A_89 = arith.addi %mul3A_2, %add3A_88 : i32
    %dma_wait3A_90 = arith.constant 0 : i32
    %dma_wait3A_91 = tpu.memref_slice %arg4[%add3A_89, %dma_wait3A_90] : memref<256000x128xf32, #tpu.memory_space<hbm>> -> memref<80x128xf32, #tpu.memory_space<hbm>>
    %dma_wait3A_92 = arith.constant 0 : i32
    %dma_wait3A_93 = tpu.memref_slice %arg4[%add3A_89, %dma_wait3A_92] : memref<256000x128xf32, #tpu.memory_space<hbm>> -> memref<80x128xf32, #tpu.memory_space<hbm>>
    tpu.wait_dma2 semaphore(%arg17 : memref<!tpu.dma_semaphore, #tpu.memory_space<semaphore_mem>>) src(%arg9 : memref<80x128xf32, #tpu.memory_space<vmem>>) dst(%dma_wait3A_93 : memref<80x128xf32, #tpu.memory_space<hbm>>)
    return
  }
}

#map = affine_map<(d0, d1) -> (0, 0)>
#map1 = affine_map<(d0, d1) -> (0)>
module attributes {stable_mosaic.version = 14 : i64} {
  func.func @gather_k(%arg0: i32, %arg1: i32, %arg2: memref<30000x128xf32, #tpu.memory_space<hbm>>, %arg3: memref<320000xi32, #tpu.memory_space<hbm>>, %arg4: memref<320000x128xf32, #tpu.memory_space<hbm>>, %arg5: memref<10000xi32, #tpu.memory_space<vmem>>, %arg6: memref<80x128xf32, #tpu.memory_space<vmem>>, %arg7: memref<80x128xf32, #tpu.memory_space<vmem>>, %arg8: memref<80x128xf32, #tpu.memory_space<vmem>>, %arg9: memref<80x128xf32, #tpu.memory_space<vmem>>, %arg10: memref<!tpu.dma_semaphore, #tpu.memory_space<semaphore_mem>>, %arg11: memref<!tpu.dma_semaphore, #tpu.memory_space<semaphore_mem>>, %arg12: memref<!tpu.dma_semaphore, #tpu.memory_space<semaphore_mem>>, %arg13: memref<!tpu.dma_semaphore, #tpu.memory_space<semaphore_mem>>, %arg14: memref<!tpu.dma_semaphore, #tpu.memory_space<semaphore_mem>>, %arg15: memref<!tpu.dma_semaphore, #tpu.memory_space<semaphore_mem>>, %arg16: memref<!tpu.dma_semaphore, #tpu.memory_space<semaphore_mem>>, %arg17: memref<!tpu.dma_semaphore, #tpu.memory_space<semaphore_mem>>) attributes {dimension_semantics = [#tpu.dimension_semantics<core_parallel>, #tpu.dimension_semantics<subcore_parallel>], iteration_bounds = array<i64: 2, 16>, scalar_prefetch = 0 : i64, scratch_operands = 13 : i64, tpu.core_type = #tpu.core_type<sc_vector_subcore>, window_params = [{transform_indices = #map}, {transform_indices = #map1}, {transform_indices = #map}]} {
    %mul3A = arith.constant 2 : i32
    %mul3A_0 = arith.muli %arg1, %mul3A : i32
    %add3A = arith.addi %mul3A_0, %arg0 : i32
    %mul3A_1 = arith.constant 10000 : i32
    %mul3A_2 = arith.muli %add3A, %mul3A_1 : i32
    "tpu.region"() ({
      %run_scoped3A = tpu.sem_alloc : memref<!tpu.dma_semaphore, #tpu.memory_space<semaphore_mem>>
      %dma_start3A_116 = tpu.memref_slice %arg3[%mul3A_2] : memref<320000xi32, #tpu.memory_space<hbm>> -> memref<10000xi32, #tpu.memory_space<hbm>>
      %dma_start3A_117 = tpu.memref_slice %arg3[%mul3A_2] : memref<320000xi32, #tpu.memory_space<hbm>> -> memref<10000xi32, #tpu.memory_space<hbm>>
      tpu.enqueue_dma source(%dma_start3A_117 : memref<10000xi32, #tpu.memory_space<hbm>>) target(%arg5 : memref<10000xi32, #tpu.memory_space<vmem>>) target_semaphore(%run_scoped3A : memref<!tpu.dma_semaphore, #tpu.memory_space<semaphore_mem>>)
      %dma_wait3A_118 = tpu.memref_slice %arg3[%mul3A_2] : memref<320000xi32, #tpu.memory_space<hbm>> -> memref<10000xi32, #tpu.memory_space<hbm>>
      %dma_wait3A_119 = tpu.memref_slice %arg3[%mul3A_2] : memref<320000xi32, #tpu.memory_space<hbm>> -> memref<10000xi32, #tpu.memory_space<hbm>>
      tpu.wait_dma2 semaphore(%run_scoped3A : memref<!tpu.dma_semaphore, #tpu.memory_space<semaphore_mem>>) src(%dma_wait3A_119 : memref<10000xi32, #tpu.memory_space<hbm>>) dst(%arg5 : memref<10000xi32, #tpu.memory_space<vmem>>)
      tpu.yield
    }) : () -> ()
    %dma_start3A = arith.constant 0 : i32
    %dma_start3A_3 = tpu.memref_slice %arg5[%dma_start3A] : memref<10000xi32, #tpu.memory_space<vmem>> -> memref<80xi32, #tpu.memory_space<vmem>>
    %dma_start3A_4 = arith.constant 0 : i32
    %dma_start3A_5 = arith.constant 0 : i32
    %dma_start3A_6 = tpu.memref_slice %arg2[%dma_start3A_4, %dma_start3A_5] : memref<30000x128xf32, #tpu.memory_space<hbm>> -> memref<30000x128xf32, #tpu.memory_space<hbm>>
    tpu.enqueue_indirect_dma source(%dma_start3A_6 : memref<30000x128xf32, #tpu.memory_space<hbm>>) target(%arg6 : memref<80x128xf32, #tpu.memory_space<vmem>>) offsets(%dma_start3A_3 : memref<80xi32, #tpu.memory_space<vmem>>) semaphore(%arg10 : memref<!tpu.dma_semaphore, #tpu.memory_space<semaphore_mem>>)
    %dma_wait3A = arith.constant 0 : i32
    %dma_wait3A_7 = tpu.memref_slice %arg5[%dma_wait3A] : memref<10000xi32, #tpu.memory_space<vmem>> -> memref<80xi32, #tpu.memory_space<vmem>>
    %dma_wait3A_8 = arith.constant 0 : i32
    %dma_wait3A_9 = arith.constant 0 : i32
    %dma_wait3A_10 = tpu.memref_slice %arg2[%dma_wait3A_8, %dma_wait3A_9] : memref<30000x128xf32, #tpu.memory_space<hbm>> -> memref<30000x128xf32, #tpu.memory_space<hbm>>
    tpu.wait_indirect_dma semaphore(%arg10 : memref<!tpu.dma_semaphore, #tpu.memory_space<semaphore_mem>>) src(%dma_wait3A_10 : memref<30000x128xf32, #tpu.memory_space<hbm>>) dst(%arg6 : memref<80x128xf32, #tpu.memory_space<vmem>>)
    %add3A_11 = arith.constant 0 : i32
    %add3A_12 = arith.addi %mul3A_2, %add3A_11 : i32
    %dma_start3A_13 = arith.constant 0 : i32
    %dma_start3A_14 = tpu.memref_slice %arg4[%add3A_12, %dma_start3A_13] : memref<320000x128xf32, #tpu.memory_space<hbm>> -> memref<80x128xf32, #tpu.memory_space<hbm>>
    %dma_start3A_15 = arith.constant 0 : i32
    %dma_start3A_16 = tpu.memref_slice %arg4[%add3A_12, %dma_start3A_15] : memref<320000x128xf32, #tpu.memory_space<hbm>> -> memref<80x128xf32, #tpu.memory_space<hbm>>
    tpu.enqueue_dma source(%arg6 : memref<80x128xf32, #tpu.memory_space<vmem>>) target(%dma_start3A_16 : memref<80x128xf32, #tpu.memory_space<hbm>>) target_semaphore(%arg14 : memref<!tpu.dma_semaphore, #tpu.memory_space<semaphore_mem>>)
    %add3A_17 = arith.constant 0 : i32
    %add3A_18 = arith.addi %mul3A_2, %add3A_17 : i32
    %dma_wait3A_19 = arith.constant 0 : i32
    %dma_wait3A_20 = tpu.memref_slice %arg4[%add3A_18, %dma_wait3A_19] : memref<320000x128xf32, #tpu.memory_space<hbm>> -> memref<80x128xf32, #tpu.memory_space<hbm>>
    %dma_wait3A_21 = arith.constant 0 : i32
    %dma_wait3A_22 = tpu.memref_slice %arg4[%add3A_18, %dma_wait3A_21] : memref<320000x128xf32, #tpu.memory_space<hbm>> -> memref<80x128xf32, #tpu.memory_space<hbm>>
    tpu.wait_dma2 semaphore(%arg14 : memref<!tpu.dma_semaphore, #tpu.memory_space<semaphore_mem>>) src(%arg6 : memref<80x128xf32, #tpu.memory_space<vmem>>) dst(%dma_wait3A_22 : memref<80x128xf32, #tpu.memory_space<hbm>>)
    %dma_start3A_23 = arith.constant 80 : i32
    %dma_start3A_24 = tpu.memref_slice %arg5[%dma_start3A_23] : memref<10000xi32, #tpu.memory_space<vmem>> -> memref<80xi32, #tpu.memory_space<vmem>>
    %dma_start3A_25 = arith.constant 0 : i32
    %dma_start3A_26 = arith.constant 0 : i32
    %dma_start3A_27 = tpu.memref_slice %arg2[%dma_start3A_25, %dma_start3A_26] : memref<30000x128xf32, #tpu.memory_space<hbm>> -> memref<30000x128xf32, #tpu.memory_space<hbm>>
    tpu.enqueue_indirect_dma source(%dma_start3A_27 : memref<30000x128xf32, #tpu.memory_space<hbm>>) target(%arg6 : memref<80x128xf32, #tpu.memory_space<vmem>>) offsets(%dma_start3A_24 : memref<80xi32, #tpu.memory_space<vmem>>) semaphore(%arg10 : memref<!tpu.dma_semaphore, #tpu.memory_space<semaphore_mem>>)
    %dma_start3A_28 = arith.constant 160 : i32
    %dma_start3A_29 = tpu.memref_slice %arg5[%dma_start3A_28] : memref<10000xi32, #tpu.memory_space<vmem>> -> memref<80xi32, #tpu.memory_space<vmem>>
    %dma_start3A_30 = arith.constant 0 : i32
    %dma_start3A_31 = arith.constant 0 : i32
    %dma_start3A_32 = tpu.memref_slice %arg2[%dma_start3A_30, %dma_start3A_31] : memref<30000x128xf32, #tpu.memory_space<hbm>> -> memref<30000x128xf32, #tpu.memory_space<hbm>>
    tpu.enqueue_indirect_dma source(%dma_start3A_32 : memref<30000x128xf32, #tpu.memory_space<hbm>>) target(%arg7 : memref<80x128xf32, #tpu.memory_space<vmem>>) offsets(%dma_start3A_29 : memref<80xi32, #tpu.memory_space<vmem>>) semaphore(%arg11 : memref<!tpu.dma_semaphore, #tpu.memory_space<semaphore_mem>>)
    %dma_start3A_33 = arith.constant 240 : i32
    %dma_start3A_34 = tpu.memref_slice %arg5[%dma_start3A_33] : memref<10000xi32, #tpu.memory_space<vmem>> -> memref<80xi32, #tpu.memory_space<vmem>>
    %dma_start3A_35 = arith.constant 0 : i32
    %dma_start3A_36 = arith.constant 0 : i32
    %dma_start3A_37 = tpu.memref_slice %arg2[%dma_start3A_35, %dma_start3A_36] : memref<30000x128xf32, #tpu.memory_space<hbm>> -> memref<30000x128xf32, #tpu.memory_space<hbm>>
    tpu.enqueue_indirect_dma source(%dma_start3A_37 : memref<30000x128xf32, #tpu.memory_space<hbm>>) target(%arg8 : memref<80x128xf32, #tpu.memory_space<vmem>>) offsets(%dma_start3A_34 : memref<80xi32, #tpu.memory_space<vmem>>) semaphore(%arg12 : memref<!tpu.dma_semaphore, #tpu.memory_space<semaphore_mem>>)
    %dma_start3A_38 = arith.constant 320 : i32
    %dma_start3A_39 = tpu.memref_slice %arg5[%dma_start3A_38] : memref<10000xi32, #tpu.memory_space<vmem>> -> memref<80xi32, #tpu.memory_space<vmem>>
    %dma_start3A_40 = arith.constant 0 : i32
    %dma_start3A_41 = arith.constant 0 : i32
    %dma_start3A_42 = tpu.memref_slice %arg2[%dma_start3A_40, %dma_start3A_41] : memref<30000x128xf32, #tpu.memory_space<hbm>> -> memref<30000x128xf32, #tpu.memory_space<hbm>>
    tpu.enqueue_indirect_dma source(%dma_start3A_42 : memref<30000x128xf32, #tpu.memory_space<hbm>>) target(%arg9 : memref<80x128xf32, #tpu.memory_space<vmem>>) offsets(%dma_start3A_39 : memref<80xi32, #tpu.memory_space<vmem>>) semaphore(%arg13 : memref<!tpu.dma_semaphore, #tpu.memory_space<semaphore_mem>>)
    %scan3A = arith.constant 0 : i32
    %scan3A_43 = arith.constant 0 : i32
    %scan3A_44 = arith.constant 30 : i32
    %scan3A_45 = arith.addi %scan3A_43, %scan3A_44 : i32
    %scan3A_46 = arith.constant 1 : i32
    scf.for %scan3A_116 = %scan3A_43 to %scan3A_45 step %scan3A_46  : i32 {
      %mul3A_117 = arith.constant 4 : i32
      %mul3A_118 = arith.muli %mul3A_117, %scan3A_116 : i32
      %add3A_119 = arith.constant 1 : i32
      %add3A_120 = arith.addi %add3A_119, %mul3A_118 : i32
      %add3A_121 = arith.constant 0 : i32
      %add3A_122 = arith.addi %add3A_120, %add3A_121 : i32
      %mul3A_123 = arith.constant 80 : i32
      %mul3A_124 = arith.muli %add3A_122, %mul3A_123 : i32
      %dma_wait3A_125 = tpu.memref_slice %arg5[%mul3A_124] : memref<10000xi32, #tpu.memory_space<vmem>> -> memref<80xi32, #tpu.memory_space<vmem>>
      %dma_wait3A_126 = arith.constant 0 : i32
      %dma_wait3A_127 = arith.constant 0 : i32
      %dma_wait3A_128 = tpu.memref_slice %arg2[%dma_wait3A_126, %dma_wait3A_127] : memref<30000x128xf32, #tpu.memory_space<hbm>> -> memref<30000x128xf32, #tpu.memory_space<hbm>>
      tpu.wait_indirect_dma semaphore(%arg10 : memref<!tpu.dma_semaphore, #tpu.memory_space<semaphore_mem>>) src(%dma_wait3A_128 : memref<30000x128xf32, #tpu.memory_space<hbm>>) dst(%arg6 : memref<80x128xf32, #tpu.memory_space<vmem>>)
      %add3A_129 = arith.constant 0 : i32
      %add3A_130 = arith.addi %add3A_120, %add3A_129 : i32
      %mul3A_131 = arith.constant 80 : i32
      %mul3A_132 = arith.muli %add3A_130, %mul3A_131 : i32
      %add3A_133 = arith.addi %mul3A_2, %mul3A_132 : i32
      %dma_start3A_134 = arith.constant 0 : i32
      %dma_start3A_135 = tpu.memref_slice %arg4[%add3A_133, %dma_start3A_134] : memref<320000x128xf32, #tpu.memory_space<hbm>> -> memref<80x128xf32, #tpu.memory_space<hbm>>
      %dma_start3A_136 = arith.constant 0 : i32
      %dma_start3A_137 = tpu.memref_slice %arg4[%add3A_133, %dma_start3A_136] : memref<320000x128xf32, #tpu.memory_space<hbm>> -> memref<80x128xf32, #tpu.memory_space<hbm>>
      tpu.enqueue_dma source(%arg6 : memref<80x128xf32, #tpu.memory_space<vmem>>) target(%dma_start3A_137 : memref<80x128xf32, #tpu.memory_space<hbm>>) target_semaphore(%arg14 : memref<!tpu.dma_semaphore, #tpu.memory_space<semaphore_mem>>)
      %add3A_138 = arith.constant 1 : i32
      %add3A_139 = arith.addi %add3A_120, %add3A_138 : i32
      %mul3A_140 = arith.constant 80 : i32
      %mul3A_141 = arith.muli %add3A_139, %mul3A_140 : i32
      %dma_wait3A_142 = tpu.memref_slice %arg5[%mul3A_141] : memref<10000xi32, #tpu.memory_space<vmem>> -> memref<80xi32, #tpu.memory_space<vmem>>
      %dma_wait3A_143 = arith.constant 0 : i32
      %dma_wait3A_144 = arith.constant 0 : i32
      %dma_wait3A_145 = tpu.memref_slice %arg2[%dma_wait3A_143, %dma_wait3A_144] : memref<30000x128xf32, #tpu.memory_space<hbm>> -> memref<30000x128xf32, #tpu.memory_space<hbm>>
      tpu.wait_indirect_dma semaphore(%arg11 : memref<!tpu.dma_semaphore, #tpu.memory_space<semaphore_mem>>) src(%dma_wait3A_145 : memref<30000x128xf32, #tpu.memory_space<hbm>>) dst(%arg7 : memref<80x128xf32, #tpu.memory_space<vmem>>)
      %add3A_146 = arith.constant 1 : i32
      %add3A_147 = arith.addi %add3A_120, %add3A_146 : i32
      %mul3A_148 = arith.constant 80 : i32
      %mul3A_149 = arith.muli %add3A_147, %mul3A_148 : i32
      %add3A_150 = arith.addi %mul3A_2, %mul3A_149 : i32
      %dma_start3A_151 = arith.constant 0 : i32
      %dma_start3A_152 = tpu.memref_slice %arg4[%add3A_150, %dma_start3A_151] : memref<320000x128xf32, #tpu.memory_space<hbm>> -> memref<80x128xf32, #tpu.memory_space<hbm>>
      %dma_start3A_153 = arith.constant 0 : i32
      %dma_start3A_154 = tpu.memref_slice %arg4[%add3A_150, %dma_start3A_153] : memref<320000x128xf32, #tpu.memory_space<hbm>> -> memref<80x128xf32, #tpu.memory_space<hbm>>
      tpu.enqueue_dma source(%arg7 : memref<80x128xf32, #tpu.memory_space<vmem>>) target(%dma_start3A_154 : memref<80x128xf32, #tpu.memory_space<hbm>>) target_semaphore(%arg15 : memref<!tpu.dma_semaphore, #tpu.memory_space<semaphore_mem>>)
      %add3A_155 = arith.constant 2 : i32
      %add3A_156 = arith.addi %add3A_120, %add3A_155 : i32
      %mul3A_157 = arith.constant 80 : i32
      %mul3A_158 = arith.muli %add3A_156, %mul3A_157 : i32
      %dma_wait3A_159 = tpu.memref_slice %arg5[%mul3A_158] : memref<10000xi32, #tpu.memory_space<vmem>> -> memref<80xi32, #tpu.memory_space<vmem>>
      %dma_wait3A_160 = arith.constant 0 : i32
      %dma_wait3A_161 = arith.constant 0 : i32
      %dma_wait3A_162 = tpu.memref_slice %arg2[%dma_wait3A_160, %dma_wait3A_161] : memref<30000x128xf32, #tpu.memory_space<hbm>> -> memref<30000x128xf32, #tpu.memory_space<hbm>>
      tpu.wait_indirect_dma semaphore(%arg12 : memref<!tpu.dma_semaphore, #tpu.memory_space<semaphore_mem>>) src(%dma_wait3A_162 : memref<30000x128xf32, #tpu.memory_space<hbm>>) dst(%arg8 : memref<80x128xf32, #tpu.memory_space<vmem>>)
      %add3A_163 = arith.constant 2 : i32
      %add3A_164 = arith.addi %add3A_120, %add3A_163 : i32
      %mul3A_165 = arith.constant 80 : i32
      %mul3A_166 = arith.muli %add3A_164, %mul3A_165 : i32
      %add3A_167 = arith.addi %mul3A_2, %mul3A_166 : i32
      %dma_start3A_168 = arith.constant 0 : i32
      %dma_start3A_169 = tpu.memref_slice %arg4[%add3A_167, %dma_start3A_168] : memref<320000x128xf32, #tpu.memory_space<hbm>> -> memref<80x128xf32, #tpu.memory_space<hbm>>
      %dma_start3A_170 = arith.constant 0 : i32
      %dma_start3A_171 = tpu.memref_slice %arg4[%add3A_167, %dma_start3A_170] : memref<320000x128xf32, #tpu.memory_space<hbm>> -> memref<80x128xf32, #tpu.memory_space<hbm>>
      tpu.enqueue_dma source(%arg8 : memref<80x128xf32, #tpu.memory_space<vmem>>) target(%dma_start3A_171 : memref<80x128xf32, #tpu.memory_space<hbm>>) target_semaphore(%arg16 : memref<!tpu.dma_semaphore, #tpu.memory_space<semaphore_mem>>)
      %add3A_172 = arith.constant 3 : i32
      %add3A_173 = arith.addi %add3A_120, %add3A_172 : i32
      %mul3A_174 = arith.constant 80 : i32
      %mul3A_175 = arith.muli %add3A_173, %mul3A_174 : i32
      %dma_wait3A_176 = tpu.memref_slice %arg5[%mul3A_175] : memref<10000xi32, #tpu.memory_space<vmem>> -> memref<80xi32, #tpu.memory_space<vmem>>
      %dma_wait3A_177 = arith.constant 0 : i32
      %dma_wait3A_178 = arith.constant 0 : i32
      %dma_wait3A_179 = tpu.memref_slice %arg2[%dma_wait3A_177, %dma_wait3A_178] : memref<30000x128xf32, #tpu.memory_space<hbm>> -> memref<30000x128xf32, #tpu.memory_space<hbm>>
      tpu.wait_indirect_dma semaphore(%arg13 : memref<!tpu.dma_semaphore, #tpu.memory_space<semaphore_mem>>) src(%dma_wait3A_179 : memref<30000x128xf32, #tpu.memory_space<hbm>>) dst(%arg9 : memref<80x128xf32, #tpu.memory_space<vmem>>)
      %add3A_180 = arith.constant 3 : i32
      %add3A_181 = arith.addi %add3A_120, %add3A_180 : i32
      %mul3A_182 = arith.constant 80 : i32
      %mul3A_183 = arith.muli %add3A_181, %mul3A_182 : i32
      %add3A_184 = arith.addi %mul3A_2, %mul3A_183 : i32
      %dma_start3A_185 = arith.constant 0 : i32
      %dma_start3A_186 = tpu.memref_slice %arg4[%add3A_184, %dma_start3A_185] : memref<320000x128xf32, #tpu.memory_space<hbm>> -> memref<80x128xf32, #tpu.memory_space<hbm>>
      %dma_start3A_187 = arith.constant 0 : i32
      %dma_start3A_188 = tpu.memref_slice %arg4[%add3A_184, %dma_start3A_187] : memref<320000x128xf32, #tpu.memory_space<hbm>> -> memref<80x128xf32, #tpu.memory_space<hbm>>
      tpu.enqueue_dma source(%arg9 : memref<80x128xf32, #tpu.memory_space<vmem>>) target(%dma_start3A_188 : memref<80x128xf32, #tpu.memory_space<hbm>>) target_semaphore(%arg17 : memref<!tpu.dma_semaphore, #tpu.memory_space<semaphore_mem>>)
      %add3A_189 = arith.constant 0 : i32
      %add3A_190 = arith.addi %add3A_120, %add3A_189 : i32
      %mul3A_191 = arith.constant 80 : i32
      %mul3A_192 = arith.muli %add3A_190, %mul3A_191 : i32
      %add3A_193 = arith.addi %mul3A_2, %mul3A_192 : i32
      %dma_wait3A_194 = arith.constant 0 : i32
      %dma_wait3A_195 = tpu.memref_slice %arg4[%add3A_193, %dma_wait3A_194] : memref<320000x128xf32, #tpu.memory_space<hbm>> -> memref<80x128xf32, #tpu.memory_space<hbm>>
      %dma_wait3A_196 = arith.constant 0 : i32
      %dma_wait3A_197 = tpu.memref_slice %arg4[%add3A_193, %dma_wait3A_196] : memref<320000x128xf32, #tpu.memory_space<hbm>> -> memref<80x128xf32, #tpu.memory_space<hbm>>
      tpu.wait_dma2 semaphore(%arg14 : memref<!tpu.dma_semaphore, #tpu.memory_space<semaphore_mem>>) src(%arg6 : memref<80x128xf32, #tpu.memory_space<vmem>>) dst(%dma_wait3A_197 : memref<80x128xf32, #tpu.memory_space<hbm>>)
      %add3A_198 = arith.constant 0 : i32
      %add3A_199 = arith.addi %add3A_120, %add3A_198 : i32
      %add3A_200 = arith.constant 4 : i32
      %add3A_201 = arith.addi %add3A_199, %add3A_200 : i32
      %mul3A_202 = arith.constant 80 : i32
      %mul3A_203 = arith.muli %add3A_201, %mul3A_202 : i32
      %dma_start3A_204 = tpu.memref_slice %arg5[%mul3A_203] : memref<10000xi32, #tpu.memory_space<vmem>> -> memref<80xi32, #tpu.memory_space<vmem>>
      %dma_start3A_205 = arith.constant 0 : i32
      %dma_start3A_206 = arith.constant 0 : i32
      %dma_start3A_207 = tpu.memref_slice %arg2[%dma_start3A_205, %dma_start3A_206] : memref<30000x128xf32, #tpu.memory_space<hbm>> -> memref<30000x128xf32, #tpu.memory_space<hbm>>
      tpu.enqueue_indirect_dma source(%dma_start3A_207 : memref<30000x128xf32, #tpu.memory_space<hbm>>) target(%arg6 : memref<80x128xf32, #tpu.memory_space<vmem>>) offsets(%dma_start3A_204 : memref<80xi32, #tpu.memory_space<vmem>>) semaphore(%arg10 : memref<!tpu.dma_semaphore, #tpu.memory_space<semaphore_mem>>)
      %add3A_208 = arith.constant 1 : i32
      %add3A_209 = arith.addi %add3A_120, %add3A_208 : i32
      %mul3A_210 = arith.constant 80 : i32
      %mul3A_211 = arith.muli %add3A_209, %mul3A_210 : i32
      %add3A_212 = arith.addi %mul3A_2, %mul3A_211 : i32
      %dma_wait3A_213 = arith.constant 0 : i32
      %dma_wait3A_214 = tpu.memref_slice %arg4[%add3A_212, %dma_wait3A_213] : memref<320000x128xf32, #tpu.memory_space<hbm>> -> memref<80x128xf32, #tpu.memory_space<hbm>>
      %dma_wait3A_215 = arith.constant 0 : i32
      %dma_wait3A_216 = tpu.memref_slice %arg4[%add3A_212, %dma_wait3A_215] : memref<320000x128xf32, #tpu.memory_space<hbm>> -> memref<80x128xf32, #tpu.memory_space<hbm>>
      tpu.wait_dma2 semaphore(%arg15 : memref<!tpu.dma_semaphore, #tpu.memory_space<semaphore_mem>>) src(%arg7 : memref<80x128xf32, #tpu.memory_space<vmem>>) dst(%dma_wait3A_216 : memref<80x128xf32, #tpu.memory_space<hbm>>)
      %add3A_217 = arith.constant 1 : i32
      %add3A_218 = arith.addi %add3A_120, %add3A_217 : i32
      %add3A_219 = arith.constant 4 : i32
      %add3A_220 = arith.addi %add3A_218, %add3A_219 : i32
      %mul3A_221 = arith.constant 80 : i32
      %mul3A_222 = arith.muli %add3A_220, %mul3A_221 : i32
      %dma_start3A_223 = tpu.memref_slice %arg5[%mul3A_222] : memref<10000xi32, #tpu.memory_space<vmem>> -> memref<80xi32, #tpu.memory_space<vmem>>
      %dma_start3A_224 = arith.constant 0 : i32
      %dma_start3A_225 = arith.constant 0 : i32
      %dma_start3A_226 = tpu.memref_slice %arg2[%dma_start3A_224, %dma_start3A_225] : memref<30000x128xf32, #tpu.memory_space<hbm>> -> memref<30000x128xf32, #tpu.memory_space<hbm>>
      tpu.enqueue_indirect_dma source(%dma_start3A_226 : memref<30000x128xf32, #tpu.memory_space<hbm>>) target(%arg7 : memref<80x128xf32, #tpu.memory_space<vmem>>) offsets(%dma_start3A_223 : memref<80xi32, #tpu.memory_space<vmem>>) semaphore(%arg11 : memref<!tpu.dma_semaphore, #tpu.memory_space<semaphore_mem>>)
      %add3A_227 = arith.constant 2 : i32
      %add3A_228 = arith.addi %add3A_120, %add3A_227 : i32
      %mul3A_229 = arith.constant 80 : i32
      %mul3A_230 = arith.muli %add3A_228, %mul3A_229 : i32
      %add3A_231 = arith.addi %mul3A_2, %mul3A_230 : i32
      %dma_wait3A_232 = arith.constant 0 : i32
      %dma_wait3A_233 = tpu.memref_slice %arg4[%add3A_231, %dma_wait3A_232] : memref<320000x128xf32, #tpu.memory_space<hbm>> -> memref<80x128xf32, #tpu.memory_space<hbm>>
      %dma_wait3A_234 = arith.constant 0 : i32
      %dma_wait3A_235 = tpu.memref_slice %arg4[%add3A_231, %dma_wait3A_234] : memref<320000x128xf32, #tpu.memory_space<hbm>> -> memref<80x128xf32, #tpu.memory_space<hbm>>
      tpu.wait_dma2 semaphore(%arg16 : memref<!tpu.dma_semaphore, #tpu.memory_space<semaphore_mem>>) src(%arg8 : memref<80x128xf32, #tpu.memory_space<vmem>>) dst(%dma_wait3A_235 : memref<80x128xf32, #tpu.memory_space<hbm>>)
      %add3A_236 = arith.constant 2 : i32
      %add3A_237 = arith.addi %add3A_120, %add3A_236 : i32
      %add3A_238 = arith.constant 4 : i32
      %add3A_239 = arith.addi %add3A_237, %add3A_238 : i32
      %mul3A_240 = arith.constant 80 : i32
      %mul3A_241 = arith.muli %add3A_239, %mul3A_240 : i32
      %dma_start3A_242 = tpu.memref_slice %arg5[%mul3A_241] : memref<10000xi32, #tpu.memory_space<vmem>> -> memref<80xi32, #tpu.memory_space<vmem>>
      %dma_start3A_243 = arith.constant 0 : i32
      %dma_start3A_244 = arith.constant 0 : i32
      %dma_start3A_245 = tpu.memref_slice %arg2[%dma_start3A_243, %dma_start3A_244] : memref<30000x128xf32, #tpu.memory_space<hbm>> -> memref<30000x128xf32, #tpu.memory_space<hbm>>
      tpu.enqueue_indirect_dma source(%dma_start3A_245 : memref<30000x128xf32, #tpu.memory_space<hbm>>) target(%arg8 : memref<80x128xf32, #tpu.memory_space<vmem>>) offsets(%dma_start3A_242 : memref<80xi32, #tpu.memory_space<vmem>>) semaphore(%arg12 : memref<!tpu.dma_semaphore, #tpu.memory_space<semaphore_mem>>)
      %add3A_246 = arith.constant 3 : i32
      %add3A_247 = arith.addi %add3A_120, %add3A_246 : i32
      %mul3A_248 = arith.constant 80 : i32
      %mul3A_249 = arith.muli %add3A_247, %mul3A_248 : i32
      %add3A_250 = arith.addi %mul3A_2, %mul3A_249 : i32
      %dma_wait3A_251 = arith.constant 0 : i32
      %dma_wait3A_252 = tpu.memref_slice %arg4[%add3A_250, %dma_wait3A_251] : memref<320000x128xf32, #tpu.memory_space<hbm>> -> memref<80x128xf32, #tpu.memory_space<hbm>>
      %dma_wait3A_253 = arith.constant 0 : i32
      %dma_wait3A_254 = tpu.memref_slice %arg4[%add3A_250, %dma_wait3A_253] : memref<320000x128xf32, #tpu.memory_space<hbm>> -> memref<80x128xf32, #tpu.memory_space<hbm>>
      tpu.wait_dma2 semaphore(%arg17 : memref<!tpu.dma_semaphore, #tpu.memory_space<semaphore_mem>>) src(%arg9 : memref<80x128xf32, #tpu.memory_space<vmem>>) dst(%dma_wait3A_254 : memref<80x128xf32, #tpu.memory_space<hbm>>)
      %add3A_255 = arith.constant 3 : i32
      %add3A_256 = arith.addi %add3A_120, %add3A_255 : i32
      %add3A_257 = arith.constant 4 : i32
      %add3A_258 = arith.addi %add3A_256, %add3A_257 : i32
      %mul3A_259 = arith.constant 80 : i32
      %mul3A_260 = arith.muli %add3A_258, %mul3A_259 : i32
      %dma_start3A_261 = tpu.memref_slice %arg5[%mul3A_260] : memref<10000xi32, #tpu.memory_space<vmem>> -> memref<80xi32, #tpu.memory_space<vmem>>
      %dma_start3A_262 = arith.constant 0 : i32
      %dma_start3A_263 = arith.constant 0 : i32
      %dma_start3A_264 = tpu.memref_slice %arg2[%dma_start3A_262, %dma_start3A_263] : memref<30000x128xf32, #tpu.memory_space<hbm>> -> memref<30000x128xf32, #tpu.memory_space<hbm>>
      tpu.enqueue_indirect_dma source(%dma_start3A_264 : memref<30000x128xf32, #tpu.memory_space<hbm>>) target(%arg9 : memref<80x128xf32, #tpu.memory_space<vmem>>) offsets(%dma_start3A_261 : memref<80xi32, #tpu.memory_space<vmem>>) semaphore(%arg13 : memref<!tpu.dma_semaphore, #tpu.memory_space<semaphore_mem>>)
    }
    %scan3A_47 = arith.constant 30 : i32
    %dma_wait3A_48 = arith.constant 9680 : i32
    %dma_wait3A_49 = tpu.memref_slice %arg5[%dma_wait3A_48] : memref<10000xi32, #tpu.memory_space<vmem>> -> memref<80xi32, #tpu.memory_space<vmem>>
    %dma_wait3A_50 = arith.constant 0 : i32
    %dma_wait3A_51 = arith.constant 0 : i32
    %dma_wait3A_52 = tpu.memref_slice %arg2[%dma_wait3A_50, %dma_wait3A_51] : memref<30000x128xf32, #tpu.memory_space<hbm>> -> memref<30000x128xf32, #tpu.memory_space<hbm>>
    tpu.wait_indirect_dma semaphore(%arg10 : memref<!tpu.dma_semaphore, #tpu.memory_space<semaphore_mem>>) src(%dma_wait3A_52 : memref<30000x128xf32, #tpu.memory_space<hbm>>) dst(%arg6 : memref<80x128xf32, #tpu.memory_space<vmem>>)
    %add3A_53 = arith.constant 9680 : i32
    %add3A_54 = arith.addi %mul3A_2, %add3A_53 : i32
    %dma_start3A_55 = arith.constant 0 : i32
    %dma_start3A_56 = tpu.memref_slice %arg4[%add3A_54, %dma_start3A_55] : memref<320000x128xf32, #tpu.memory_space<hbm>> -> memref<80x128xf32, #tpu.memory_space<hbm>>
    %dma_start3A_57 = arith.constant 0 : i32
    %dma_start3A_58 = tpu.memref_slice %arg4[%add3A_54, %dma_start3A_57] : memref<320000x128xf32, #tpu.memory_space<hbm>> -> memref<80x128xf32, #tpu.memory_space<hbm>>
    tpu.enqueue_dma source(%arg6 : memref<80x128xf32, #tpu.memory_space<vmem>>) target(%dma_start3A_58 : memref<80x128xf32, #tpu.memory_space<hbm>>) target_semaphore(%arg14 : memref<!tpu.dma_semaphore, #tpu.memory_space<semaphore_mem>>)
    %dma_wait3A_59 = arith.constant 9760 : i32
    %dma_wait3A_60 = tpu.memref_slice %arg5[%dma_wait3A_59] : memref<10000xi32, #tpu.memory_space<vmem>> -> memref<80xi32, #tpu.memory_space<vmem>>
    %dma_wait3A_61 = arith.constant 0 : i32
    %dma_wait3A_62 = arith.constant 0 : i32
    %dma_wait3A_63 = tpu.memref_slice %arg2[%dma_wait3A_61, %dma_wait3A_62] : memref<30000x128xf32, #tpu.memory_space<hbm>> -> memref<30000x128xf32, #tpu.memory_space<hbm>>
    tpu.wait_indirect_dma semaphore(%arg11 : memref<!tpu.dma_semaphore, #tpu.memory_space<semaphore_mem>>) src(%dma_wait3A_63 : memref<30000x128xf32, #tpu.memory_space<hbm>>) dst(%arg7 : memref<80x128xf32, #tpu.memory_space<vmem>>)
    %add3A_64 = arith.constant 9760 : i32
    %add3A_65 = arith.addi %mul3A_2, %add3A_64 : i32
    %dma_start3A_66 = arith.constant 0 : i32
    %dma_start3A_67 = tpu.memref_slice %arg4[%add3A_65, %dma_start3A_66] : memref<320000x128xf32, #tpu.memory_space<hbm>> -> memref<80x128xf32, #tpu.memory_space<hbm>>
    %dma_start3A_68 = arith.constant 0 : i32
    %dma_start3A_69 = tpu.memref_slice %arg4[%add3A_65, %dma_start3A_68] : memref<320000x128xf32, #tpu.memory_space<hbm>> -> memref<80x128xf32, #tpu.memory_space<hbm>>
    tpu.enqueue_dma source(%arg7 : memref<80x128xf32, #tpu.memory_space<vmem>>) target(%dma_start3A_69 : memref<80x128xf32, #tpu.memory_space<hbm>>) target_semaphore(%arg15 : memref<!tpu.dma_semaphore, #tpu.memory_space<semaphore_mem>>)
    %dma_wait3A_70 = arith.constant 9840 : i32
    %dma_wait3A_71 = tpu.memref_slice %arg5[%dma_wait3A_70] : memref<10000xi32, #tpu.memory_space<vmem>> -> memref<80xi32, #tpu.memory_space<vmem>>
    %dma_wait3A_72 = arith.constant 0 : i32
    %dma_wait3A_73 = arith.constant 0 : i32
    %dma_wait3A_74 = tpu.memref_slice %arg2[%dma_wait3A_72, %dma_wait3A_73] : memref<30000x128xf32, #tpu.memory_space<hbm>> -> memref<30000x128xf32, #tpu.memory_space<hbm>>
    tpu.wait_indirect_dma semaphore(%arg12 : memref<!tpu.dma_semaphore, #tpu.memory_space<semaphore_mem>>) src(%dma_wait3A_74 : memref<30000x128xf32, #tpu.memory_space<hbm>>) dst(%arg8 : memref<80x128xf32, #tpu.memory_space<vmem>>)
    %add3A_75 = arith.constant 9840 : i32
    %add3A_76 = arith.addi %mul3A_2, %add3A_75 : i32
    %dma_start3A_77 = arith.constant 0 : i32
    %dma_start3A_78 = tpu.memref_slice %arg4[%add3A_76, %dma_start3A_77] : memref<320000x128xf32, #tpu.memory_space<hbm>> -> memref<80x128xf32, #tpu.memory_space<hbm>>
    %dma_start3A_79 = arith.constant 0 : i32
    %dma_start3A_80 = tpu.memref_slice %arg4[%add3A_76, %dma_start3A_79] : memref<320000x128xf32, #tpu.memory_space<hbm>> -> memref<80x128xf32, #tpu.memory_space<hbm>>
    tpu.enqueue_dma source(%arg8 : memref<80x128xf32, #tpu.memory_space<vmem>>) target(%dma_start3A_80 : memref<80x128xf32, #tpu.memory_space<hbm>>) target_semaphore(%arg16 : memref<!tpu.dma_semaphore, #tpu.memory_space<semaphore_mem>>)
    %dma_wait3A_81 = arith.constant 9920 : i32
    %dma_wait3A_82 = tpu.memref_slice %arg5[%dma_wait3A_81] : memref<10000xi32, #tpu.memory_space<vmem>> -> memref<80xi32, #tpu.memory_space<vmem>>
    %dma_wait3A_83 = arith.constant 0 : i32
    %dma_wait3A_84 = arith.constant 0 : i32
    %dma_wait3A_85 = tpu.memref_slice %arg2[%dma_wait3A_83, %dma_wait3A_84] : memref<30000x128xf32, #tpu.memory_space<hbm>> -> memref<30000x128xf32, #tpu.memory_space<hbm>>
    tpu.wait_indirect_dma semaphore(%arg13 : memref<!tpu.dma_semaphore, #tpu.memory_space<semaphore_mem>>) src(%dma_wait3A_85 : memref<30000x128xf32, #tpu.memory_space<hbm>>) dst(%arg9 : memref<80x128xf32, #tpu.memory_space<vmem>>)
    %add3A_86 = arith.constant 9920 : i32
    %add3A_87 = arith.addi %mul3A_2, %add3A_86 : i32
    %dma_start3A_88 = arith.constant 0 : i32
    %dma_start3A_89 = tpu.memref_slice %arg4[%add3A_87, %dma_start3A_88] : memref<320000x128xf32, #tpu.memory_space<hbm>> -> memref<80x128xf32, #tpu.memory_space<hbm>>
    %dma_start3A_90 = arith.constant 0 : i32
    %dma_start3A_91 = tpu.memref_slice %arg4[%add3A_87, %dma_start3A_90] : memref<320000x128xf32, #tpu.memory_space<hbm>> -> memref<80x128xf32, #tpu.memory_space<hbm>>
    tpu.enqueue_dma source(%arg9 : memref<80x128xf32, #tpu.memory_space<vmem>>) target(%dma_start3A_91 : memref<80x128xf32, #tpu.memory_space<hbm>>) target_semaphore(%arg17 : memref<!tpu.dma_semaphore, #tpu.memory_space<semaphore_mem>>)
    %add3A_92 = arith.constant 9680 : i32
    %add3A_93 = arith.addi %mul3A_2, %add3A_92 : i32
    %dma_wait3A_94 = arith.constant 0 : i32
    %dma_wait3A_95 = tpu.memref_slice %arg4[%add3A_93, %dma_wait3A_94] : memref<320000x128xf32, #tpu.memory_space<hbm>> -> memref<80x128xf32, #tpu.memory_space<hbm>>
    %dma_wait3A_96 = arith.constant 0 : i32
    %dma_wait3A_97 = tpu.memref_slice %arg4[%add3A_93, %dma_wait3A_96] : memref<320000x128xf32, #tpu.memory_space<hbm>> -> memref<80x128xf32, #tpu.memory_space<hbm>>
    tpu.wait_dma2 semaphore(%arg14 : memref<!tpu.dma_semaphore, #tpu.memory_space<semaphore_mem>>) src(%arg6 : memref<80x128xf32, #tpu.memory_space<vmem>>) dst(%dma_wait3A_97 : memref<80x128xf32, #tpu.memory_space<hbm>>)
    %add3A_98 = arith.constant 9760 : i32
    %add3A_99 = arith.addi %mul3A_2, %add3A_98 : i32
    %dma_wait3A_100 = arith.constant 0 : i32
    %dma_wait3A_101 = tpu.memref_slice %arg4[%add3A_99, %dma_wait3A_100] : memref<320000x128xf32, #tpu.memory_space<hbm>> -> memref<80x128xf32, #tpu.memory_space<hbm>>
    %dma_wait3A_102 = arith.constant 0 : i32
    %dma_wait3A_103 = tpu.memref_slice %arg4[%add3A_99, %dma_wait3A_102] : memref<320000x128xf32, #tpu.memory_space<hbm>> -> memref<80x128xf32, #tpu.memory_space<hbm>>
    tpu.wait_dma2 semaphore(%arg15 : memref<!tpu.dma_semaphore, #tpu.memory_space<semaphore_mem>>) src(%arg7 : memref<80x128xf32, #tpu.memory_space<vmem>>) dst(%dma_wait3A_103 : memref<80x128xf32, #tpu.memory_space<hbm>>)
    %add3A_104 = arith.constant 9840 : i32
    %add3A_105 = arith.addi %mul3A_2, %add3A_104 : i32
    %dma_wait3A_106 = arith.constant 0 : i32
    %dma_wait3A_107 = tpu.memref_slice %arg4[%add3A_105, %dma_wait3A_106] : memref<320000x128xf32, #tpu.memory_space<hbm>> -> memref<80x128xf32, #tpu.memory_space<hbm>>
    %dma_wait3A_108 = arith.constant 0 : i32
    %dma_wait3A_109 = tpu.memref_slice %arg4[%add3A_105, %dma_wait3A_108] : memref<320000x128xf32, #tpu.memory_space<hbm>> -> memref<80x128xf32, #tpu.memory_space<hbm>>
    tpu.wait_dma2 semaphore(%arg16 : memref<!tpu.dma_semaphore, #tpu.memory_space<semaphore_mem>>) src(%arg8 : memref<80x128xf32, #tpu.memory_space<vmem>>) dst(%dma_wait3A_109 : memref<80x128xf32, #tpu.memory_space<hbm>>)
    %add3A_110 = arith.constant 9920 : i32
    %add3A_111 = arith.addi %mul3A_2, %add3A_110 : i32
    %dma_wait3A_112 = arith.constant 0 : i32
    %dma_wait3A_113 = tpu.memref_slice %arg4[%add3A_111, %dma_wait3A_112] : memref<320000x128xf32, #tpu.memory_space<hbm>> -> memref<80x128xf32, #tpu.memory_space<hbm>>
    %dma_wait3A_114 = arith.constant 0 : i32
    %dma_wait3A_115 = tpu.memref_slice %arg4[%add3A_111, %dma_wait3A_114] : memref<320000x128xf32, #tpu.memory_space<hbm>> -> memref<80x128xf32, #tpu.memory_space<hbm>>
    tpu.wait_dma2 semaphore(%arg17 : memref<!tpu.dma_semaphore, #tpu.memory_space<semaphore_mem>>) src(%arg9 : memref<80x128xf32, #tpu.memory_space<vmem>>) dst(%dma_wait3A_115 : memref<80x128xf32, #tpu.memory_space<hbm>>)
    return
  }
}

#map = affine_map<(d0, d1) -> (0, 0)>
#map1 = affine_map<(d0, d1) -> (0)>
module attributes {stable_mosaic.version = 14 : i64} {
  func.func @gather_k(%arg0: i32, %arg1: i32, %arg2: memref<30000x128xf32, #tpu.memory_space<hbm>>, %arg3: memref<320000xi32, #tpu.memory_space<hbm>>, %arg4: memref<320000x128xf32, #tpu.memory_space<hbm>>, %arg5: memref<10000xi32, #tpu.memory_space<vmem>>, %arg6: memref<80x128xf32, #tpu.memory_space<vmem>>, %arg7: memref<80x128xf32, #tpu.memory_space<vmem>>, %arg8: memref<80x128xf32, #tpu.memory_space<vmem>>, %arg9: memref<80x128xf32, #tpu.memory_space<vmem>>, %arg10: memref<!tpu.dma_semaphore, #tpu.memory_space<semaphore_mem>>, %arg11: memref<!tpu.dma_semaphore, #tpu.memory_space<semaphore_mem>>, %arg12: memref<!tpu.dma_semaphore, #tpu.memory_space<semaphore_mem>>, %arg13: memref<!tpu.dma_semaphore, #tpu.memory_space<semaphore_mem>>, %arg14: memref<!tpu.dma_semaphore, #tpu.memory_space<semaphore_mem>>, %arg15: memref<!tpu.dma_semaphore, #tpu.memory_space<semaphore_mem>>, %arg16: memref<!tpu.dma_semaphore, #tpu.memory_space<semaphore_mem>>, %arg17: memref<!tpu.dma_semaphore, #tpu.memory_space<semaphore_mem>>) attributes {dimension_semantics = [#tpu.dimension_semantics<core_parallel>, #tpu.dimension_semantics<subcore_parallel>], iteration_bounds = array<i64: 2, 16>, scalar_prefetch = 0 : i64, scratch_operands = 13 : i64, tpu.core_type = #tpu.core_type<sc_vector_subcore>, window_params = [{transform_indices = #map}, {transform_indices = #map1}, {transform_indices = #map}]} {
    %mul3A = arith.constant 2 : i32
    %mul3A_0 = arith.muli %arg1, %mul3A : i32
    %add3A = arith.addi %mul3A_0, %arg0 : i32
    %mul3A_1 = arith.constant 10000 : i32
    %mul3A_2 = arith.muli %add3A, %mul3A_1 : i32
    "tpu.region"() ({
      %run_scoped3A = tpu.sem_alloc : memref<!tpu.dma_semaphore, #tpu.memory_space<semaphore_mem>>
      %dma_start3A_116 = tpu.memref_slice %arg3[%mul3A_2] : memref<320000xi32, #tpu.memory_space<hbm>> -> memref<10000xi32, #tpu.memory_space<hbm>>
      %dma_start3A_117 = tpu.memref_slice %arg3[%mul3A_2] : memref<320000xi32, #tpu.memory_space<hbm>> -> memref<10000xi32, #tpu.memory_space<hbm>>
      tpu.enqueue_dma source(%dma_start3A_117 : memref<10000xi32, #tpu.memory_space<hbm>>) target(%arg5 : memref<10000xi32, #tpu.memory_space<vmem>>) target_semaphore(%run_scoped3A : memref<!tpu.dma_semaphore, #tpu.memory_space<semaphore_mem>>)
      %dma_wait3A_118 = tpu.memref_slice %arg3[%mul3A_2] : memref<320000xi32, #tpu.memory_space<hbm>> -> memref<10000xi32, #tpu.memory_space<hbm>>
      %dma_wait3A_119 = tpu.memref_slice %arg3[%mul3A_2] : memref<320000xi32, #tpu.memory_space<hbm>> -> memref<10000xi32, #tpu.memory_space<hbm>>
      tpu.wait_dma2 semaphore(%run_scoped3A : memref<!tpu.dma_semaphore, #tpu.memory_space<semaphore_mem>>) src(%dma_wait3A_119 : memref<10000xi32, #tpu.memory_space<hbm>>) dst(%arg5 : memref<10000xi32, #tpu.memory_space<vmem>>)
      tpu.yield
    }) : () -> ()
    %dma_start3A = arith.constant 0 : i32
    %dma_start3A_3 = tpu.memref_slice %arg5[%dma_start3A] : memref<10000xi32, #tpu.memory_space<vmem>> -> memref<80xi32, #tpu.memory_space<vmem>>
    %dma_start3A_4 = arith.constant 0 : i32
    %dma_start3A_5 = arith.constant 0 : i32
    %dma_start3A_6 = tpu.memref_slice %arg2[%dma_start3A_4, %dma_start3A_5] : memref<30000x128xf32, #tpu.memory_space<hbm>> -> memref<30000x128xf32, #tpu.memory_space<hbm>>
    tpu.enqueue_indirect_dma source(%dma_start3A_6 : memref<30000x128xf32, #tpu.memory_space<hbm>>) target(%arg6 : memref<80x128xf32, #tpu.memory_space<vmem>>) offsets(%dma_start3A_3 : memref<80xi32, #tpu.memory_space<vmem>>) semaphore(%arg10 : memref<!tpu.dma_semaphore, #tpu.memory_space<semaphore_mem>>)
    %dma_wait3A = arith.constant 0 : i32
    %dma_wait3A_7 = tpu.memref_slice %arg5[%dma_wait3A] : memref<10000xi32, #tpu.memory_space<vmem>> -> memref<80xi32, #tpu.memory_space<vmem>>
    %dma_wait3A_8 = arith.constant 0 : i32
    %dma_wait3A_9 = arith.constant 0 : i32
    %dma_wait3A_10 = tpu.memref_slice %arg2[%dma_wait3A_8, %dma_wait3A_9] : memref<30000x128xf32, #tpu.memory_space<hbm>> -> memref<30000x128xf32, #tpu.memory_space<hbm>>
    tpu.wait_indirect_dma semaphore(%arg10 : memref<!tpu.dma_semaphore, #tpu.memory_space<semaphore_mem>>) src(%dma_wait3A_10 : memref<30000x128xf32, #tpu.memory_space<hbm>>) dst(%arg6 : memref<80x128xf32, #tpu.memory_space<vmem>>)
    %add3A_11 = arith.constant 0 : i32
    %add3A_12 = arith.addi %mul3A_2, %add3A_11 : i32
    %dma_start3A_13 = arith.constant 0 : i32
    %dma_start3A_14 = tpu.memref_slice %arg4[%add3A_12, %dma_start3A_13] : memref<320000x128xf32, #tpu.memory_space<hbm>> -> memref<80x128xf32, #tpu.memory_space<hbm>>
    %dma_start3A_15 = arith.constant 0 : i32
    %dma_start3A_16 = tpu.memref_slice %arg4[%add3A_12, %dma_start3A_15] : memref<320000x128xf32, #tpu.memory_space<hbm>> -> memref<80x128xf32, #tpu.memory_space<hbm>>
    tpu.enqueue_dma source(%arg6 : memref<80x128xf32, #tpu.memory_space<vmem>>) target(%dma_start3A_16 : memref<80x128xf32, #tpu.memory_space<hbm>>) target_semaphore(%arg14 : memref<!tpu.dma_semaphore, #tpu.memory_space<semaphore_mem>>)
    %add3A_17 = arith.constant 0 : i32
    %add3A_18 = arith.addi %mul3A_2, %add3A_17 : i32
    %dma_wait3A_19 = arith.constant 0 : i32
    %dma_wait3A_20 = tpu.memref_slice %arg4[%add3A_18, %dma_wait3A_19] : memref<320000x128xf32, #tpu.memory_space<hbm>> -> memref<80x128xf32, #tpu.memory_space<hbm>>
    %dma_wait3A_21 = arith.constant 0 : i32
    %dma_wait3A_22 = tpu.memref_slice %arg4[%add3A_18, %dma_wait3A_21] : memref<320000x128xf32, #tpu.memory_space<hbm>> -> memref<80x128xf32, #tpu.memory_space<hbm>>
    tpu.wait_dma2 semaphore(%arg14 : memref<!tpu.dma_semaphore, #tpu.memory_space<semaphore_mem>>) src(%arg6 : memref<80x128xf32, #tpu.memory_space<vmem>>) dst(%dma_wait3A_22 : memref<80x128xf32, #tpu.memory_space<hbm>>)
    %dma_start3A_23 = arith.constant 80 : i32
    %dma_start3A_24 = tpu.memref_slice %arg5[%dma_start3A_23] : memref<10000xi32, #tpu.memory_space<vmem>> -> memref<80xi32, #tpu.memory_space<vmem>>
    %dma_start3A_25 = arith.constant 0 : i32
    %dma_start3A_26 = arith.constant 0 : i32
    %dma_start3A_27 = tpu.memref_slice %arg2[%dma_start3A_25, %dma_start3A_26] : memref<30000x128xf32, #tpu.memory_space<hbm>> -> memref<30000x128xf32, #tpu.memory_space<hbm>>
    tpu.enqueue_indirect_dma source(%dma_start3A_27 : memref<30000x128xf32, #tpu.memory_space<hbm>>) target(%arg6 : memref<80x128xf32, #tpu.memory_space<vmem>>) offsets(%dma_start3A_24 : memref<80xi32, #tpu.memory_space<vmem>>) semaphore(%arg10 : memref<!tpu.dma_semaphore, #tpu.memory_space<semaphore_mem>>)
    %dma_start3A_28 = arith.constant 160 : i32
    %dma_start3A_29 = tpu.memref_slice %arg5[%dma_start3A_28] : memref<10000xi32, #tpu.memory_space<vmem>> -> memref<80xi32, #tpu.memory_space<vmem>>
    %dma_start3A_30 = arith.constant 0 : i32
    %dma_start3A_31 = arith.constant 0 : i32
    %dma_start3A_32 = tpu.memref_slice %arg2[%dma_start3A_30, %dma_start3A_31] : memref<30000x128xf32, #tpu.memory_space<hbm>> -> memref<30000x128xf32, #tpu.memory_space<hbm>>
    tpu.enqueue_indirect_dma source(%dma_start3A_32 : memref<30000x128xf32, #tpu.memory_space<hbm>>) target(%arg7 : memref<80x128xf32, #tpu.memory_space<vmem>>) offsets(%dma_start3A_29 : memref<80xi32, #tpu.memory_space<vmem>>) semaphore(%arg11 : memref<!tpu.dma_semaphore, #tpu.memory_space<semaphore_mem>>)
    %dma_start3A_33 = arith.constant 240 : i32
    %dma_start3A_34 = tpu.memref_slice %arg5[%dma_start3A_33] : memref<10000xi32, #tpu.memory_space<vmem>> -> memref<80xi32, #tpu.memory_space<vmem>>
    %dma_start3A_35 = arith.constant 0 : i32
    %dma_start3A_36 = arith.constant 0 : i32
    %dma_start3A_37 = tpu.memref_slice %arg2[%dma_start3A_35, %dma_start3A_36] : memref<30000x128xf32, #tpu.memory_space<hbm>> -> memref<30000x128xf32, #tpu.memory_space<hbm>>
    tpu.enqueue_indirect_dma source(%dma_start3A_37 : memref<30000x128xf32, #tpu.memory_space<hbm>>) target(%arg8 : memref<80x128xf32, #tpu.memory_space<vmem>>) offsets(%dma_start3A_34 : memref<80xi32, #tpu.memory_space<vmem>>) semaphore(%arg12 : memref<!tpu.dma_semaphore, #tpu.memory_space<semaphore_mem>>)
    %dma_start3A_38 = arith.constant 320 : i32
    %dma_start3A_39 = tpu.memref_slice %arg5[%dma_start3A_38] : memref<10000xi32, #tpu.memory_space<vmem>> -> memref<80xi32, #tpu.memory_space<vmem>>
    %dma_start3A_40 = arith.constant 0 : i32
    %dma_start3A_41 = arith.constant 0 : i32
    %dma_start3A_42 = tpu.memref_slice %arg2[%dma_start3A_40, %dma_start3A_41] : memref<30000x128xf32, #tpu.memory_space<hbm>> -> memref<30000x128xf32, #tpu.memory_space<hbm>>
    tpu.enqueue_indirect_dma source(%dma_start3A_42 : memref<30000x128xf32, #tpu.memory_space<hbm>>) target(%arg9 : memref<80x128xf32, #tpu.memory_space<vmem>>) offsets(%dma_start3A_39 : memref<80xi32, #tpu.memory_space<vmem>>) semaphore(%arg13 : memref<!tpu.dma_semaphore, #tpu.memory_space<semaphore_mem>>)
    %scan3A = arith.constant 0 : i32
    %scan3A_43 = arith.constant 0 : i32
    %scan3A_44 = arith.constant 30 : i32
    %scan3A_45 = arith.addi %scan3A_43, %scan3A_44 : i32
    %scan3A_46 = arith.constant 1 : i32
    scf.for %scan3A_116 = %scan3A_43 to %scan3A_45 step %scan3A_46  : i32 {
      %mul3A_117 = arith.constant 4 : i32
      %mul3A_118 = arith.muli %mul3A_117, %scan3A_116 : i32
      %add3A_119 = arith.constant 1 : i32
      %add3A_120 = arith.addi %add3A_119, %mul3A_118 : i32
      %add3A_121 = arith.constant 0 : i32
      %add3A_122 = arith.addi %add3A_120, %add3A_121 : i32
      %mul3A_123 = arith.constant 80 : i32
      %mul3A_124 = arith.muli %add3A_122, %mul3A_123 : i32
      %dma_wait3A_125 = tpu.memref_slice %arg5[%mul3A_124] : memref<10000xi32, #tpu.memory_space<vmem>> -> memref<80xi32, #tpu.memory_space<vmem>>
      %dma_wait3A_126 = arith.constant 0 : i32
      %dma_wait3A_127 = arith.constant 0 : i32
      %dma_wait3A_128 = tpu.memref_slice %arg2[%dma_wait3A_126, %dma_wait3A_127] : memref<30000x128xf32, #tpu.memory_space<hbm>> -> memref<30000x128xf32, #tpu.memory_space<hbm>>
      tpu.wait_indirect_dma semaphore(%arg10 : memref<!tpu.dma_semaphore, #tpu.memory_space<semaphore_mem>>) src(%dma_wait3A_128 : memref<30000x128xf32, #tpu.memory_space<hbm>>) dst(%arg6 : memref<80x128xf32, #tpu.memory_space<vmem>>)
      %add3A_129 = arith.constant 0 : i32
      %add3A_130 = arith.addi %add3A_120, %add3A_129 : i32
      %mul3A_131 = arith.constant 80 : i32
      %mul3A_132 = arith.muli %add3A_130, %mul3A_131 : i32
      %add3A_133 = arith.addi %mul3A_2, %mul3A_132 : i32
      %dma_start3A_134 = arith.constant 0 : i32
      %dma_start3A_135 = tpu.memref_slice %arg4[%add3A_133, %dma_start3A_134] : memref<320000x128xf32, #tpu.memory_space<hbm>> -> memref<80x128xf32, #tpu.memory_space<hbm>>
      %dma_start3A_136 = arith.constant 0 : i32
      %dma_start3A_137 = tpu.memref_slice %arg4[%add3A_133, %dma_start3A_136] : memref<320000x128xf32, #tpu.memory_space<hbm>> -> memref<80x128xf32, #tpu.memory_space<hbm>>
      tpu.enqueue_dma source(%arg6 : memref<80x128xf32, #tpu.memory_space<vmem>>) target(%dma_start3A_137 : memref<80x128xf32, #tpu.memory_space<hbm>>) target_semaphore(%arg14 : memref<!tpu.dma_semaphore, #tpu.memory_space<semaphore_mem>>)
      %add3A_138 = arith.constant 1 : i32
      %add3A_139 = arith.addi %add3A_120, %add3A_138 : i32
      %mul3A_140 = arith.constant 80 : i32
      %mul3A_141 = arith.muli %add3A_139, %mul3A_140 : i32
      %dma_wait3A_142 = tpu.memref_slice %arg5[%mul3A_141] : memref<10000xi32, #tpu.memory_space<vmem>> -> memref<80xi32, #tpu.memory_space<vmem>>
      %dma_wait3A_143 = arith.constant 0 : i32
      %dma_wait3A_144 = arith.constant 0 : i32
      %dma_wait3A_145 = tpu.memref_slice %arg2[%dma_wait3A_143, %dma_wait3A_144] : memref<30000x128xf32, #tpu.memory_space<hbm>> -> memref<30000x128xf32, #tpu.memory_space<hbm>>
      tpu.wait_indirect_dma semaphore(%arg11 : memref<!tpu.dma_semaphore, #tpu.memory_space<semaphore_mem>>) src(%dma_wait3A_145 : memref<30000x128xf32, #tpu.memory_space<hbm>>) dst(%arg7 : memref<80x128xf32, #tpu.memory_space<vmem>>)
      %add3A_146 = arith.constant 1 : i32
      %add3A_147 = arith.addi %add3A_120, %add3A_146 : i32
      %mul3A_148 = arith.constant 80 : i32
      %mul3A_149 = arith.muli %add3A_147, %mul3A_148 : i32
      %add3A_150 = arith.addi %mul3A_2, %mul3A_149 : i32
      %dma_start3A_151 = arith.constant 0 : i32
      %dma_start3A_152 = tpu.memref_slice %arg4[%add3A_150, %dma_start3A_151] : memref<320000x128xf32, #tpu.memory_space<hbm>> -> memref<80x128xf32, #tpu.memory_space<hbm>>
      %dma_start3A_153 = arith.constant 0 : i32
      %dma_start3A_154 = tpu.memref_slice %arg4[%add3A_150, %dma_start3A_153] : memref<320000x128xf32, #tpu.memory_space<hbm>> -> memref<80x128xf32, #tpu.memory_space<hbm>>
      tpu.enqueue_dma source(%arg7 : memref<80x128xf32, #tpu.memory_space<vmem>>) target(%dma_start3A_154 : memref<80x128xf32, #tpu.memory_space<hbm>>) target_semaphore(%arg15 : memref<!tpu.dma_semaphore, #tpu.memory_space<semaphore_mem>>)
      %add3A_155 = arith.constant 2 : i32
      %add3A_156 = arith.addi %add3A_120, %add3A_155 : i32
      %mul3A_157 = arith.constant 80 : i32
      %mul3A_158 = arith.muli %add3A_156, %mul3A_157 : i32
      %dma_wait3A_159 = tpu.memref_slice %arg5[%mul3A_158] : memref<10000xi32, #tpu.memory_space<vmem>> -> memref<80xi32, #tpu.memory_space<vmem>>
      %dma_wait3A_160 = arith.constant 0 : i32
      %dma_wait3A_161 = arith.constant 0 : i32
      %dma_wait3A_162 = tpu.memref_slice %arg2[%dma_wait3A_160, %dma_wait3A_161] : memref<30000x128xf32, #tpu.memory_space<hbm>> -> memref<30000x128xf32, #tpu.memory_space<hbm>>
      tpu.wait_indirect_dma semaphore(%arg12 : memref<!tpu.dma_semaphore, #tpu.memory_space<semaphore_mem>>) src(%dma_wait3A_162 : memref<30000x128xf32, #tpu.memory_space<hbm>>) dst(%arg8 : memref<80x128xf32, #tpu.memory_space<vmem>>)
      %add3A_163 = arith.constant 2 : i32
      %add3A_164 = arith.addi %add3A_120, %add3A_163 : i32
      %mul3A_165 = arith.constant 80 : i32
      %mul3A_166 = arith.muli %add3A_164, %mul3A_165 : i32
      %add3A_167 = arith.addi %mul3A_2, %mul3A_166 : i32
      %dma_start3A_168 = arith.constant 0 : i32
      %dma_start3A_169 = tpu.memref_slice %arg4[%add3A_167, %dma_start3A_168] : memref<320000x128xf32, #tpu.memory_space<hbm>> -> memref<80x128xf32, #tpu.memory_space<hbm>>
      %dma_start3A_170 = arith.constant 0 : i32
      %dma_start3A_171 = tpu.memref_slice %arg4[%add3A_167, %dma_start3A_170] : memref<320000x128xf32, #tpu.memory_space<hbm>> -> memref<80x128xf32, #tpu.memory_space<hbm>>
      tpu.enqueue_dma source(%arg8 : memref<80x128xf32, #tpu.memory_space<vmem>>) target(%dma_start3A_171 : memref<80x128xf32, #tpu.memory_space<hbm>>) target_semaphore(%arg16 : memref<!tpu.dma_semaphore, #tpu.memory_space<semaphore_mem>>)
      %add3A_172 = arith.constant 3 : i32
      %add3A_173 = arith.addi %add3A_120, %add3A_172 : i32
      %mul3A_174 = arith.constant 80 : i32
      %mul3A_175 = arith.muli %add3A_173, %mul3A_174 : i32
      %dma_wait3A_176 = tpu.memref_slice %arg5[%mul3A_175] : memref<10000xi32, #tpu.memory_space<vmem>> -> memref<80xi32, #tpu.memory_space<vmem>>
      %dma_wait3A_177 = arith.constant 0 : i32
      %dma_wait3A_178 = arith.constant 0 : i32
      %dma_wait3A_179 = tpu.memref_slice %arg2[%dma_wait3A_177, %dma_wait3A_178] : memref<30000x128xf32, #tpu.memory_space<hbm>> -> memref<30000x128xf32, #tpu.memory_space<hbm>>
      tpu.wait_indirect_dma semaphore(%arg13 : memref<!tpu.dma_semaphore, #tpu.memory_space<semaphore_mem>>) src(%dma_wait3A_179 : memref<30000x128xf32, #tpu.memory_space<hbm>>) dst(%arg9 : memref<80x128xf32, #tpu.memory_space<vmem>>)
      %add3A_180 = arith.constant 3 : i32
      %add3A_181 = arith.addi %add3A_120, %add3A_180 : i32
      %mul3A_182 = arith.constant 80 : i32
      %mul3A_183 = arith.muli %add3A_181, %mul3A_182 : i32
      %add3A_184 = arith.addi %mul3A_2, %mul3A_183 : i32
      %dma_start3A_185 = arith.constant 0 : i32
      %dma_start3A_186 = tpu.memref_slice %arg4[%add3A_184, %dma_start3A_185] : memref<320000x128xf32, #tpu.memory_space<hbm>> -> memref<80x128xf32, #tpu.memory_space<hbm>>
      %dma_start3A_187 = arith.constant 0 : i32
      %dma_start3A_188 = tpu.memref_slice %arg4[%add3A_184, %dma_start3A_187] : memref<320000x128xf32, #tpu.memory_space<hbm>> -> memref<80x128xf32, #tpu.memory_space<hbm>>
      tpu.enqueue_dma source(%arg9 : memref<80x128xf32, #tpu.memory_space<vmem>>) target(%dma_start3A_188 : memref<80x128xf32, #tpu.memory_space<hbm>>) target_semaphore(%arg17 : memref<!tpu.dma_semaphore, #tpu.memory_space<semaphore_mem>>)
      %add3A_189 = arith.constant 0 : i32
      %add3A_190 = arith.addi %add3A_120, %add3A_189 : i32
      %mul3A_191 = arith.constant 80 : i32
      %mul3A_192 = arith.muli %add3A_190, %mul3A_191 : i32
      %add3A_193 = arith.addi %mul3A_2, %mul3A_192 : i32
      %dma_wait3A_194 = arith.constant 0 : i32
      %dma_wait3A_195 = tpu.memref_slice %arg4[%add3A_193, %dma_wait3A_194] : memref<320000x128xf32, #tpu.memory_space<hbm>> -> memref<80x128xf32, #tpu.memory_space<hbm>>
      %dma_wait3A_196 = arith.constant 0 : i32
      %dma_wait3A_197 = tpu.memref_slice %arg4[%add3A_193, %dma_wait3A_196] : memref<320000x128xf32, #tpu.memory_space<hbm>> -> memref<80x128xf32, #tpu.memory_space<hbm>>
      tpu.wait_dma2 semaphore(%arg14 : memref<!tpu.dma_semaphore, #tpu.memory_space<semaphore_mem>>) src(%arg6 : memref<80x128xf32, #tpu.memory_space<vmem>>) dst(%dma_wait3A_197 : memref<80x128xf32, #tpu.memory_space<hbm>>)
      %add3A_198 = arith.constant 0 : i32
      %add3A_199 = arith.addi %add3A_120, %add3A_198 : i32
      %add3A_200 = arith.constant 4 : i32
      %add3A_201 = arith.addi %add3A_199, %add3A_200 : i32
      %mul3A_202 = arith.constant 80 : i32
      %mul3A_203 = arith.muli %add3A_201, %mul3A_202 : i32
      %dma_start3A_204 = tpu.memref_slice %arg5[%mul3A_203] : memref<10000xi32, #tpu.memory_space<vmem>> -> memref<80xi32, #tpu.memory_space<vmem>>
      %dma_start3A_205 = arith.constant 0 : i32
      %dma_start3A_206 = arith.constant 0 : i32
      %dma_start3A_207 = tpu.memref_slice %arg2[%dma_start3A_205, %dma_start3A_206] : memref<30000x128xf32, #tpu.memory_space<hbm>> -> memref<30000x128xf32, #tpu.memory_space<hbm>>
      tpu.enqueue_indirect_dma source(%dma_start3A_207 : memref<30000x128xf32, #tpu.memory_space<hbm>>) target(%arg6 : memref<80x128xf32, #tpu.memory_space<vmem>>) offsets(%dma_start3A_204 : memref<80xi32, #tpu.memory_space<vmem>>) semaphore(%arg10 : memref<!tpu.dma_semaphore, #tpu.memory_space<semaphore_mem>>)
      %add3A_208 = arith.constant 1 : i32
      %add3A_209 = arith.addi %add3A_120, %add3A_208 : i32
      %mul3A_210 = arith.constant 80 : i32
      %mul3A_211 = arith.muli %add3A_209, %mul3A_210 : i32
      %add3A_212 = arith.addi %mul3A_2, %mul3A_211 : i32
      %dma_wait3A_213 = arith.constant 0 : i32
      %dma_wait3A_214 = tpu.memref_slice %arg4[%add3A_212, %dma_wait3A_213] : memref<320000x128xf32, #tpu.memory_space<hbm>> -> memref<80x128xf32, #tpu.memory_space<hbm>>
      %dma_wait3A_215 = arith.constant 0 : i32
      %dma_wait3A_216 = tpu.memref_slice %arg4[%add3A_212, %dma_wait3A_215] : memref<320000x128xf32, #tpu.memory_space<hbm>> -> memref<80x128xf32, #tpu.memory_space<hbm>>
      tpu.wait_dma2 semaphore(%arg15 : memref<!tpu.dma_semaphore, #tpu.memory_space<semaphore_mem>>) src(%arg7 : memref<80x128xf32, #tpu.memory_space<vmem>>) dst(%dma_wait3A_216 : memref<80x128xf32, #tpu.memory_space<hbm>>)
      %add3A_217 = arith.constant 1 : i32
      %add3A_218 = arith.addi %add3A_120, %add3A_217 : i32
      %add3A_219 = arith.constant 4 : i32
      %add3A_220 = arith.addi %add3A_218, %add3A_219 : i32
      %mul3A_221 = arith.constant 80 : i32
      %mul3A_222 = arith.muli %add3A_220, %mul3A_221 : i32
      %dma_start3A_223 = tpu.memref_slice %arg5[%mul3A_222] : memref<10000xi32, #tpu.memory_space<vmem>> -> memref<80xi32, #tpu.memory_space<vmem>>
      %dma_start3A_224 = arith.constant 0 : i32
      %dma_start3A_225 = arith.constant 0 : i32
      %dma_start3A_226 = tpu.memref_slice %arg2[%dma_start3A_224, %dma_start3A_225] : memref<30000x128xf32, #tpu.memory_space<hbm>> -> memref<30000x128xf32, #tpu.memory_space<hbm>>
      tpu.enqueue_indirect_dma source(%dma_start3A_226 : memref<30000x128xf32, #tpu.memory_space<hbm>>) target(%arg7 : memref<80x128xf32, #tpu.memory_space<vmem>>) offsets(%dma_start3A_223 : memref<80xi32, #tpu.memory_space<vmem>>) semaphore(%arg11 : memref<!tpu.dma_semaphore, #tpu.memory_space<semaphore_mem>>)
      %add3A_227 = arith.constant 2 : i32
      %add3A_228 = arith.addi %add3A_120, %add3A_227 : i32
      %mul3A_229 = arith.constant 80 : i32
      %mul3A_230 = arith.muli %add3A_228, %mul3A_229 : i32
      %add3A_231 = arith.addi %mul3A_2, %mul3A_230 : i32
      %dma_wait3A_232 = arith.constant 0 : i32
      %dma_wait3A_233 = tpu.memref_slice %arg4[%add3A_231, %dma_wait3A_232] : memref<320000x128xf32, #tpu.memory_space<hbm>> -> memref<80x128xf32, #tpu.memory_space<hbm>>
      %dma_wait3A_234 = arith.constant 0 : i32
      %dma_wait3A_235 = tpu.memref_slice %arg4[%add3A_231, %dma_wait3A_234] : memref<320000x128xf32, #tpu.memory_space<hbm>> -> memref<80x128xf32, #tpu.memory_space<hbm>>
      tpu.wait_dma2 semaphore(%arg16 : memref<!tpu.dma_semaphore, #tpu.memory_space<semaphore_mem>>) src(%arg8 : memref<80x128xf32, #tpu.memory_space<vmem>>) dst(%dma_wait3A_235 : memref<80x128xf32, #tpu.memory_space<hbm>>)
      %add3A_236 = arith.constant 2 : i32
      %add3A_237 = arith.addi %add3A_120, %add3A_236 : i32
      %add3A_238 = arith.constant 4 : i32
      %add3A_239 = arith.addi %add3A_237, %add3A_238 : i32
      %mul3A_240 = arith.constant 80 : i32
      %mul3A_241 = arith.muli %add3A_239, %mul3A_240 : i32
      %dma_start3A_242 = tpu.memref_slice %arg5[%mul3A_241] : memref<10000xi32, #tpu.memory_space<vmem>> -> memref<80xi32, #tpu.memory_space<vmem>>
      %dma_start3A_243 = arith.constant 0 : i32
      %dma_start3A_244 = arith.constant 0 : i32
      %dma_start3A_245 = tpu.memref_slice %arg2[%dma_start3A_243, %dma_start3A_244] : memref<30000x128xf32, #tpu.memory_space<hbm>> -> memref<30000x128xf32, #tpu.memory_space<hbm>>
      tpu.enqueue_indirect_dma source(%dma_start3A_245 : memref<30000x128xf32, #tpu.memory_space<hbm>>) target(%arg8 : memref<80x128xf32, #tpu.memory_space<vmem>>) offsets(%dma_start3A_242 : memref<80xi32, #tpu.memory_space<vmem>>) semaphore(%arg12 : memref<!tpu.dma_semaphore, #tpu.memory_space<semaphore_mem>>)
      %add3A_246 = arith.constant 3 : i32
      %add3A_247 = arith.addi %add3A_120, %add3A_246 : i32
      %mul3A_248 = arith.constant 80 : i32
      %mul3A_249 = arith.muli %add3A_247, %mul3A_248 : i32
      %add3A_250 = arith.addi %mul3A_2, %mul3A_249 : i32
      %dma_wait3A_251 = arith.constant 0 : i32
      %dma_wait3A_252 = tpu.memref_slice %arg4[%add3A_250, %dma_wait3A_251] : memref<320000x128xf32, #tpu.memory_space<hbm>> -> memref<80x128xf32, #tpu.memory_space<hbm>>
      %dma_wait3A_253 = arith.constant 0 : i32
      %dma_wait3A_254 = tpu.memref_slice %arg4[%add3A_250, %dma_wait3A_253] : memref<320000x128xf32, #tpu.memory_space<hbm>> -> memref<80x128xf32, #tpu.memory_space<hbm>>
      tpu.wait_dma2 semaphore(%arg17 : memref<!tpu.dma_semaphore, #tpu.memory_space<semaphore_mem>>) src(%arg9 : memref<80x128xf32, #tpu.memory_space<vmem>>) dst(%dma_wait3A_254 : memref<80x128xf32, #tpu.memory_space<hbm>>)
      %add3A_255 = arith.constant 3 : i32
      %add3A_256 = arith.addi %add3A_120, %add3A_255 : i32
      %add3A_257 = arith.constant 4 : i32
      %add3A_258 = arith.addi %add3A_256, %add3A_257 : i32
      %mul3A_259 = arith.constant 80 : i32
      %mul3A_260 = arith.muli %add3A_258, %mul3A_259 : i32
      %dma_start3A_261 = tpu.memref_slice %arg5[%mul3A_260] : memref<10000xi32, #tpu.memory_space<vmem>> -> memref<80xi32, #tpu.memory_space<vmem>>
      %dma_start3A_262 = arith.constant 0 : i32
      %dma_start3A_263 = arith.constant 0 : i32
      %dma_start3A_264 = tpu.memref_slice %arg2[%dma_start3A_262, %dma_start3A_263] : memref<30000x128xf32, #tpu.memory_space<hbm>> -> memref<30000x128xf32, #tpu.memory_space<hbm>>
      tpu.enqueue_indirect_dma source(%dma_start3A_264 : memref<30000x128xf32, #tpu.memory_space<hbm>>) target(%arg9 : memref<80x128xf32, #tpu.memory_space<vmem>>) offsets(%dma_start3A_261 : memref<80xi32, #tpu.memory_space<vmem>>) semaphore(%arg13 : memref<!tpu.dma_semaphore, #tpu.memory_space<semaphore_mem>>)
    }
    %scan3A_47 = arith.constant 30 : i32
    %dma_wait3A_48 = arith.constant 9680 : i32
    %dma_wait3A_49 = tpu.memref_slice %arg5[%dma_wait3A_48] : memref<10000xi32, #tpu.memory_space<vmem>> -> memref<80xi32, #tpu.memory_space<vmem>>
    %dma_wait3A_50 = arith.constant 0 : i32
    %dma_wait3A_51 = arith.constant 0 : i32
    %dma_wait3A_52 = tpu.memref_slice %arg2[%dma_wait3A_50, %dma_wait3A_51] : memref<30000x128xf32, #tpu.memory_space<hbm>> -> memref<30000x128xf32, #tpu.memory_space<hbm>>
    tpu.wait_indirect_dma semaphore(%arg10 : memref<!tpu.dma_semaphore, #tpu.memory_space<semaphore_mem>>) src(%dma_wait3A_52 : memref<30000x128xf32, #tpu.memory_space<hbm>>) dst(%arg6 : memref<80x128xf32, #tpu.memory_space<vmem>>)
    %add3A_53 = arith.constant 9680 : i32
    %add3A_54 = arith.addi %mul3A_2, %add3A_53 : i32
    %dma_start3A_55 = arith.constant 0 : i32
    %dma_start3A_56 = tpu.memref_slice %arg4[%add3A_54, %dma_start3A_55] : memref<320000x128xf32, #tpu.memory_space<hbm>> -> memref<80x128xf32, #tpu.memory_space<hbm>>
    %dma_start3A_57 = arith.constant 0 : i32
    %dma_start3A_58 = tpu.memref_slice %arg4[%add3A_54, %dma_start3A_57] : memref<320000x128xf32, #tpu.memory_space<hbm>> -> memref<80x128xf32, #tpu.memory_space<hbm>>
    tpu.enqueue_dma source(%arg6 : memref<80x128xf32, #tpu.memory_space<vmem>>) target(%dma_start3A_58 : memref<80x128xf32, #tpu.memory_space<hbm>>) target_semaphore(%arg14 : memref<!tpu.dma_semaphore, #tpu.memory_space<semaphore_mem>>)
    %dma_wait3A_59 = arith.constant 9760 : i32
    %dma_wait3A_60 = tpu.memref_slice %arg5[%dma_wait3A_59] : memref<10000xi32, #tpu.memory_space<vmem>> -> memref<80xi32, #tpu.memory_space<vmem>>
    %dma_wait3A_61 = arith.constant 0 : i32
    %dma_wait3A_62 = arith.constant 0 : i32
    %dma_wait3A_63 = tpu.memref_slice %arg2[%dma_wait3A_61, %dma_wait3A_62] : memref<30000x128xf32, #tpu.memory_space<hbm>> -> memref<30000x128xf32, #tpu.memory_space<hbm>>
    tpu.wait_indirect_dma semaphore(%arg11 : memref<!tpu.dma_semaphore, #tpu.memory_space<semaphore_mem>>) src(%dma_wait3A_63 : memref<30000x128xf32, #tpu.memory_space<hbm>>) dst(%arg7 : memref<80x128xf32, #tpu.memory_space<vmem>>)
    %add3A_64 = arith.constant 9760 : i32
    %add3A_65 = arith.addi %mul3A_2, %add3A_64 : i32
    %dma_start3A_66 = arith.constant 0 : i32
    %dma_start3A_67 = tpu.memref_slice %arg4[%add3A_65, %dma_start3A_66] : memref<320000x128xf32, #tpu.memory_space<hbm>> -> memref<80x128xf32, #tpu.memory_space<hbm>>
    %dma_start3A_68 = arith.constant 0 : i32
    %dma_start3A_69 = tpu.memref_slice %arg4[%add3A_65, %dma_start3A_68] : memref<320000x128xf32, #tpu.memory_space<hbm>> -> memref<80x128xf32, #tpu.memory_space<hbm>>
    tpu.enqueue_dma source(%arg7 : memref<80x128xf32, #tpu.memory_space<vmem>>) target(%dma_start3A_69 : memref<80x128xf32, #tpu.memory_space<hbm>>) target_semaphore(%arg15 : memref<!tpu.dma_semaphore, #tpu.memory_space<semaphore_mem>>)
    %dma_wait3A_70 = arith.constant 9840 : i32
    %dma_wait3A_71 = tpu.memref_slice %arg5[%dma_wait3A_70] : memref<10000xi32, #tpu.memory_space<vmem>> -> memref<80xi32, #tpu.memory_space<vmem>>
    %dma_wait3A_72 = arith.constant 0 : i32
    %dma_wait3A_73 = arith.constant 0 : i32
    %dma_wait3A_74 = tpu.memref_slice %arg2[%dma_wait3A_72, %dma_wait3A_73] : memref<30000x128xf32, #tpu.memory_space<hbm>> -> memref<30000x128xf32, #tpu.memory_space<hbm>>
    tpu.wait_indirect_dma semaphore(%arg12 : memref<!tpu.dma_semaphore, #tpu.memory_space<semaphore_mem>>) src(%dma_wait3A_74 : memref<30000x128xf32, #tpu.memory_space<hbm>>) dst(%arg8 : memref<80x128xf32, #tpu.memory_space<vmem>>)
    %add3A_75 = arith.constant 9840 : i32
    %add3A_76 = arith.addi %mul3A_2, %add3A_75 : i32
    %dma_start3A_77 = arith.constant 0 : i32
    %dma_start3A_78 = tpu.memref_slice %arg4[%add3A_76, %dma_start3A_77] : memref<320000x128xf32, #tpu.memory_space<hbm>> -> memref<80x128xf32, #tpu.memory_space<hbm>>
    %dma_start3A_79 = arith.constant 0 : i32
    %dma_start3A_80 = tpu.memref_slice %arg4[%add3A_76, %dma_start3A_79] : memref<320000x128xf32, #tpu.memory_space<hbm>> -> memref<80x128xf32, #tpu.memory_space<hbm>>
    tpu.enqueue_dma source(%arg8 : memref<80x128xf32, #tpu.memory_space<vmem>>) target(%dma_start3A_80 : memref<80x128xf32, #tpu.memory_space<hbm>>) target_semaphore(%arg16 : memref<!tpu.dma_semaphore, #tpu.memory_space<semaphore_mem>>)
    %dma_wait3A_81 = arith.constant 9920 : i32
    %dma_wait3A_82 = tpu.memref_slice %arg5[%dma_wait3A_81] : memref<10000xi32, #tpu.memory_space<vmem>> -> memref<80xi32, #tpu.memory_space<vmem>>
    %dma_wait3A_83 = arith.constant 0 : i32
    %dma_wait3A_84 = arith.constant 0 : i32
    %dma_wait3A_85 = tpu.memref_slice %arg2[%dma_wait3A_83, %dma_wait3A_84] : memref<30000x128xf32, #tpu.memory_space<hbm>> -> memref<30000x128xf32, #tpu.memory_space<hbm>>
    tpu.wait_indirect_dma semaphore(%arg13 : memref<!tpu.dma_semaphore, #tpu.memory_space<semaphore_mem>>) src(%dma_wait3A_85 : memref<30000x128xf32, #tpu.memory_space<hbm>>) dst(%arg9 : memref<80x128xf32, #tpu.memory_space<vmem>>)
    %add3A_86 = arith.constant 9920 : i32
    %add3A_87 = arith.addi %mul3A_2, %add3A_86 : i32
    %dma_start3A_88 = arith.constant 0 : i32
    %dma_start3A_89 = tpu.memref_slice %arg4[%add3A_87, %dma_start3A_88] : memref<320000x128xf32, #tpu.memory_space<hbm>> -> memref<80x128xf32, #tpu.memory_space<hbm>>
    %dma_start3A_90 = arith.constant 0 : i32
    %dma_start3A_91 = tpu.memref_slice %arg4[%add3A_87, %dma_start3A_90] : memref<320000x128xf32, #tpu.memory_space<hbm>> -> memref<80x128xf32, #tpu.memory_space<hbm>>
    tpu.enqueue_dma source(%arg9 : memref<80x128xf32, #tpu.memory_space<vmem>>) target(%dma_start3A_91 : memref<80x128xf32, #tpu.memory_space<hbm>>) target_semaphore(%arg17 : memref<!tpu.dma_semaphore, #tpu.memory_space<semaphore_mem>>)
    %add3A_92 = arith.constant 9680 : i32
    %add3A_93 = arith.addi %mul3A_2, %add3A_92 : i32
    %dma_wait3A_94 = arith.constant 0 : i32
    %dma_wait3A_95 = tpu.memref_slice %arg4[%add3A_93, %dma_wait3A_94] : memref<320000x128xf32, #tpu.memory_space<hbm>> -> memref<80x128xf32, #tpu.memory_space<hbm>>
    %dma_wait3A_96 = arith.constant 0 : i32
    %dma_wait3A_97 = tpu.memref_slice %arg4[%add3A_93, %dma_wait3A_96] : memref<320000x128xf32, #tpu.memory_space<hbm>> -> memref<80x128xf32, #tpu.memory_space<hbm>>
    tpu.wait_dma2 semaphore(%arg14 : memref<!tpu.dma_semaphore, #tpu.memory_space<semaphore_mem>>) src(%arg6 : memref<80x128xf32, #tpu.memory_space<vmem>>) dst(%dma_wait3A_97 : memref<80x128xf32, #tpu.memory_space<hbm>>)
    %add3A_98 = arith.constant 9760 : i32
    %add3A_99 = arith.addi %mul3A_2, %add3A_98 : i32
    %dma_wait3A_100 = arith.constant 0 : i32
    %dma_wait3A_101 = tpu.memref_slice %arg4[%add3A_99, %dma_wait3A_100] : memref<320000x128xf32, #tpu.memory_space<hbm>> -> memref<80x128xf32, #tpu.memory_space<hbm>>
    %dma_wait3A_102 = arith.constant 0 : i32
    %dma_wait3A_103 = tpu.memref_slice %arg4[%add3A_99, %dma_wait3A_102] : memref<320000x128xf32, #tpu.memory_space<hbm>> -> memref<80x128xf32, #tpu.memory_space<hbm>>
    tpu.wait_dma2 semaphore(%arg15 : memref<!tpu.dma_semaphore, #tpu.memory_space<semaphore_mem>>) src(%arg7 : memref<80x128xf32, #tpu.memory_space<vmem>>) dst(%dma_wait3A_103 : memref<80x128xf32, #tpu.memory_space<hbm>>)
    %add3A_104 = arith.constant 9840 : i32
    %add3A_105 = arith.addi %mul3A_2, %add3A_104 : i32
    %dma_wait3A_106 = arith.constant 0 : i32
    %dma_wait3A_107 = tpu.memref_slice %arg4[%add3A_105, %dma_wait3A_106] : memref<320000x128xf32, #tpu.memory_space<hbm>> -> memref<80x128xf32, #tpu.memory_space<hbm>>
    %dma_wait3A_108 = arith.constant 0 : i32
    %dma_wait3A_109 = tpu.memref_slice %arg4[%add3A_105, %dma_wait3A_108] : memref<320000x128xf32, #tpu.memory_space<hbm>> -> memref<80x128xf32, #tpu.memory_space<hbm>>
    tpu.wait_dma2 semaphore(%arg16 : memref<!tpu.dma_semaphore, #tpu.memory_space<semaphore_mem>>) src(%arg8 : memref<80x128xf32, #tpu.memory_space<vmem>>) dst(%dma_wait3A_109 : memref<80x128xf32, #tpu.memory_space<hbm>>)
    %add3A_110 = arith.constant 9920 : i32
    %add3A_111 = arith.addi %mul3A_2, %add3A_110 : i32
    %dma_wait3A_112 = arith.constant 0 : i32
    %dma_wait3A_113 = tpu.memref_slice %arg4[%add3A_111, %dma_wait3A_112] : memref<320000x128xf32, #tpu.memory_space<hbm>> -> memref<80x128xf32, #tpu.memory_space<hbm>>
    %dma_wait3A_114 = arith.constant 0 : i32
    %dma_wait3A_115 = tpu.memref_slice %arg4[%add3A_111, %dma_wait3A_114] : memref<320000x128xf32, #tpu.memory_space<hbm>> -> memref<80x128xf32, #tpu.memory_space<hbm>>
    tpu.wait_dma2 semaphore(%arg17 : memref<!tpu.dma_semaphore, #tpu.memory_space<semaphore_mem>>) src(%arg9 : memref<80x128xf32, #tpu.memory_space<vmem>>) dst(%dma_wait3A_115 : memref<80x128xf32, #tpu.memory_space<hbm>>)
    return
  }
}

module attributes {stable_mosaic.version = 14 : i64} {
  func.func @_norm_body(%arg0: i32, %arg1: memref<1000x128xf32, #tpu.memory_space<vmem>>, %arg2: memref<1000x128xf32, #tpu.memory_space<vmem>>) attributes {dimension_semantics = [#tpu.dimension_semantics<arbitrary>], iteration_bounds = array<i64: 30>, scalar_prefetch = 0 : i64, scratch_operands = 0 : i64, tpu.core_type = #tpu.core_type<tc>, window_params = [{transform_indices = @transform_0, window_bounds = array<i64: 1000, 128>}, {transform_indices = @transform_1, window_bounds = array<i64: 1000, 128>}]} {
    %iota3A = tpu.iota {dimensions = array<i32: 0>} : vector<128x128xi32>
    %jit3A = arith.constant 32 : i32
    %div3A = vector.broadcast %jit3A : i32 to vector<128x128xi32>
    %div3A_0 = arith.divsi %iota3A, %div3A : vector<128x128xi32>
    %sign3A = arith.constant 0 : i32
    %sign3A_1 = vector.broadcast %sign3A : i32 to vector<128x128xi32>
    %sign3A_2 = arith.cmpi sgt, %iota3A, %sign3A_1 : vector<128x128xi32>
    %sign3A_3 = arith.extui %sign3A_2 : vector<128x128xi1> to vector<128x128xi32>
    %sign3A_4 = arith.constant 0 : i32
    %sign3A_5 = vector.broadcast %sign3A_4 : i32 to vector<128x128xi32>
    %sign3A_6 = arith.cmpi slt, %iota3A, %sign3A_5 : vector<128x128xi32>
    %sign3A_7 = arith.extui %sign3A_6 : vector<128x128xi1> to vector<128x128xi32>
    %sign3A_8 = arith.subi %sign3A_3, %sign3A_7 : vector<128x128xi32>
    %sign3A_9 = arith.constant 0 : i32
    %sign3A_10 = arith.cmpi sgt, %jit3A, %sign3A_9 : i32
    %sign3A_11 = arith.extui %sign3A_10 : i1 to i32
    %sign3A_12 = arith.constant 0 : i32
    %sign3A_13 = arith.cmpi slt, %jit3A, %sign3A_12 : i32
    %sign3A_14 = arith.extui %sign3A_13 : i1 to i32
    %sign3A_15 = arith.subi %sign3A_11, %sign3A_14 : i32
    %ne3A = vector.broadcast %sign3A_15 : i32 to vector<128x128xi32>
    %ne3A_16 = arith.cmpi ne, %sign3A_8, %ne3A : vector<128x128xi32>
    %rem3A = vector.broadcast %jit3A : i32 to vector<128x128xi32>
    %rem3A_17 = arith.remsi %iota3A, %rem3A : vector<128x128xi32>
    %ne3A_18 = arith.constant 0 : i32
    %ne3A_19 = vector.broadcast %ne3A_18 : i32 to vector<128x128xi32>
    %ne3A_20 = arith.cmpi ne, %rem3A_17, %ne3A_19 : vector<128x128xi32>
    %and3A = arith.andi %ne3A_16, %ne3A_20 : vector<128x128xi1>
    %sub3A = arith.constant 1 : i32
    %sub3A_21 = vector.broadcast %sub3A : i32 to vector<128x128xi32>
    %sub3A_22 = arith.subi %div3A_0, %sub3A_21 : vector<128x128xi32>
    %select_n3A = arith.select %and3A, %sub3A_22, %div3A_0 : vector<128x128xi1>, vector<128x128xi32>
    %iota3A_23 = tpu.iota {dimensions = array<i32: 1>} : vector<128x128xi32>
    %jit3A_24 = arith.constant 32 : i32
    %div3A_25 = vector.broadcast %jit3A_24 : i32 to vector<128x128xi32>
    %div3A_26 = arith.divsi %iota3A_23, %div3A_25 : vector<128x128xi32>
    %sign3A_27 = arith.constant 0 : i32
    %sign3A_28 = vector.broadcast %sign3A_27 : i32 to vector<128x128xi32>
    %sign3A_29 = arith.cmpi sgt, %iota3A_23, %sign3A_28 : vector<128x128xi32>
    %sign3A_30 = arith.extui %sign3A_29 : vector<128x128xi1> to vector<128x128xi32>
    %sign3A_31 = arith.constant 0 : i32
    %sign3A_32 = vector.broadcast %sign3A_31 : i32 to vector<128x128xi32>
    %sign3A_33 = arith.cmpi slt, %iota3A_23, %sign3A_32 : vector<128x128xi32>
    %sign3A_34 = arith.extui %sign3A_33 : vector<128x128xi1> to vector<128x128xi32>
    %sign3A_35 = arith.subi %sign3A_30, %sign3A_34 : vector<128x128xi32>
    %sign3A_36 = arith.constant 0 : i32
    %sign3A_37 = arith.cmpi sgt, %jit3A_24, %sign3A_36 : i32
    %sign3A_38 = arith.extui %sign3A_37 : i1 to i32
    %sign3A_39 = arith.constant 0 : i32
    %sign3A_40 = arith.cmpi slt, %jit3A_24, %sign3A_39 : i32
    %sign3A_41 = arith.extui %sign3A_40 : i1 to i32
    %sign3A_42 = arith.subi %sign3A_38, %sign3A_41 : i32
    %ne3A_43 = vector.broadcast %sign3A_42 : i32 to vector<128x128xi32>
    %ne3A_44 = arith.cmpi ne, %sign3A_35, %ne3A_43 : vector<128x128xi32>
    %rem3A_45 = vector.broadcast %jit3A_24 : i32 to vector<128x128xi32>
    %rem3A_46 = arith.remsi %iota3A_23, %rem3A_45 : vector<128x128xi32>
    %ne3A_47 = arith.constant 0 : i32
    %ne3A_48 = vector.broadcast %ne3A_47 : i32 to vector<128x128xi32>
    %ne3A_49 = arith.cmpi ne, %rem3A_46, %ne3A_48 : vector<128x128xi32>
    %and3A_50 = arith.andi %ne3A_44, %ne3A_49 : vector<128x128xi1>
    %sub3A_51 = arith.constant 1 : i32
    %sub3A_52 = vector.broadcast %sub3A_51 : i32 to vector<128x128xi32>
    %sub3A_53 = arith.subi %div3A_26, %sub3A_52 : vector<128x128xi32>
    %select_n3A_54 = arith.select %and3A_50, %sub3A_53, %div3A_26 : vector<128x128xi1>, vector<128x128xi32>
    %eq3A = arith.cmpi eq, %select_n3A, %select_n3A_54 : vector<128x128xi32>
    %convert_element_type3A = arith.extui %eq3A : vector<128x128xi1> to vector<128x128xi32>
    %convert_element_type3A_55 = arith.sitofp %convert_element_type3A : vector<128x128xi32> to vector<128x128xf32>
    %get3A = arith.constant 0 : index
    %get3A_56 = arith.constant 0 : index
    %get3A_57 = vector.load %arg1[%get3A, %get3A_56] : memref<1000x128xf32, #tpu.memory_space<vmem>>, vector<1000x128xf32>
    %mul3A = arith.mulf %get3A_57, %get3A_57 : vector<1000x128xf32>
    %dot_general3A = arith.constant dense<0.000000e+00> : vector<1000x128xf32>
    %dot_general3A_58 = tpu.matmul %mul3A, %convert_element_type3A_55, %dot_general3A {dimension_numbers = #tpu.dot_dimension_numbers<[1], [0], [0], [1], [0, 0, 1, 1], [], []>, transpose_lhs_hint = false} : vector<1000x128xf32>, vector<128x128xf32>, vector<1000x128xf32> -> vector<1000x128xf32>
    %sqrt3A = math.sqrt %dot_general3A_58 : vector<1000x128xf32>
    %max3A = arith.constant 9.99999996E-13 : f32
    %max3A_59 = vector.broadcast %max3A : f32 to vector<1000x128xf32>
    %max3A_60 = arith.maximumf %sqrt3A, %max3A_59 : vector<1000x128xf32>
    %div3A_61 = arith.constant 1.000000e+00 : f32
    %div3A_62 = vector.broadcast %div3A_61 : f32 to vector<1000x128xf32>
    %div3A_63 = arith.divf %div3A_62, %max3A_60 : vector<1000x128xf32>
    %mul3A_64 = arith.mulf %get3A_57, %div3A_63 : vector<1000x128xf32>
    %swap3A = arith.constant 0 : index
    %swap3A_65 = arith.constant 0 : index
    %swap3A_66 = vector.load %arg2[%swap3A, %swap3A_65] : memref<1000x128xf32, #tpu.memory_space<vmem>>, vector<1000x128xf32>
    tpu.vector_store %arg2[%swap3A, %swap3A_65], %mul3A_64 {strides = array<i32>} : memref<1000x128xf32, #tpu.memory_space<vmem>>, vector<1000x128xf32>,
    return
  }
  func.func @transform_0(%arg0: i32) -> (i32, i32) {
    %c0_i32 = arith.constant 0 : i32
    %c0_i32_0 = arith.constant 0 : i32
    return %arg0, %c0_i32 : i32, i32
  }
  func.func @transform_1(%arg0: i32) -> (i32, i32) {
    %c0_i32 = arith.constant 0 : i32
    %c0_i32_0 = arith.constant 0 : i32
    return %arg0, %c0_i32 : i32, i32
  }
}

module attributes {stable_mosaic.version = 14 : i64} {
  func.func @_routing_body(%arg0: i32, %arg1: memref<1x6400x128xf32, #tpu.memory_space<vmem>>, %arg2: memref<200x128xf32, #tpu.memory_space<vmem>>, %arg3: memref<200x128xf32, #tpu.memory_space<vmem>>) attributes {dimension_semantics = [#tpu.dimension_semantics<arbitrary>], iteration_bounds = array<i64: 10>, scalar_prefetch = 0 : i64, scratch_operands = 0 : i64, tpu.core_type = #tpu.core_type<tc>, window_params = [{transform_indices = @transform_0, window_bounds = array<i64: 1, 6400, 128>}, {transform_indices = @transform_1, window_bounds = array<i64: 200, 128>}, {transform_indices = @transform_2, window_bounds = array<i64: 200, 128>}]} {
    %iota3A = tpu.iota {dimensions = array<i32: 0>} : vector<128x4xi32>
    %jit3A = arith.constant 32 : i32
    %div3A = vector.broadcast %jit3A : i32 to vector<128x4xi32>
    %div3A_0 = arith.divsi %iota3A, %div3A : vector<128x4xi32>
    %sign3A = arith.constant 0 : i32
    %sign3A_1 = vector.broadcast %sign3A : i32 to vector<128x4xi32>
    %sign3A_2 = arith.cmpi sgt, %iota3A, %sign3A_1 : vector<128x4xi32>
    %sign3A_3 = arith.extui %sign3A_2 : vector<128x4xi1> to vector<128x4xi32>
    %sign3A_4 = arith.constant 0 : i32
    %sign3A_5 = vector.broadcast %sign3A_4 : i32 to vector<128x4xi32>
    %sign3A_6 = arith.cmpi slt, %iota3A, %sign3A_5 : vector<128x4xi32>
    %sign3A_7 = arith.extui %sign3A_6 : vector<128x4xi1> to vector<128x4xi32>
    %sign3A_8 = arith.subi %sign3A_3, %sign3A_7 : vector<128x4xi32>
    %sign3A_9 = arith.constant 0 : i32
    %sign3A_10 = arith.cmpi sgt, %jit3A, %sign3A_9 : i32
    %sign3A_11 = arith.extui %sign3A_10 : i1 to i32
    %sign3A_12 = arith.constant 0 : i32
    %sign3A_13 = arith.cmpi slt, %jit3A, %sign3A_12 : i32
    %sign3A_14 = arith.extui %sign3A_13 : i1 to i32
    %sign3A_15 = arith.subi %sign3A_11, %sign3A_14 : i32
    %ne3A = vector.broadcast %sign3A_15 : i32 to vector<128x4xi32>
    %ne3A_16 = arith.cmpi ne, %sign3A_8, %ne3A : vector<128x4xi32>
    %rem3A = vector.broadcast %jit3A : i32 to vector<128x4xi32>
    %rem3A_17 = arith.remsi %iota3A, %rem3A : vector<128x4xi32>
    %ne3A_18 = arith.constant 0 : i32
    %ne3A_19 = vector.broadcast %ne3A_18 : i32 to vector<128x4xi32>
    %ne3A_20 = arith.cmpi ne, %rem3A_17, %ne3A_19 : vector<128x4xi32>
    %and3A = arith.andi %ne3A_16, %ne3A_20 : vector<128x4xi1>
    %sub3A = arith.constant 1 : i32
    %sub3A_21 = vector.broadcast %sub3A : i32 to vector<128x4xi32>
    %sub3A_22 = arith.subi %div3A_0, %sub3A_21 : vector<128x4xi32>
    %select_n3A = arith.select %and3A, %sub3A_22, %div3A_0 : vector<128x4xi1>, vector<128x4xi32>
    %iota3A_23 = tpu.iota {dimensions = array<i32: 1>} : vector<128x4xi32>
    %eq3A = arith.cmpi eq, %select_n3A, %iota3A_23 : vector<128x4xi32>
    %convert_element_type3A = arith.extui %eq3A : vector<128x4xi1> to vector<128x4xi32>
    %convert_element_type3A_24 = arith.sitofp %convert_element_type3A : vector<128x4xi32> to vector<128x4xf32>
    %iota3A_25 = tpu.iota {dimensions = array<i32: 0>} : vector<128x128xi32>
    %jit3A_26 = arith.constant 32 : i32
    %div3A_27 = vector.broadcast %jit3A_26 : i32 to vector<128x128xi32>
    %div3A_28 = arith.divsi %iota3A_25, %div3A_27 : vector<128x128xi32>
    %sign3A_29 = arith.constant 0 : i32
    %sign3A_30 = vector.broadcast %sign3A_29 : i32 to vector<128x128xi32>
    %sign3A_31 = arith.cmpi sgt, %iota3A_25, %sign3A_30 : vector<128x128xi32>
    %sign3A_32 = arith.extui %sign3A_31 : vector<128x128xi1> to vector<128x128xi32>
    %sign3A_33 = arith.constant 0 : i32
    %sign3A_34 = vector.broadcast %sign3A_33 : i32 to vector<128x128xi32>
    %sign3A_35 = arith.cmpi slt, %iota3A_25, %sign3A_34 : vector<128x128xi32>
    %sign3A_36 = arith.extui %sign3A_35 : vector<128x128xi1> to vector<128x128xi32>
    %sign3A_37 = arith.subi %sign3A_32, %sign3A_36 : vector<128x128xi32>
    %sign3A_38 = arith.constant 0 : i32
    %sign3A_39 = arith.cmpi sgt, %jit3A_26, %sign3A_38 : i32
    %sign3A_40 = arith.extui %sign3A_39 : i1 to i32
    %sign3A_41 = arith.constant 0 : i32
    %sign3A_42 = arith.cmpi slt, %jit3A_26, %sign3A_41 : i32
    %sign3A_43 = arith.extui %sign3A_42 : i1 to i32
    %sign3A_44 = arith.subi %sign3A_40, %sign3A_43 : i32
    %ne3A_45 = vector.broadcast %sign3A_44 : i32 to vector<128x128xi32>
    %ne3A_46 = arith.cmpi ne, %sign3A_37, %ne3A_45 : vector<128x128xi32>
    %rem3A_47 = vector.broadcast %jit3A_26 : i32 to vector<128x128xi32>
    %rem3A_48 = arith.remsi %iota3A_25, %rem3A_47 : vector<128x128xi32>
    %ne3A_49 = arith.constant 0 : i32
    %ne3A_50 = vector.broadcast %ne3A_49 : i32 to vector<128x128xi32>
    %ne3A_51 = arith.cmpi ne, %rem3A_48, %ne3A_50 : vector<128x128xi32>
    %and3A_52 = arith.andi %ne3A_46, %ne3A_51 : vector<128x128xi1>
    %sub3A_53 = arith.constant 1 : i32
    %sub3A_54 = vector.broadcast %sub3A_53 : i32 to vector<128x128xi32>
    %sub3A_55 = arith.subi %div3A_28, %sub3A_54 : vector<128x128xi32>
    %select_n3A_56 = arith.select %and3A_52, %sub3A_55, %div3A_28 : vector<128x128xi1>, vector<128x128xi32>
    %iota3A_57 = tpu.iota {dimensions = array<i32: 1>} : vector<128x128xi32>
    %jit3A_58 = arith.constant 32 : i32
    %div3A_59 = vector.broadcast %jit3A_58 : i32 to vector<128x128xi32>
    %div3A_60 = arith.divsi %iota3A_57, %div3A_59 : vector<128x128xi32>
    %sign3A_61 = arith.constant 0 : i32
    %sign3A_62 = vector.broadcast %sign3A_61 : i32 to vector<128x128xi32>
    %sign3A_63 = arith.cmpi sgt, %iota3A_57, %sign3A_62 : vector<128x128xi32>
    %sign3A_64 = arith.extui %sign3A_63 : vector<128x128xi1> to vector<128x128xi32>
    %sign3A_65 = arith.constant 0 : i32
    %sign3A_66 = vector.broadcast %sign3A_65 : i32 to vector<128x128xi32>
    %sign3A_67 = arith.cmpi slt, %iota3A_57, %sign3A_66 : vector<128x128xi32>
    %sign3A_68 = arith.extui %sign3A_67 : vector<128x128xi1> to vector<128x128xi32>
    %sign3A_69 = arith.subi %sign3A_64, %sign3A_68 : vector<128x128xi32>
    %sign3A_70 = arith.constant 0 : i32
    %sign3A_71 = arith.cmpi sgt, %jit3A_58, %sign3A_70 : i32
    %sign3A_72 = arith.extui %sign3A_71 : i1 to i32
    %sign3A_73 = arith.constant 0 : i32
    %sign3A_74 = arith.cmpi slt, %jit3A_58, %sign3A_73 : i32
    %sign3A_75 = arith.extui %sign3A_74 : i1 to i32
    %sign3A_76 = arith.subi %sign3A_72, %sign3A_75 : i32
    %ne3A_77 = vector.broadcast %sign3A_76 : i32 to vector<128x128xi32>
    %ne3A_78 = arith.cmpi ne, %sign3A_69, %ne3A_77 : vector<128x128xi32>
    %rem3A_79 = vector.broadcast %jit3A_58 : i32 to vector<128x128xi32>
    %rem3A_80 = arith.remsi %iota3A_57, %rem3A_79 : vector<128x128xi32>
    %ne3A_81 = arith.constant 0 : i32
    %ne3A_82 = vector.broadcast %ne3A_81 : i32 to vector<128x128xi32>
    %ne3A_83 = arith.cmpi ne, %rem3A_80, %ne3A_82 : vector<128x128xi32>
    %and3A_84 = arith.andi %ne3A_78, %ne3A_83 : vector<128x128xi1>
    %sub3A_85 = arith.constant 1 : i32
    %sub3A_86 = vector.broadcast %sub3A_85 : i32 to vector<128x128xi32>
    %sub3A_87 = arith.subi %div3A_60, %sub3A_86 : vector<128x128xi32>
    %select_n3A_88 = arith.select %and3A_84, %sub3A_87, %div3A_60 : vector<128x128xi1>, vector<128x128xi32>
    %eq3A_89 = arith.cmpi eq, %select_n3A_56, %select_n3A_88 : vector<128x128xi32>
    %convert_element_type3A_90 = arith.extui %eq3A_89 : vector<128x128xi1> to vector<128x128xi32>
    %convert_element_type3A_91 = arith.sitofp %convert_element_type3A_90 : vector<128x128xi32> to vector<128x128xf32>
    %get3A = arith.constant 0 : index
    %get3A_92 = arith.constant 0 : index
    %get3A_93 = arith.constant 0 : index
    %get3A_94 = vector.load %arg1[%get3A, %get3A_92, %get3A_93] : memref<1x6400x128xf32, #tpu.memory_space<vmem>>, vector<1x6400x128xf32>
    %get3A_95 = vector.shape_cast %get3A_94 : vector<1x6400x128xf32> to vector<6400x128xf32>
    %reshape3A = vector.shape_cast %get3A_95 : vector<6400x128xf32> to vector<200x32x128xf32>
    %get3A_96 = arith.constant 0 : index
    %get3A_97 = arith.constant 0 : index
    %get3A_98 = vector.load %arg2[%get3A_96, %get3A_97] : memref<200x128xf32, #tpu.memory_space<vmem>>, vector<200x128xf32>
    %slice3A = vector.extract_strided_slice %reshape3A {offsets = [0, 0, 0], sizes = [200, 16, 128], strides = [1, 1, 1]} : vector<200x32x128xf32> to vector<200x16x128xf32>
    %slice3A_99 = vector.extract_strided_slice %reshape3A {offsets = [0, 16, 0], sizes = [200, 16, 128], strides = [1, 1, 1]} : vector<200x32x128xf32> to vector<200x16x128xf32>
    %add3A = arith.addf %slice3A, %slice3A_99 : vector<200x16x128xf32>
    %slice3A_100 = vector.extract_strided_slice %add3A {offsets = [0, 0, 0], sizes = [200, 8, 128], strides = [1, 1, 1]} : vector<200x16x128xf32> to vector<200x8x128xf32>
    %slice3A_101 = vector.extract_strided_slice %add3A {offsets = [0, 8, 0], sizes = [200, 8, 128], strides = [1, 1, 1]} : vector<200x16x128xf32> to vector<200x8x128xf32>
    %add3A_102 = arith.addf %slice3A_100, %slice3A_101 : vector<200x8x128xf32>
    %slice3A_103 = vector.extract_strided_slice %add3A_102 {offsets = [0, 0, 0], sizes = [200, 4, 128], strides = [1, 1, 1]} : vector<200x8x128xf32> to vector<200x4x128xf32>
    %slice3A_104 = vector.extract_strided_slice %add3A_102 {offsets = [0, 4, 0], sizes = [200, 4, 128], strides = [1, 1, 1]} : vector<200x8x128xf32> to vector<200x4x128xf32>
    %add3A_105 = arith.addf %slice3A_103, %slice3A_104 : vector<200x4x128xf32>
    %slice3A_106 = vector.extract_strided_slice %add3A_105 {offsets = [0, 0, 0], sizes = [200, 2, 128], strides = [1, 1, 1]} : vector<200x4x128xf32> to vector<200x2x128xf32>
    %slice3A_107 = vector.extract_strided_slice %add3A_105 {offsets = [0, 2, 0], sizes = [200, 2, 128], strides = [1, 1, 1]} : vector<200x4x128xf32> to vector<200x2x128xf32>
    %add3A_108 = arith.addf %slice3A_106, %slice3A_107 : vector<200x2x128xf32>
    %slice3A_109 = vector.extract_strided_slice %add3A_108 {offsets = [0, 0, 0], sizes = [200, 1, 128], strides = [1, 1, 1]} : vector<200x2x128xf32> to vector<200x1x128xf32>
    %slice3A_110 = vector.extract_strided_slice %add3A_108 {offsets = [0, 1, 0], sizes = [200, 1, 128], strides = [1, 1, 1]} : vector<200x2x128xf32> to vector<200x1x128xf32>
    %add3A_111 = arith.addf %slice3A_109, %slice3A_110 : vector<200x1x128xf32>
    %squeeze3A = vector.shape_cast %add3A_111 : vector<200x1x128xf32> to vector<200x128xf32>
    %mul3A = arith.constant 2.500000e-01 : f32
    %mul3A_112 = vector.broadcast %mul3A : f32 to vector<200x128xf32>
    %mul3A_113 = arith.mulf %mul3A_112, %squeeze3A : vector<200x128xf32>
    %add3A_114 = arith.addf %mul3A_113, %get3A_98 : vector<200x128xf32>
    %mul3A_115 = arith.mulf %add3A_114, %add3A_114 : vector<200x128xf32>
    %dot_general3A = arith.constant dense<0.000000e+00> : vector<200x128xf32>
    %dot_general3A_116 = tpu.matmul %mul3A_115, %convert_element_type3A_91, %dot_general3A {dimension_numbers = #tpu.dot_dimension_numbers<[1], [0], [0], [1], [0, 0, 1, 1], [], []>, transpose_lhs_hint = false} : vector<200x128xf32>, vector<128x128xf32>, vector<200x128xf32> -> vector<200x128xf32>
    %sqrt3A = math.sqrt %dot_general3A_116 : vector<200x128xf32>
    %max3A = arith.constant 9.99999996E-13 : f32
    %max3A_117 = vector.broadcast %max3A : f32 to vector<200x128xf32>
    %max3A_118 = arith.maximumf %sqrt3A, %max3A_117 : vector<200x128xf32>
    %div3A_119 = arith.constant 1.000000e+00 : f32
    %div3A_120 = vector.broadcast %div3A_119 : f32 to vector<200x128xf32>
    %div3A_121 = arith.divf %div3A_120, %max3A_118 : vector<200x128xf32>
    %mul3A_122 = arith.mulf %add3A_114, %div3A_121 : vector<200x128xf32>
    %broadcast_in_dim3A = arith.constant 1.000000e+00 : f32
    %broadcast_in_dim3A_123 = vector.broadcast %broadcast_in_dim3A : f32 to vector<4x4xf32>
    %broadcast_in_dim3A_124 = vector.shape_cast %mul3A_122 : vector<200x128xf32> to vector<200x1x128xf32>
    %mul3A_125 = vector.broadcast %broadcast_in_dim3A_124 : vector<200x1x128xf32> to vector<200x32x128xf32>
    %mul3A_126 = arith.mulf %reshape3A, %mul3A_125 : vector<200x32x128xf32>
    %reshape3A_127 = vector.shape_cast %mul3A_126 : vector<200x32x128xf32> to vector<6400x128xf32>
    %dot_general3A_128 = arith.constant dense<0.000000e+00> : vector<6400x4xf32>
    %dot_general3A_129 = tpu.matmul %reshape3A_127, %convert_element_type3A_24, %dot_general3A_128 {dimension_numbers = #tpu.dot_dimension_numbers<[1], [0], [0], [1], [0, 0, 1, 1], [], []>, transpose_lhs_hint = false} : vector<6400x128xf32>, vector<128x4xf32>, vector<6400x4xf32> -> vector<6400x4xf32>
    %exp3A = math.exp %dot_general3A_129 : vector<6400x4xf32>
    %dot_general3A_130 = arith.constant dense<0.000000e+00> : vector<6400x4xf32>
    %dot_general3A_131 = tpu.matmul %exp3A, %broadcast_in_dim3A_123, %dot_general3A_130 {dimension_numbers = #tpu.dot_dimension_numbers<[1], [0], [0], [1], [0, 0, 1, 1], [], []>, transpose_lhs_hint = false} : vector<6400x4xf32>, vector<4x4xf32>, vector<6400x4xf32> -> vector<6400x4xf32>
    %div3A_132 = arith.constant 1.000000e+00 : f32
    %div3A_133 = vector.broadcast %div3A_132 : f32 to vector<6400x4xf32>
    %div3A_134 = arith.divf %div3A_133, %dot_general3A_131 : vector<6400x4xf32>
    %mul3A_135 = arith.mulf %exp3A, %div3A_134 : vector<6400x4xf32>
    %transpose3A = tpu.transpose %convert_element_type3A_24, [1, 0] : vector<128x4xf32> -> vector<4x128xf32>
    %dot_general3A_136 = arith.constant dense<0.000000e+00> : vector<6400x128xf32>
    %dot_general3A_137 = tpu.matmul %mul3A_135, %transpose3A, %dot_general3A_136 {dimension_numbers = #tpu.dot_dimension_numbers<[1], [0], [0], [1], [0, 0, 1, 1], [], []>, transpose_lhs_hint = false} : vector<6400x4xf32>, vector<4x128xf32>, vector<6400x128xf32> -> vector<6400x128xf32>
    %reshape3A_138 = vector.shape_cast %dot_general3A_137 : vector<6400x128xf32> to vector<200x32x128xf32>
    %mul3A_139 = arith.mulf %reshape3A_138, %reshape3A : vector<200x32x128xf32>
    %slice3A_140 = vector.extract_strided_slice %mul3A_139 {offsets = [0, 0, 0], sizes = [200, 16, 128], strides = [1, 1, 1]} : vector<200x32x128xf32> to vector<200x16x128xf32>
    %slice3A_141 = vector.extract_strided_slice %mul3A_139 {offsets = [0, 16, 0], sizes = [200, 16, 128], strides = [1, 1, 1]} : vector<200x32x128xf32> to vector<200x16x128xf32>
    %add3A_142 = arith.addf %slice3A_140, %slice3A_141 : vector<200x16x128xf32>
    %slice3A_143 = vector.extract_strided_slice %add3A_142 {offsets = [0, 0, 0], sizes = [200, 8, 128], strides = [1, 1, 1]} : vector<200x16x128xf32> to vector<200x8x128xf32>
    %slice3A_144 = vector.extract_strided_slice %add3A_142 {offsets = [0, 8, 0], sizes = [200, 8, 128], strides = [1, 1, 1]} : vector<200x16x128xf32> to vector<200x8x128xf32>
    %add3A_145 = arith.addf %slice3A_143, %slice3A_144 : vector<200x8x128xf32>
    %slice3A_146 = vector.extract_strided_slice %add3A_145 {offsets = [0, 0, 0], sizes = [200, 4, 128], strides = [1, 1, 1]} : vector<200x8x128xf32> to vector<200x4x128xf32>
    %slice3A_147 = vector.extract_strided_slice %add3A_145 {offsets = [0, 4, 0], sizes = [200, 4, 128], strides = [1, 1, 1]} : vector<200x8x128xf32> to vector<200x4x128xf32>
    %add3A_148 = arith.addf %slice3A_146, %slice3A_147 : vector<200x4x128xf32>
    %slice3A_149 = vector.extract_strided_slice %add3A_148 {offsets = [0, 0, 0], sizes = [200, 2, 128], strides = [1, 1, 1]} : vector<200x4x128xf32> to vector<200x2x128xf32>
    %slice3A_150 = vector.extract_strided_slice %add3A_148 {offsets = [0, 2, 0], sizes = [200, 2, 128], strides = [1, 1, 1]} : vector<200x4x128xf32> to vector<200x2x128xf32>
    %add3A_151 = arith.addf %slice3A_149, %slice3A_150 : vector<200x2x128xf32>
    %slice3A_152 = vector.extract_strided_slice %add3A_151 {offsets = [0, 0, 0], sizes = [200, 1, 128], strides = [1, 1, 1]} : vector<200x2x128xf32> to vector<200x1x128xf32>
    %slice3A_153 = vector.extract_strided_slice %add3A_151 {offsets = [0, 1, 0], sizes = [200, 1, 128], strides = [1, 1, 1]} : vector<200x2x128xf32> to vector<200x1x128xf32>
    %add3A_154 = arith.addf %slice3A_152, %slice3A_153 : vector<200x1x128xf32>
    %squeeze3A_155 = vector.shape_cast %add3A_154 : vector<200x1x128xf32> to vector<200x128xf32>
    %add3A_156 = arith.addf %squeeze3A_155, %get3A_98 : vector<200x128xf32>
    %mul3A_157 = arith.mulf %add3A_156, %add3A_156 : vector<200x128xf32>
    %dot_general3A_158 = arith.constant dense<0.000000e+00> : vector<200x128xf32>
    %dot_general3A_159 = tpu.matmul %mul3A_157, %convert_element_type3A_91, %dot_general3A_158 {dimension_numbers = #tpu.dot_dimension_numbers<[1], [0], [0], [1], [0, 0, 1, 1], [], []>, transpose_lhs_hint = false} : vector<200x128xf32>, vector<128x128xf32>, vector<200x128xf32> -> vector<200x128xf32>
    %sqrt3A_160 = math.sqrt %dot_general3A_159 : vector<200x128xf32>
    %max3A_161 = arith.constant 9.99999996E-13 : f32
    %max3A_162 = vector.broadcast %max3A_161 : f32 to vector<200x128xf32>
    %max3A_163 = arith.maximumf %sqrt3A_160, %max3A_162 : vector<200x128xf32>
    %div3A_164 = arith.constant 1.000000e+00 : f32
    %div3A_165 = vector.broadcast %div3A_164 : f32 to vector<200x128xf32>
    %div3A_166 = arith.divf %div3A_165, %max3A_163 : vector<200x128xf32>
    %mul3A_167 = arith.mulf %add3A_156, %div3A_166 : vector<200x128xf32>
    %broadcast_in_dim3A_168 = vector.shape_cast %mul3A_167 : vector<200x128xf32> to vector<200x1x128xf32>
    %mul3A_169 = vector.broadcast %broadcast_in_dim3A_168 : vector<200x1x128xf32> to vector<200x32x128xf32>
    %mul3A_170 = arith.mulf %reshape3A, %mul3A_169 : vector<200x32x128xf32>
    %reshape3A_171 = vector.shape_cast %mul3A_170 : vector<200x32x128xf32> to vector<6400x128xf32>
    %dot_general3A_172 = arith.constant dense<0.000000e+00> : vector<6400x4xf32>
    %dot_general3A_173 = tpu.matmul %reshape3A_171, %convert_element_type3A_24, %dot_general3A_172 {dimension_numbers = #tpu.dot_dimension_numbers<[1], [0], [0], [1], [0, 0, 1, 1], [], []>, transpose_lhs_hint = false} : vector<6400x128xf32>, vector<128x4xf32>, vector<6400x4xf32> -> vector<6400x4xf32>
    %exp3A_174 = math.exp %dot_general3A_173 : vector<6400x4xf32>
    %dot_general3A_175 = arith.constant dense<0.000000e+00> : vector<6400x4xf32>
    %dot_general3A_176 = tpu.matmul %exp3A_174, %broadcast_in_dim3A_123, %dot_general3A_175 {dimension_numbers = #tpu.dot_dimension_numbers<[1], [0], [0], [1], [0, 0, 1, 1], [], []>, transpose_lhs_hint = false} : vector<6400x4xf32>, vector<4x4xf32>, vector<6400x4xf32> -> vector<6400x4xf32>
    %div3A_177 = arith.constant 1.000000e+00 : f32
    %div3A_178 = vector.broadcast %div3A_177 : f32 to vector<6400x4xf32>
    %div3A_179 = arith.divf %div3A_178, %dot_general3A_176 : vector<6400x4xf32>
    %mul3A_180 = arith.mulf %exp3A_174, %div3A_179 : vector<6400x4xf32>
    %transpose3A_181 = tpu.transpose %convert_element_type3A_24, [1, 0] : vector<128x4xf32> -> vector<4x128xf32>
    %dot_general3A_182 = arith.constant dense<0.000000e+00> : vector<6400x128xf32>
    %dot_general3A_183 = tpu.matmul %mul3A_180, %transpose3A_181, %dot_general3A_182 {dimension_numbers = #tpu.dot_dimension_numbers<[1], [0], [0], [1], [0, 0, 1, 1], [], []>, transpose_lhs_hint = false} : vector<6400x4xf32>, vector<4x128xf32>, vector<6400x128xf32> -> vector<6400x128xf32>
    %reshape3A_184 = vector.shape_cast %dot_general3A_183 : vector<6400x128xf32> to vector<200x32x128xf32>
    %mul3A_185 = arith.mulf %reshape3A_184, %reshape3A : vector<200x32x128xf32>
    %slice3A_186 = vector.extract_strided_slice %mul3A_185 {offsets = [0, 0, 0], sizes = [200, 16, 128], strides = [1, 1, 1]} : vector<200x32x128xf32> to vector<200x16x128xf32>
    %slice3A_187 = vector.extract_strided_slice %mul3A_185 {offsets = [0, 16, 0], sizes = [200, 16, 128], strides = [1, 1, 1]} : vector<200x32x128xf32> to vector<200x16x128xf32>
    %add3A_188 = arith.addf %slice3A_186, %slice3A_187 : vector<200x16x128xf32>
    %slice3A_189 = vector.extract_strided_slice %add3A_188 {offsets = [0, 0, 0], sizes = [200, 8, 128], strides = [1, 1, 1]} : vector<200x16x128xf32> to vector<200x8x128xf32>
    %slice3A_190 = vector.extract_strided_slice %add3A_188 {offsets = [0, 8, 0], sizes = [200, 8, 128], strides = [1, 1, 1]} : vector<200x16x128xf32> to vector<200x8x128xf32>
    %add3A_191 = arith.addf %slice3A_189, %slice3A_190 : vector<200x8x128xf32>
    %slice3A_192 = vector.extract_strided_slice %add3A_191 {offsets = [0, 0, 0], sizes = [200, 4, 128], strides = [1, 1, 1]} : vector<200x8x128xf32> to vector<200x4x128xf32>
    %slice3A_193 = vector.extract_strided_slice %add3A_191 {offsets = [0, 4, 0], sizes = [200, 4, 128], strides = [1, 1, 1]} : vector<200x8x128xf32> to vector<200x4x128xf32>
    %add3A_194 = arith.addf %slice3A_192, %slice3A_193 : vector<200x4x128xf32>
    %slice3A_195 = vector.extract_strided_slice %add3A_194 {offsets = [0, 0, 0], sizes = [200, 2, 128], strides = [1, 1, 1]} : vector<200x4x128xf32> to vector<200x2x128xf32>
    %slice3A_196 = vector.extract_strided_slice %add3A_194 {offsets = [0, 2, 0], sizes = [200, 2, 128], strides = [1, 1, 1]} : vector<200x4x128xf32> to vector<200x2x128xf32>
    %add3A_197 = arith.addf %slice3A_195, %slice3A_196 : vector<200x2x128xf32>
    %slice3A_198 = vector.extract_strided_slice %add3A_197 {offsets = [0, 0, 0], sizes = [200, 1, 128], strides = [1, 1, 1]} : vector<200x2x128xf32> to vector<200x1x128xf32>
    %slice3A_199 = vector.extract_strided_slice %add3A_197 {offsets = [0, 1, 0], sizes = [200, 1, 128], strides = [1, 1, 1]} : vector<200x2x128xf32> to vector<200x1x128xf32>
    %add3A_200 = arith.addf %slice3A_198, %slice3A_199 : vector<200x1x128xf32>
    %squeeze3A_201 = vector.shape_cast %add3A_200 : vector<200x1x128xf32> to vector<200x128xf32>
    %add3A_202 = arith.addf %squeeze3A_201, %get3A_98 : vector<200x128xf32>
    %swap3A = arith.constant 0 : index
    %swap3A_203 = arith.constant 0 : index
    %swap3A_204 = vector.load %arg3[%swap3A, %swap3A_203] : memref<200x128xf32, #tpu.memory_space<vmem>>, vector<200x128xf32>
    tpu.vector_store %arg3[%swap3A, %swap3A_203], %add3A_202 {strides = array<i32>} : memref<200x128xf32, #tpu.memory_space<vmem>>, vector<200x128xf32>,
    return
  }
  func.func @transform_0(%arg0: i32) -> (i32, i32, i32) {
    %c0_i32 = arith.constant 0 : i32
    %c0_i32_0 = arith.constant 0 : i32
    %c0_i32_1 = arith.constant 0 : i32
    return %arg0, %c0_i32, %c0_i32_0 : i32, i32, i32
  }
  func.func @transform_1(%arg0: i32) -> (i32, i32) {
    %c0_i32 = arith.constant 0 : i32
    %c0_i32_0 = arith.constant 0 : i32
    return %arg0, %c0_i32 : i32, i32
  }
  func.func @transform_2(%arg0: i32) -> (i32, i32) {
    %c0_i32 = arith.constant 0 : i32
    %c0_i32_0 = arith.constant 0 : i32
    return %arg0, %c0_i32 : i32, i32
  }
}

module attributes {stable_mosaic.version = 14 : i64} {
  func.func @_routing_body(%arg0: i32, %arg1: memref<1x12800x128xf32, #tpu.memory_space<vmem>>, %arg2: memref<400x128xf32, #tpu.memory_space<vmem>>, %arg3: memref<400x128xf32, #tpu.memory_space<vmem>>) attributes {dimension_semantics = [#tpu.dimension_semantics<arbitrary>], iteration_bounds = array<i64: 20>, scalar_prefetch = 0 : i64, scratch_operands = 0 : i64, tpu.core_type = #tpu.core_type<tc>, window_params = [{transform_indices = @transform_0, window_bounds = array<i64: 1, 12800, 128>}, {transform_indices = @transform_1, window_bounds = array<i64: 400, 128>}, {transform_indices = @transform_2, window_bounds = array<i64: 400, 128>}]} {
    %iota3A = tpu.iota {dimensions = array<i32: 0>} : vector<128x4xi32>
    %jit3A = arith.constant 32 : i32
    %div3A = vector.broadcast %jit3A : i32 to vector<128x4xi32>
    %div3A_0 = arith.divsi %iota3A, %div3A : vector<128x4xi32>
    %sign3A = arith.constant 0 : i32
    %sign3A_1 = vector.broadcast %sign3A : i32 to vector<128x4xi32>
    %sign3A_2 = arith.cmpi sgt, %iota3A, %sign3A_1 : vector<128x4xi32>
    %sign3A_3 = arith.extui %sign3A_2 : vector<128x4xi1> to vector<128x4xi32>
    %sign3A_4 = arith.constant 0 : i32
    %sign3A_5 = vector.broadcast %sign3A_4 : i32 to vector<128x4xi32>
    %sign3A_6 = arith.cmpi slt, %iota3A, %sign3A_5 : vector<128x4xi32>
    %sign3A_7 = arith.extui %sign3A_6 : vector<128x4xi1> to vector<128x4xi32>
    %sign3A_8 = arith.subi %sign3A_3, %sign3A_7 : vector<128x4xi32>
    %sign3A_9 = arith.constant 0 : i32
    %sign3A_10 = arith.cmpi sgt, %jit3A, %sign3A_9 : i32
    %sign3A_11 = arith.extui %sign3A_10 : i1 to i32
    %sign3A_12 = arith.constant 0 : i32
    %sign3A_13 = arith.cmpi slt, %jit3A, %sign3A_12 : i32
    %sign3A_14 = arith.extui %sign3A_13 : i1 to i32
    %sign3A_15 = arith.subi %sign3A_11, %sign3A_14 : i32
    %ne3A = vector.broadcast %sign3A_15 : i32 to vector<128x4xi32>
    %ne3A_16 = arith.cmpi ne, %sign3A_8, %ne3A : vector<128x4xi32>
    %rem3A = vector.broadcast %jit3A : i32 to vector<128x4xi32>
    %rem3A_17 = arith.remsi %iota3A, %rem3A : vector<128x4xi32>
    %ne3A_18 = arith.constant 0 : i32
    %ne3A_19 = vector.broadcast %ne3A_18 : i32 to vector<128x4xi32>
    %ne3A_20 = arith.cmpi ne, %rem3A_17, %ne3A_19 : vector<128x4xi32>
    %and3A = arith.andi %ne3A_16, %ne3A_20 : vector<128x4xi1>
    %sub3A = arith.constant 1 : i32
    %sub3A_21 = vector.broadcast %sub3A : i32 to vector<128x4xi32>
    %sub3A_22 = arith.subi %div3A_0, %sub3A_21 : vector<128x4xi32>
    %select_n3A = arith.select %and3A, %sub3A_22, %div3A_0 : vector<128x4xi1>, vector<128x4xi32>
    %iota3A_23 = tpu.iota {dimensions = array<i32: 1>} : vector<128x4xi32>
    %eq3A = arith.cmpi eq, %select_n3A, %iota3A_23 : vector<128x4xi32>
    %convert_element_type3A = arith.extui %eq3A : vector<128x4xi1> to vector<128x4xi32>
    %convert_element_type3A_24 = arith.sitofp %convert_element_type3A : vector<128x4xi32> to vector<128x4xf32>
    %iota3A_25 = tpu.iota {dimensions = array<i32: 0>} : vector<128x128xi32>
    %jit3A_26 = arith.constant 32 : i32
    %div3A_27 = vector.broadcast %jit3A_26 : i32 to vector<128x128xi32>
    %div3A_28 = arith.divsi %iota3A_25, %div3A_27 : vector<128x128xi32>
    %sign3A_29 = arith.constant 0 : i32
    %sign3A_30 = vector.broadcast %sign3A_29 : i32 to vector<128x128xi32>
    %sign3A_31 = arith.cmpi sgt, %iota3A_25, %sign3A_30 : vector<128x128xi32>
    %sign3A_32 = arith.extui %sign3A_31 : vector<128x128xi1> to vector<128x128xi32>
    %sign3A_33 = arith.constant 0 : i32
    %sign3A_34 = vector.broadcast %sign3A_33 : i32 to vector<128x128xi32>
    %sign3A_35 = arith.cmpi slt, %iota3A_25, %sign3A_34 : vector<128x128xi32>
    %sign3A_36 = arith.extui %sign3A_35 : vector<128x128xi1> to vector<128x128xi32>
    %sign3A_37 = arith.subi %sign3A_32, %sign3A_36 : vector<128x128xi32>
    %sign3A_38 = arith.constant 0 : i32
    %sign3A_39 = arith.cmpi sgt, %jit3A_26, %sign3A_38 : i32
    %sign3A_40 = arith.extui %sign3A_39 : i1 to i32
    %sign3A_41 = arith.constant 0 : i32
    %sign3A_42 = arith.cmpi slt, %jit3A_26, %sign3A_41 : i32
    %sign3A_43 = arith.extui %sign3A_42 : i1 to i32
    %sign3A_44 = arith.subi %sign3A_40, %sign3A_43 : i32
    %ne3A_45 = vector.broadcast %sign3A_44 : i32 to vector<128x128xi32>
    %ne3A_46 = arith.cmpi ne, %sign3A_37, %ne3A_45 : vector<128x128xi32>
    %rem3A_47 = vector.broadcast %jit3A_26 : i32 to vector<128x128xi32>
    %rem3A_48 = arith.remsi %iota3A_25, %rem3A_47 : vector<128x128xi32>
    %ne3A_49 = arith.constant 0 : i32
    %ne3A_50 = vector.broadcast %ne3A_49 : i32 to vector<128x128xi32>
    %ne3A_51 = arith.cmpi ne, %rem3A_48, %ne3A_50 : vector<128x128xi32>
    %and3A_52 = arith.andi %ne3A_46, %ne3A_51 : vector<128x128xi1>
    %sub3A_53 = arith.constant 1 : i32
    %sub3A_54 = vector.broadcast %sub3A_53 : i32 to vector<128x128xi32>
    %sub3A_55 = arith.subi %div3A_28, %sub3A_54 : vector<128x128xi32>
    %select_n3A_56 = arith.select %and3A_52, %sub3A_55, %div3A_28 : vector<128x128xi1>, vector<128x128xi32>
    %iota3A_57 = tpu.iota {dimensions = array<i32: 1>} : vector<128x128xi32>
    %jit3A_58 = arith.constant 32 : i32
    %div3A_59 = vector.broadcast %jit3A_58 : i32 to vector<128x128xi32>
    %div3A_60 = arith.divsi %iota3A_57, %div3A_59 : vector<128x128xi32>
    %sign3A_61 = arith.constant 0 : i32
    %sign3A_62 = vector.broadcast %sign3A_61 : i32 to vector<128x128xi32>
    %sign3A_63 = arith.cmpi sgt, %iota3A_57, %sign3A_62 : vector<128x128xi32>
    %sign3A_64 = arith.extui %sign3A_63 : vector<128x128xi1> to vector<128x128xi32>
    %sign3A_65 = arith.constant 0 : i32
    %sign3A_66 = vector.broadcast %sign3A_65 : i32 to vector<128x128xi32>
    %sign3A_67 = arith.cmpi slt, %iota3A_57, %sign3A_66 : vector<128x128xi32>
    %sign3A_68 = arith.extui %sign3A_67 : vector<128x128xi1> to vector<128x128xi32>
    %sign3A_69 = arith.subi %sign3A_64, %sign3A_68 : vector<128x128xi32>
    %sign3A_70 = arith.constant 0 : i32
    %sign3A_71 = arith.cmpi sgt, %jit3A_58, %sign3A_70 : i32
    %sign3A_72 = arith.extui %sign3A_71 : i1 to i32
    %sign3A_73 = arith.constant 0 : i32
    %sign3A_74 = arith.cmpi slt, %jit3A_58, %sign3A_73 : i32
    %sign3A_75 = arith.extui %sign3A_74 : i1 to i32
    %sign3A_76 = arith.subi %sign3A_72, %sign3A_75 : i32
    %ne3A_77 = vector.broadcast %sign3A_76 : i32 to vector<128x128xi32>
    %ne3A_78 = arith.cmpi ne, %sign3A_69, %ne3A_77 : vector<128x128xi32>
    %rem3A_79 = vector.broadcast %jit3A_58 : i32 to vector<128x128xi32>
    %rem3A_80 = arith.remsi %iota3A_57, %rem3A_79 : vector<128x128xi32>
    %ne3A_81 = arith.constant 0 : i32
    %ne3A_82 = vector.broadcast %ne3A_81 : i32 to vector<128x128xi32>
    %ne3A_83 = arith.cmpi ne, %rem3A_80, %ne3A_82 : vector<128x128xi32>
    %and3A_84 = arith.andi %ne3A_78, %ne3A_83 : vector<128x128xi1>
    %sub3A_85 = arith.constant 1 : i32
    %sub3A_86 = vector.broadcast %sub3A_85 : i32 to vector<128x128xi32>
    %sub3A_87 = arith.subi %div3A_60, %sub3A_86 : vector<128x128xi32>
    %select_n3A_88 = arith.select %and3A_84, %sub3A_87, %div3A_60 : vector<128x128xi1>, vector<128x128xi32>
    %eq3A_89 = arith.cmpi eq, %select_n3A_56, %select_n3A_88 : vector<128x128xi32>
    %convert_element_type3A_90 = arith.extui %eq3A_89 : vector<128x128xi1> to vector<128x128xi32>
    %convert_element_type3A_91 = arith.sitofp %convert_element_type3A_90 : vector<128x128xi32> to vector<128x128xf32>
    %get3A = arith.constant 0 : index
    %get3A_92 = arith.constant 0 : index
    %get3A_93 = arith.constant 0 : index
    %get3A_94 = vector.load %arg1[%get3A, %get3A_92, %get3A_93] : memref<1x12800x128xf32, #tpu.memory_space<vmem>>, vector<1x12800x128xf32>
    %get3A_95 = vector.shape_cast %get3A_94 : vector<1x12800x128xf32> to vector<12800x128xf32>
    %reshape3A = vector.shape_cast %get3A_95 : vector<12800x128xf32> to vector<400x32x128xf32>
    %get3A_96 = arith.constant 0 : index
    %get3A_97 = arith.constant 0 : index
    %get3A_98 = vector.load %arg2[%get3A_96, %get3A_97] : memref<400x128xf32, #tpu.memory_space<vmem>>, vector<400x128xf32>
    %slice3A = vector.extract_strided_slice %reshape3A {offsets = [0, 0, 0], sizes = [400, 16, 128], strides = [1, 1, 1]} : vector<400x32x128xf32> to vector<400x16x128xf32>
    %slice3A_99 = vector.extract_strided_slice %reshape3A {offsets = [0, 16, 0], sizes = [400, 16, 128], strides = [1, 1, 1]} : vector<400x32x128xf32> to vector<400x16x128xf32>
    %add3A = arith.addf %slice3A, %slice3A_99 : vector<400x16x128xf32>
    %slice3A_100 = vector.extract_strided_slice %add3A {offsets = [0, 0, 0], sizes = [400, 8, 128], strides = [1, 1, 1]} : vector<400x16x128xf32> to vector<400x8x128xf32>
    %slice3A_101 = vector.extract_strided_slice %add3A {offsets = [0, 8, 0], sizes = [400, 8, 128], strides = [1, 1, 1]} : vector<400x16x128xf32> to vector<400x8x128xf32>
    %add3A_102 = arith.addf %slice3A_100, %slice3A_101 : vector<400x8x128xf32>
    %slice3A_103 = vector.extract_strided_slice %add3A_102 {offsets = [0, 0, 0], sizes = [400, 4, 128], strides = [1, 1, 1]} : vector<400x8x128xf32> to vector<400x4x128xf32>
    %slice3A_104 = vector.extract_strided_slice %add3A_102 {offsets = [0, 4, 0], sizes = [400, 4, 128], strides = [1, 1, 1]} : vector<400x8x128xf32> to vector<400x4x128xf32>
    %add3A_105 = arith.addf %slice3A_103, %slice3A_104 : vector<400x4x128xf32>
    %slice3A_106 = vector.extract_strided_slice %add3A_105 {offsets = [0, 0, 0], sizes = [400, 2, 128], strides = [1, 1, 1]} : vector<400x4x128xf32> to vector<400x2x128xf32>
    %slice3A_107 = vector.extract_strided_slice %add3A_105 {offsets = [0, 2, 0], sizes = [400, 2, 128], strides = [1, 1, 1]} : vector<400x4x128xf32> to vector<400x2x128xf32>
    %add3A_108 = arith.addf %slice3A_106, %slice3A_107 : vector<400x2x128xf32>
    %slice3A_109 = vector.extract_strided_slice %add3A_108 {offsets = [0, 0, 0], sizes = [400, 1, 128], strides = [1, 1, 1]} : vector<400x2x128xf32> to vector<400x1x128xf32>
    %slice3A_110 = vector.extract_strided_slice %add3A_108 {offsets = [0, 1, 0], sizes = [400, 1, 128], strides = [1, 1, 1]} : vector<400x2x128xf32> to vector<400x1x128xf32>
    %add3A_111 = arith.addf %slice3A_109, %slice3A_110 : vector<400x1x128xf32>
    %squeeze3A = vector.shape_cast %add3A_111 : vector<400x1x128xf32> to vector<400x128xf32>
    %mul3A = arith.constant 2.500000e-01 : f32
    %mul3A_112 = vector.broadcast %mul3A : f32 to vector<400x128xf32>
    %mul3A_113 = arith.mulf %mul3A_112, %squeeze3A : vector<400x128xf32>
    %add3A_114 = arith.addf %mul3A_113, %get3A_98 : vector<400x128xf32>
    %mul3A_115 = arith.mulf %add3A_114, %add3A_114 : vector<400x128xf32>
    %dot_general3A = arith.constant dense<0.000000e+00> : vector<400x128xf32>
    %dot_general3A_116 = tpu.matmul %mul3A_115, %convert_element_type3A_91, %dot_general3A {dimension_numbers = #tpu.dot_dimension_numbers<[1], [0], [0], [1], [0, 0, 1, 1], [], []>, transpose_lhs_hint = false} : vector<400x128xf32>, vector<128x128xf32>, vector<400x128xf32> -> vector<400x128xf32>
    %sqrt3A = math.sqrt %dot_general3A_116 : vector<400x128xf32>
    %max3A = arith.constant 9.99999996E-13 : f32
    %max3A_117 = vector.broadcast %max3A : f32 to vector<400x128xf32>
    %max3A_118 = arith.maximumf %sqrt3A, %max3A_117 : vector<400x128xf32>
    %div3A_119 = arith.constant 1.000000e+00 : f32
    %div3A_120 = vector.broadcast %div3A_119 : f32 to vector<400x128xf32>
    %div3A_121 = arith.divf %div3A_120, %max3A_118 : vector<400x128xf32>
    %mul3A_122 = arith.mulf %add3A_114, %div3A_121 : vector<400x128xf32>
    %broadcast_in_dim3A = arith.constant 1.000000e+00 : f32
    %broadcast_in_dim3A_123 = vector.broadcast %broadcast_in_dim3A : f32 to vector<4x4xf32>
    %broadcast_in_dim3A_124 = vector.shape_cast %mul3A_122 : vector<400x128xf32> to vector<400x1x128xf32>
    %mul3A_125 = vector.broadcast %broadcast_in_dim3A_124 : vector<400x1x128xf32> to vector<400x32x128xf32>
    %mul3A_126 = arith.mulf %reshape3A, %mul3A_125 : vector<400x32x128xf32>
    %reshape3A_127 = vector.shape_cast %mul3A_126 : vector<400x32x128xf32> to vector<12800x128xf32>
    %dot_general3A_128 = arith.constant dense<0.000000e+00> : vector<12800x4xf32>
    %dot_general3A_129 = tpu.matmul %reshape3A_127, %convert_element_type3A_24, %dot_general3A_128 {dimension_numbers = #tpu.dot_dimension_numbers<[1], [0], [0], [1], [0, 0, 1, 1], [], []>, transpose_lhs_hint = false} : vector<12800x128xf32>, vector<128x4xf32>, vector<12800x4xf32> -> vector<12800x4xf32>
    %exp3A = math.exp %dot_general3A_129 : vector<12800x4xf32>
    %dot_general3A_130 = arith.constant dense<0.000000e+00> : vector<12800x4xf32>
    %dot_general3A_131 = tpu.matmul %exp3A, %broadcast_in_dim3A_123, %dot_general3A_130 {dimension_numbers = #tpu.dot_dimension_numbers<[1], [0], [0], [1], [0, 0, 1, 1], [], []>, transpose_lhs_hint = false} : vector<12800x4xf32>, vector<4x4xf32>, vector<12800x4xf32> -> vector<12800x4xf32>
    %div3A_132 = arith.constant 1.000000e+00 : f32
    %div3A_133 = vector.broadcast %div3A_132 : f32 to vector<12800x4xf32>
    %div3A_134 = arith.divf %div3A_133, %dot_general3A_131 : vector<12800x4xf32>
    %mul3A_135 = arith.mulf %exp3A, %div3A_134 : vector<12800x4xf32>
    %transpose3A = tpu.transpose %convert_element_type3A_24, [1, 0] : vector<128x4xf32> -> vector<4x128xf32>
    %dot_general3A_136 = arith.constant dense<0.000000e+00> : vector<12800x128xf32>
    %dot_general3A_137 = tpu.matmul %mul3A_135, %transpose3A, %dot_general3A_136 {dimension_numbers = #tpu.dot_dimension_numbers<[1], [0], [0], [1], [0, 0, 1, 1], [], []>, transpose_lhs_hint = false} : vector<12800x4xf32>, vector<4x128xf32>, vector<12800x128xf32> -> vector<12800x128xf32>
    %reshape3A_138 = vector.shape_cast %dot_general3A_137 : vector<12800x128xf32> to vector<400x32x128xf32>
    %mul3A_139 = arith.mulf %reshape3A_138, %reshape3A : vector<400x32x128xf32>
    %slice3A_140 = vector.extract_strided_slice %mul3A_139 {offsets = [0, 0, 0], sizes = [400, 16, 128], strides = [1, 1, 1]} : vector<400x32x128xf32> to vector<400x16x128xf32>
    %slice3A_141 = vector.extract_strided_slice %mul3A_139 {offsets = [0, 16, 0], sizes = [400, 16, 128], strides = [1, 1, 1]} : vector<400x32x128xf32> to vector<400x16x128xf32>
    %add3A_142 = arith.addf %slice3A_140, %slice3A_141 : vector<400x16x128xf32>
    %slice3A_143 = vector.extract_strided_slice %add3A_142 {offsets = [0, 0, 0], sizes = [400, 8, 128], strides = [1, 1, 1]} : vector<400x16x128xf32> to vector<400x8x128xf32>
    %slice3A_144 = vector.extract_strided_slice %add3A_142 {offsets = [0, 8, 0], sizes = [400, 8, 128], strides = [1, 1, 1]} : vector<400x16x128xf32> to vector<400x8x128xf32>
    %add3A_145 = arith.addf %slice3A_143, %slice3A_144 : vector<400x8x128xf32>
    %slice3A_146 = vector.extract_strided_slice %add3A_145 {offsets = [0, 0, 0], sizes = [400, 4, 128], strides = [1, 1, 1]} : vector<400x8x128xf32> to vector<400x4x128xf32>
    %slice3A_147 = vector.extract_strided_slice %add3A_145 {offsets = [0, 4, 0], sizes = [400, 4, 128], strides = [1, 1, 1]} : vector<400x8x128xf32> to vector<400x4x128xf32>
    %add3A_148 = arith.addf %slice3A_146, %slice3A_147 : vector<400x4x128xf32>
    %slice3A_149 = vector.extract_strided_slice %add3A_148 {offsets = [0, 0, 0], sizes = [400, 2, 128], strides = [1, 1, 1]} : vector<400x4x128xf32> to vector<400x2x128xf32>
    %slice3A_150 = vector.extract_strided_slice %add3A_148 {offsets = [0, 2, 0], sizes = [400, 2, 128], strides = [1, 1, 1]} : vector<400x4x128xf32> to vector<400x2x128xf32>
    %add3A_151 = arith.addf %slice3A_149, %slice3A_150 : vector<400x2x128xf32>
    %slice3A_152 = vector.extract_strided_slice %add3A_151 {offsets = [0, 0, 0], sizes = [400, 1, 128], strides = [1, 1, 1]} : vector<400x2x128xf32> to vector<400x1x128xf32>
    %slice3A_153 = vector.extract_strided_slice %add3A_151 {offsets = [0, 1, 0], sizes = [400, 1, 128], strides = [1, 1, 1]} : vector<400x2x128xf32> to vector<400x1x128xf32>
    %add3A_154 = arith.addf %slice3A_152, %slice3A_153 : vector<400x1x128xf32>
    %squeeze3A_155 = vector.shape_cast %add3A_154 : vector<400x1x128xf32> to vector<400x128xf32>
    %add3A_156 = arith.addf %squeeze3A_155, %get3A_98 : vector<400x128xf32>
    %mul3A_157 = arith.mulf %add3A_156, %add3A_156 : vector<400x128xf32>
    %dot_general3A_158 = arith.constant dense<0.000000e+00> : vector<400x128xf32>
    %dot_general3A_159 = tpu.matmul %mul3A_157, %convert_element_type3A_91, %dot_general3A_158 {dimension_numbers = #tpu.dot_dimension_numbers<[1], [0], [0], [1], [0, 0, 1, 1], [], []>, transpose_lhs_hint = false} : vector<400x128xf32>, vector<128x128xf32>, vector<400x128xf32> -> vector<400x128xf32>
    %sqrt3A_160 = math.sqrt %dot_general3A_159 : vector<400x128xf32>
    %max3A_161 = arith.constant 9.99999996E-13 : f32
    %max3A_162 = vector.broadcast %max3A_161 : f32 to vector<400x128xf32>
    %max3A_163 = arith.maximumf %sqrt3A_160, %max3A_162 : vector<400x128xf32>
    %div3A_164 = arith.constant 1.000000e+00 : f32
    %div3A_165 = vector.broadcast %div3A_164 : f32 to vector<400x128xf32>
    %div3A_166 = arith.divf %div3A_165, %max3A_163 : vector<400x128xf32>
    %mul3A_167 = arith.mulf %add3A_156, %div3A_166 : vector<400x128xf32>
    %broadcast_in_dim3A_168 = vector.shape_cast %mul3A_167 : vector<400x128xf32> to vector<400x1x128xf32>
    %mul3A_169 = vector.broadcast %broadcast_in_dim3A_168 : vector<400x1x128xf32> to vector<400x32x128xf32>
    %mul3A_170 = arith.mulf %reshape3A, %mul3A_169 : vector<400x32x128xf32>
    %reshape3A_171 = vector.shape_cast %mul3A_170 : vector<400x32x128xf32> to vector<12800x128xf32>
    %dot_general3A_172 = arith.constant dense<0.000000e+00> : vector<12800x4xf32>
    %dot_general3A_173 = tpu.matmul %reshape3A_171, %convert_element_type3A_24, %dot_general3A_172 {dimension_numbers = #tpu.dot_dimension_numbers<[1], [0], [0], [1], [0, 0, 1, 1], [], []>, transpose_lhs_hint = false} : vector<12800x128xf32>, vector<128x4xf32>, vector<12800x4xf32> -> vector<12800x4xf32>
    %exp3A_174 = math.exp %dot_general3A_173 : vector<12800x4xf32>
    %dot_general3A_175 = arith.constant dense<0.000000e+00> : vector<12800x4xf32>
    %dot_general3A_176 = tpu.matmul %exp3A_174, %broadcast_in_dim3A_123, %dot_general3A_175 {dimension_numbers = #tpu.dot_dimension_numbers<[1], [0], [0], [1], [0, 0, 1, 1], [], []>, transpose_lhs_hint = false} : vector<12800x4xf32>, vector<4x4xf32>, vector<12800x4xf32> -> vector<12800x4xf32>
    %div3A_177 = arith.constant 1.000000e+00 : f32
    %div3A_178 = vector.broadcast %div3A_177 : f32 to vector<12800x4xf32>
    %div3A_179 = arith.divf %div3A_178, %dot_general3A_176 : vector<12800x4xf32>
    %mul3A_180 = arith.mulf %exp3A_174, %div3A_179 : vector<12800x4xf32>
    %transpose3A_181 = tpu.transpose %convert_element_type3A_24, [1, 0] : vector<128x4xf32> -> vector<4x128xf32>
    %dot_general3A_182 = arith.constant dense<0.000000e+00> : vector<12800x128xf32>
    %dot_general3A_183 = tpu.matmul %mul3A_180, %transpose3A_181, %dot_general3A_182 {dimension_numbers = #tpu.dot_dimension_numbers<[1], [0], [0], [1], [0, 0, 1, 1], [], []>, transpose_lhs_hint = false} : vector<12800x4xf32>, vector<4x128xf32>, vector<12800x128xf32> -> vector<12800x128xf32>
    %reshape3A_184 = vector.shape_cast %dot_general3A_183 : vector<12800x128xf32> to vector<400x32x128xf32>
    %mul3A_185 = arith.mulf %reshape3A_184, %reshape3A : vector<400x32x128xf32>
    %slice3A_186 = vector.extract_strided_slice %mul3A_185 {offsets = [0, 0, 0], sizes = [400, 16, 128], strides = [1, 1, 1]} : vector<400x32x128xf32> to vector<400x16x128xf32>
    %slice3A_187 = vector.extract_strided_slice %mul3A_185 {offsets = [0, 16, 0], sizes = [400, 16, 128], strides = [1, 1, 1]} : vector<400x32x128xf32> to vector<400x16x128xf32>
    %add3A_188 = arith.addf %slice3A_186, %slice3A_187 : vector<400x16x128xf32>
    %slice3A_189 = vector.extract_strided_slice %add3A_188 {offsets = [0, 0, 0], sizes = [400, 8, 128], strides = [1, 1, 1]} : vector<400x16x128xf32> to vector<400x8x128xf32>
    %slice3A_190 = vector.extract_strided_slice %add3A_188 {offsets = [0, 8, 0], sizes = [400, 8, 128], strides = [1, 1, 1]} : vector<400x16x128xf32> to vector<400x8x128xf32>
    %add3A_191 = arith.addf %slice3A_189, %slice3A_190 : vector<400x8x128xf32>
    %slice3A_192 = vector.extract_strided_slice %add3A_191 {offsets = [0, 0, 0], sizes = [400, 4, 128], strides = [1, 1, 1]} : vector<400x8x128xf32> to vector<400x4x128xf32>
    %slice3A_193 = vector.extract_strided_slice %add3A_191 {offsets = [0, 4, 0], sizes = [400, 4, 128], strides = [1, 1, 1]} : vector<400x8x128xf32> to vector<400x4x128xf32>
    %add3A_194 = arith.addf %slice3A_192, %slice3A_193 : vector<400x4x128xf32>
    %slice3A_195 = vector.extract_strided_slice %add3A_194 {offsets = [0, 0, 0], sizes = [400, 2, 128], strides = [1, 1, 1]} : vector<400x4x128xf32> to vector<400x2x128xf32>
    %slice3A_196 = vector.extract_strided_slice %add3A_194 {offsets = [0, 2, 0], sizes = [400, 2, 128], strides = [1, 1, 1]} : vector<400x4x128xf32> to vector<400x2x128xf32>
    %add3A_197 = arith.addf %slice3A_195, %slice3A_196 : vector<400x2x128xf32>
    %slice3A_198 = vector.extract_strided_slice %add3A_197 {offsets = [0, 0, 0], sizes = [400, 1, 128], strides = [1, 1, 1]} : vector<400x2x128xf32> to vector<400x1x128xf32>
    %slice3A_199 = vector.extract_strided_slice %add3A_197 {offsets = [0, 1, 0], sizes = [400, 1, 128], strides = [1, 1, 1]} : vector<400x2x128xf32> to vector<400x1x128xf32>
    %add3A_200 = arith.addf %slice3A_198, %slice3A_199 : vector<400x1x128xf32>
    %squeeze3A_201 = vector.shape_cast %add3A_200 : vector<400x1x128xf32> to vector<400x128xf32>
    %add3A_202 = arith.addf %squeeze3A_201, %get3A_98 : vector<400x128xf32>
    %swap3A = arith.constant 0 : index
    %swap3A_203 = arith.constant 0 : index
    %swap3A_204 = vector.load %arg3[%swap3A, %swap3A_203] : memref<400x128xf32, #tpu.memory_space<vmem>>, vector<400x128xf32>
    tpu.vector_store %arg3[%swap3A, %swap3A_203], %add3A_202 {strides = array<i32>} : memref<400x128xf32, #tpu.memory_space<vmem>>, vector<400x128xf32>,
    return
  }
  func.func @transform_0(%arg0: i32) -> (i32, i32, i32) {
    %c0_i32 = arith.constant 0 : i32
    %c0_i32_0 = arith.constant 0 : i32
    %c0_i32_1 = arith.constant 0 : i32
    return %arg0, %c0_i32, %c0_i32_0 : i32, i32, i32
  }
  func.func @transform_1(%arg0: i32) -> (i32, i32) {
    %c0_i32 = arith.constant 0 : i32
    %c0_i32_0 = arith.constant 0 : i32
    return %arg0, %c0_i32 : i32, i32
  }
  func.func @transform_2(%arg0: i32) -> (i32, i32) {
    %c0_i32 = arith.constant 0 : i32
    %c0_i32_0 = arith.constant 0 : i32
    return %arg0, %c0_i32 : i32, i32
  }
}

module attributes {stable_mosaic.version = 14 : i64} {
  func.func @_routing_body(%arg0: i32, %arg1: memref<1x12800x128xf32, #tpu.memory_space<vmem>>, %arg2: memref<400x128xf32, #tpu.memory_space<vmem>>, %arg3: memref<400x128xf32, #tpu.memory_space<vmem>>) attributes {dimension_semantics = [#tpu.dimension_semantics<arbitrary>], iteration_bounds = array<i64: 25>, scalar_prefetch = 0 : i64, scratch_operands = 0 : i64, tpu.core_type = #tpu.core_type<tc>, window_params = [{transform_indices = @transform_0, window_bounds = array<i64: 1, 12800, 128>}, {transform_indices = @transform_1, window_bounds = array<i64: 400, 128>}, {transform_indices = @transform_2, window_bounds = array<i64: 400, 128>}]} {
    %iota3A = tpu.iota {dimensions = array<i32: 0>} : vector<128x4xi32>
    %jit3A = arith.constant 32 : i32
    %div3A = vector.broadcast %jit3A : i32 to vector<128x4xi32>
    %div3A_0 = arith.divsi %iota3A, %div3A : vector<128x4xi32>
    %sign3A = arith.constant 0 : i32
    %sign3A_1 = vector.broadcast %sign3A : i32 to vector<128x4xi32>
    %sign3A_2 = arith.cmpi sgt, %iota3A, %sign3A_1 : vector<128x4xi32>
    %sign3A_3 = arith.extui %sign3A_2 : vector<128x4xi1> to vector<128x4xi32>
    %sign3A_4 = arith.constant 0 : i32
    %sign3A_5 = vector.broadcast %sign3A_4 : i32 to vector<128x4xi32>
    %sign3A_6 = arith.cmpi slt, %iota3A, %sign3A_5 : vector<128x4xi32>
    %sign3A_7 = arith.extui %sign3A_6 : vector<128x4xi1> to vector<128x4xi32>
    %sign3A_8 = arith.subi %sign3A_3, %sign3A_7 : vector<128x4xi32>
    %sign3A_9 = arith.constant 0 : i32
    %sign3A_10 = arith.cmpi sgt, %jit3A, %sign3A_9 : i32
    %sign3A_11 = arith.extui %sign3A_10 : i1 to i32
    %sign3A_12 = arith.constant 0 : i32
    %sign3A_13 = arith.cmpi slt, %jit3A, %sign3A_12 : i32
    %sign3A_14 = arith.extui %sign3A_13 : i1 to i32
    %sign3A_15 = arith.subi %sign3A_11, %sign3A_14 : i32
    %ne3A = vector.broadcast %sign3A_15 : i32 to vector<128x4xi32>
    %ne3A_16 = arith.cmpi ne, %sign3A_8, %ne3A : vector<128x4xi32>
    %rem3A = vector.broadcast %jit3A : i32 to vector<128x4xi32>
    %rem3A_17 = arith.remsi %iota3A, %rem3A : vector<128x4xi32>
    %ne3A_18 = arith.constant 0 : i32
    %ne3A_19 = vector.broadcast %ne3A_18 : i32 to vector<128x4xi32>
    %ne3A_20 = arith.cmpi ne, %rem3A_17, %ne3A_19 : vector<128x4xi32>
    %and3A = arith.andi %ne3A_16, %ne3A_20 : vector<128x4xi1>
    %sub3A = arith.constant 1 : i32
    %sub3A_21 = vector.broadcast %sub3A : i32 to vector<128x4xi32>
    %sub3A_22 = arith.subi %div3A_0, %sub3A_21 : vector<128x4xi32>
    %select_n3A = arith.select %and3A, %sub3A_22, %div3A_0 : vector<128x4xi1>, vector<128x4xi32>
    %iota3A_23 = tpu.iota {dimensions = array<i32: 1>} : vector<128x4xi32>
    %eq3A = arith.cmpi eq, %select_n3A, %iota3A_23 : vector<128x4xi32>
    %convert_element_type3A = arith.extui %eq3A : vector<128x4xi1> to vector<128x4xi32>
    %convert_element_type3A_24 = arith.sitofp %convert_element_type3A : vector<128x4xi32> to vector<128x4xf32>
    %iota3A_25 = tpu.iota {dimensions = array<i32: 0>} : vector<128x128xi32>
    %jit3A_26 = arith.constant 32 : i32
    %div3A_27 = vector.broadcast %jit3A_26 : i32 to vector<128x128xi32>
    %div3A_28 = arith.divsi %iota3A_25, %div3A_27 : vector<128x128xi32>
    %sign3A_29 = arith.constant 0 : i32
    %sign3A_30 = vector.broadcast %sign3A_29 : i32 to vector<128x128xi32>
    %sign3A_31 = arith.cmpi sgt, %iota3A_25, %sign3A_30 : vector<128x128xi32>
    %sign3A_32 = arith.extui %sign3A_31 : vector<128x128xi1> to vector<128x128xi32>
    %sign3A_33 = arith.constant 0 : i32
    %sign3A_34 = vector.broadcast %sign3A_33 : i32 to vector<128x128xi32>
    %sign3A_35 = arith.cmpi slt, %iota3A_25, %sign3A_34 : vector<128x128xi32>
    %sign3A_36 = arith.extui %sign3A_35 : vector<128x128xi1> to vector<128x128xi32>
    %sign3A_37 = arith.subi %sign3A_32, %sign3A_36 : vector<128x128xi32>
    %sign3A_38 = arith.constant 0 : i32
    %sign3A_39 = arith.cmpi sgt, %jit3A_26, %sign3A_38 : i32
    %sign3A_40 = arith.extui %sign3A_39 : i1 to i32
    %sign3A_41 = arith.constant 0 : i32
    %sign3A_42 = arith.cmpi slt, %jit3A_26, %sign3A_41 : i32
    %sign3A_43 = arith.extui %sign3A_42 : i1 to i32
    %sign3A_44 = arith.subi %sign3A_40, %sign3A_43 : i32
    %ne3A_45 = vector.broadcast %sign3A_44 : i32 to vector<128x128xi32>
    %ne3A_46 = arith.cmpi ne, %sign3A_37, %ne3A_45 : vector<128x128xi32>
    %rem3A_47 = vector.broadcast %jit3A_26 : i32 to vector<128x128xi32>
    %rem3A_48 = arith.remsi %iota3A_25, %rem3A_47 : vector<128x128xi32>
    %ne3A_49 = arith.constant 0 : i32
    %ne3A_50 = vector.broadcast %ne3A_49 : i32 to vector<128x128xi32>
    %ne3A_51 = arith.cmpi ne, %rem3A_48, %ne3A_50 : vector<128x128xi32>
    %and3A_52 = arith.andi %ne3A_46, %ne3A_51 : vector<128x128xi1>
    %sub3A_53 = arith.constant 1 : i32
    %sub3A_54 = vector.broadcast %sub3A_53 : i32 to vector<128x128xi32>
    %sub3A_55 = arith.subi %div3A_28, %sub3A_54 : vector<128x128xi32>
    %select_n3A_56 = arith.select %and3A_52, %sub3A_55, %div3A_28 : vector<128x128xi1>, vector<128x128xi32>
    %iota3A_57 = tpu.iota {dimensions = array<i32: 1>} : vector<128x128xi32>
    %jit3A_58 = arith.constant 32 : i32
    %div3A_59 = vector.broadcast %jit3A_58 : i32 to vector<128x128xi32>
    %div3A_60 = arith.divsi %iota3A_57, %div3A_59 : vector<128x128xi32>
    %sign3A_61 = arith.constant 0 : i32
    %sign3A_62 = vector.broadcast %sign3A_61 : i32 to vector<128x128xi32>
    %sign3A_63 = arith.cmpi sgt, %iota3A_57, %sign3A_62 : vector<128x128xi32>
    %sign3A_64 = arith.extui %sign3A_63 : vector<128x128xi1> to vector<128x128xi32>
    %sign3A_65 = arith.constant 0 : i32
    %sign3A_66 = vector.broadcast %sign3A_65 : i32 to vector<128x128xi32>
    %sign3A_67 = arith.cmpi slt, %iota3A_57, %sign3A_66 : vector<128x128xi32>
    %sign3A_68 = arith.extui %sign3A_67 : vector<128x128xi1> to vector<128x128xi32>
    %sign3A_69 = arith.subi %sign3A_64, %sign3A_68 : vector<128x128xi32>
    %sign3A_70 = arith.constant 0 : i32
    %sign3A_71 = arith.cmpi sgt, %jit3A_58, %sign3A_70 : i32
    %sign3A_72 = arith.extui %sign3A_71 : i1 to i32
    %sign3A_73 = arith.constant 0 : i32
    %sign3A_74 = arith.cmpi slt, %jit3A_58, %sign3A_73 : i32
    %sign3A_75 = arith.extui %sign3A_74 : i1 to i32
    %sign3A_76 = arith.subi %sign3A_72, %sign3A_75 : i32
    %ne3A_77 = vector.broadcast %sign3A_76 : i32 to vector<128x128xi32>
    %ne3A_78 = arith.cmpi ne, %sign3A_69, %ne3A_77 : vector<128x128xi32>
    %rem3A_79 = vector.broadcast %jit3A_58 : i32 to vector<128x128xi32>
    %rem3A_80 = arith.remsi %iota3A_57, %rem3A_79 : vector<128x128xi32>
    %ne3A_81 = arith.constant 0 : i32
    %ne3A_82 = vector.broadcast %ne3A_81 : i32 to vector<128x128xi32>
    %ne3A_83 = arith.cmpi ne, %rem3A_80, %ne3A_82 : vector<128x128xi32>
    %and3A_84 = arith.andi %ne3A_78, %ne3A_83 : vector<128x128xi1>
    %sub3A_85 = arith.constant 1 : i32
    %sub3A_86 = vector.broadcast %sub3A_85 : i32 to vector<128x128xi32>
    %sub3A_87 = arith.subi %div3A_60, %sub3A_86 : vector<128x128xi32>
    %select_n3A_88 = arith.select %and3A_84, %sub3A_87, %div3A_60 : vector<128x128xi1>, vector<128x128xi32>
    %eq3A_89 = arith.cmpi eq, %select_n3A_56, %select_n3A_88 : vector<128x128xi32>
    %convert_element_type3A_90 = arith.extui %eq3A_89 : vector<128x128xi1> to vector<128x128xi32>
    %convert_element_type3A_91 = arith.sitofp %convert_element_type3A_90 : vector<128x128xi32> to vector<128x128xf32>
    %get3A = arith.constant 0 : index
    %get3A_92 = arith.constant 0 : index
    %get3A_93 = arith.constant 0 : index
    %get3A_94 = vector.load %arg1[%get3A, %get3A_92, %get3A_93] : memref<1x12800x128xf32, #tpu.memory_space<vmem>>, vector<1x12800x128xf32>
    %get3A_95 = vector.shape_cast %get3A_94 : vector<1x12800x128xf32> to vector<12800x128xf32>
    %reshape3A = vector.shape_cast %get3A_95 : vector<12800x128xf32> to vector<400x32x128xf32>
    %get3A_96 = arith.constant 0 : index
    %get3A_97 = arith.constant 0 : index
    %get3A_98 = vector.load %arg2[%get3A_96, %get3A_97] : memref<400x128xf32, #tpu.memory_space<vmem>>, vector<400x128xf32>
    %slice3A = vector.extract_strided_slice %reshape3A {offsets = [0, 0, 0], sizes = [400, 16, 128], strides = [1, 1, 1]} : vector<400x32x128xf32> to vector<400x16x128xf32>
    %slice3A_99 = vector.extract_strided_slice %reshape3A {offsets = [0, 16, 0], sizes = [400, 16, 128], strides = [1, 1, 1]} : vector<400x32x128xf32> to vector<400x16x128xf32>
    %add3A = arith.addf %slice3A, %slice3A_99 : vector<400x16x128xf32>
    %slice3A_100 = vector.extract_strided_slice %add3A {offsets = [0, 0, 0], sizes = [400, 8, 128], strides = [1, 1, 1]} : vector<400x16x128xf32> to vector<400x8x128xf32>
    %slice3A_101 = vector.extract_strided_slice %add3A {offsets = [0, 8, 0], sizes = [400, 8, 128], strides = [1, 1, 1]} : vector<400x16x128xf32> to vector<400x8x128xf32>
    %add3A_102 = arith.addf %slice3A_100, %slice3A_101 : vector<400x8x128xf32>
    %slice3A_103 = vector.extract_strided_slice %add3A_102 {offsets = [0, 0, 0], sizes = [400, 4, 128], strides = [1, 1, 1]} : vector<400x8x128xf32> to vector<400x4x128xf32>
    %slice3A_104 = vector.extract_strided_slice %add3A_102 {offsets = [0, 4, 0], sizes = [400, 4, 128], strides = [1, 1, 1]} : vector<400x8x128xf32> to vector<400x4x128xf32>
    %add3A_105 = arith.addf %slice3A_103, %slice3A_104 : vector<400x4x128xf32>
    %slice3A_106 = vector.extract_strided_slice %add3A_105 {offsets = [0, 0, 0], sizes = [400, 2, 128], strides = [1, 1, 1]} : vector<400x4x128xf32> to vector<400x2x128xf32>
    %slice3A_107 = vector.extract_strided_slice %add3A_105 {offsets = [0, 2, 0], sizes = [400, 2, 128], strides = [1, 1, 1]} : vector<400x4x128xf32> to vector<400x2x128xf32>
    %add3A_108 = arith.addf %slice3A_106, %slice3A_107 : vector<400x2x128xf32>
    %slice3A_109 = vector.extract_strided_slice %add3A_108 {offsets = [0, 0, 0], sizes = [400, 1, 128], strides = [1, 1, 1]} : vector<400x2x128xf32> to vector<400x1x128xf32>
    %slice3A_110 = vector.extract_strided_slice %add3A_108 {offsets = [0, 1, 0], sizes = [400, 1, 128], strides = [1, 1, 1]} : vector<400x2x128xf32> to vector<400x1x128xf32>
    %add3A_111 = arith.addf %slice3A_109, %slice3A_110 : vector<400x1x128xf32>
    %squeeze3A = vector.shape_cast %add3A_111 : vector<400x1x128xf32> to vector<400x128xf32>
    %mul3A = arith.constant 2.500000e-01 : f32
    %mul3A_112 = vector.broadcast %mul3A : f32 to vector<400x128xf32>
    %mul3A_113 = arith.mulf %mul3A_112, %squeeze3A : vector<400x128xf32>
    %add3A_114 = arith.addf %mul3A_113, %get3A_98 : vector<400x128xf32>
    %mul3A_115 = arith.mulf %add3A_114, %add3A_114 : vector<400x128xf32>
    %dot_general3A = arith.constant dense<0.000000e+00> : vector<400x128xf32>
    %dot_general3A_116 = tpu.matmul %mul3A_115, %convert_element_type3A_91, %dot_general3A {dimension_numbers = #tpu.dot_dimension_numbers<[1], [0], [0], [1], [0, 0, 1, 1], [], []>, transpose_lhs_hint = false} : vector<400x128xf32>, vector<128x128xf32>, vector<400x128xf32> -> vector<400x128xf32>
    %sqrt3A = math.sqrt %dot_general3A_116 : vector<400x128xf32>
    %max3A = arith.constant 9.99999996E-13 : f32
    %max3A_117 = vector.broadcast %max3A : f32 to vector<400x128xf32>
    %max3A_118 = arith.maximumf %sqrt3A, %max3A_117 : vector<400x128xf32>
    %div3A_119 = arith.constant 1.000000e+00 : f32
    %div3A_120 = vector.broadcast %div3A_119 : f32 to vector<400x128xf32>
    %div3A_121 = arith.divf %div3A_120, %max3A_118 : vector<400x128xf32>
    %mul3A_122 = arith.mulf %add3A_114, %div3A_121 : vector<400x128xf32>
    %broadcast_in_dim3A = arith.constant 1.000000e+00 : f32
    %broadcast_in_dim3A_123 = vector.broadcast %broadcast_in_dim3A : f32 to vector<4x4xf32>
    %broadcast_in_dim3A_124 = vector.shape_cast %mul3A_122 : vector<400x128xf32> to vector<400x1x128xf32>
    %mul3A_125 = vector.broadcast %broadcast_in_dim3A_124 : vector<400x1x128xf32> to vector<400x32x128xf32>
    %mul3A_126 = arith.mulf %reshape3A, %mul3A_125 : vector<400x32x128xf32>
    %reshape3A_127 = vector.shape_cast %mul3A_126 : vector<400x32x128xf32> to vector<12800x128xf32>
    %dot_general3A_128 = arith.constant dense<0.000000e+00> : vector<12800x4xf32>
    %dot_general3A_129 = tpu.matmul %reshape3A_127, %convert_element_type3A_24, %dot_general3A_128 {dimension_numbers = #tpu.dot_dimension_numbers<[1], [0], [0], [1], [0, 0, 1, 1], [], []>, transpose_lhs_hint = false} : vector<12800x128xf32>, vector<128x4xf32>, vector<12800x4xf32> -> vector<12800x4xf32>
    %exp3A = math.exp %dot_general3A_129 : vector<12800x4xf32>
    %dot_general3A_130 = arith.constant dense<0.000000e+00> : vector<12800x4xf32>
    %dot_general3A_131 = tpu.matmul %exp3A, %broadcast_in_dim3A_123, %dot_general3A_130 {dimension_numbers = #tpu.dot_dimension_numbers<[1], [0], [0], [1], [0, 0, 1, 1], [], []>, transpose_lhs_hint = false} : vector<12800x4xf32>, vector<4x4xf32>, vector<12800x4xf32> -> vector<12800x4xf32>
    %div3A_132 = arith.constant 1.000000e+00 : f32
    %div3A_133 = vector.broadcast %div3A_132 : f32 to vector<12800x4xf32>
    %div3A_134 = arith.divf %div3A_133, %dot_general3A_131 : vector<12800x4xf32>
    %mul3A_135 = arith.mulf %exp3A, %div3A_134 : vector<12800x4xf32>
    %transpose3A = tpu.transpose %convert_element_type3A_24, [1, 0] : vector<128x4xf32> -> vector<4x128xf32>
    %dot_general3A_136 = arith.constant dense<0.000000e+00> : vector<12800x128xf32>
    %dot_general3A_137 = tpu.matmul %mul3A_135, %transpose3A, %dot_general3A_136 {dimension_numbers = #tpu.dot_dimension_numbers<[1], [0], [0], [1], [0, 0, 1, 1], [], []>, transpose_lhs_hint = false} : vector<12800x4xf32>, vector<4x128xf32>, vector<12800x128xf32> -> vector<12800x128xf32>
    %reshape3A_138 = vector.shape_cast %dot_general3A_137 : vector<12800x128xf32> to vector<400x32x128xf32>
    %mul3A_139 = arith.mulf %reshape3A_138, %reshape3A : vector<400x32x128xf32>
    %slice3A_140 = vector.extract_strided_slice %mul3A_139 {offsets = [0, 0, 0], sizes = [400, 16, 128], strides = [1, 1, 1]} : vector<400x32x128xf32> to vector<400x16x128xf32>
    %slice3A_141 = vector.extract_strided_slice %mul3A_139 {offsets = [0, 16, 0], sizes = [400, 16, 128], strides = [1, 1, 1]} : vector<400x32x128xf32> to vector<400x16x128xf32>
    %add3A_142 = arith.addf %slice3A_140, %slice3A_141 : vector<400x16x128xf32>
    %slice3A_143 = vector.extract_strided_slice %add3A_142 {offsets = [0, 0, 0], sizes = [400, 8, 128], strides = [1, 1, 1]} : vector<400x16x128xf32> to vector<400x8x128xf32>
    %slice3A_144 = vector.extract_strided_slice %add3A_142 {offsets = [0, 8, 0], sizes = [400, 8, 128], strides = [1, 1, 1]} : vector<400x16x128xf32> to vector<400x8x128xf32>
    %add3A_145 = arith.addf %slice3A_143, %slice3A_144 : vector<400x8x128xf32>
    %slice3A_146 = vector.extract_strided_slice %add3A_145 {offsets = [0, 0, 0], sizes = [400, 4, 128], strides = [1, 1, 1]} : vector<400x8x128xf32> to vector<400x4x128xf32>
    %slice3A_147 = vector.extract_strided_slice %add3A_145 {offsets = [0, 4, 0], sizes = [400, 4, 128], strides = [1, 1, 1]} : vector<400x8x128xf32> to vector<400x4x128xf32>
    %add3A_148 = arith.addf %slice3A_146, %slice3A_147 : vector<400x4x128xf32>
    %slice3A_149 = vector.extract_strided_slice %add3A_148 {offsets = [0, 0, 0], sizes = [400, 2, 128], strides = [1, 1, 1]} : vector<400x4x128xf32> to vector<400x2x128xf32>
    %slice3A_150 = vector.extract_strided_slice %add3A_148 {offsets = [0, 2, 0], sizes = [400, 2, 128], strides = [1, 1, 1]} : vector<400x4x128xf32> to vector<400x2x128xf32>
    %add3A_151 = arith.addf %slice3A_149, %slice3A_150 : vector<400x2x128xf32>
    %slice3A_152 = vector.extract_strided_slice %add3A_151 {offsets = [0, 0, 0], sizes = [400, 1, 128], strides = [1, 1, 1]} : vector<400x2x128xf32> to vector<400x1x128xf32>
    %slice3A_153 = vector.extract_strided_slice %add3A_151 {offsets = [0, 1, 0], sizes = [400, 1, 128], strides = [1, 1, 1]} : vector<400x2x128xf32> to vector<400x1x128xf32>
    %add3A_154 = arith.addf %slice3A_152, %slice3A_153 : vector<400x1x128xf32>
    %squeeze3A_155 = vector.shape_cast %add3A_154 : vector<400x1x128xf32> to vector<400x128xf32>
    %add3A_156 = arith.addf %squeeze3A_155, %get3A_98 : vector<400x128xf32>
    %mul3A_157 = arith.mulf %add3A_156, %add3A_156 : vector<400x128xf32>
    %dot_general3A_158 = arith.constant dense<0.000000e+00> : vector<400x128xf32>
    %dot_general3A_159 = tpu.matmul %mul3A_157, %convert_element_type3A_91, %dot_general3A_158 {dimension_numbers = #tpu.dot_dimension_numbers<[1], [0], [0], [1], [0, 0, 1, 1], [], []>, transpose_lhs_hint = false} : vector<400x128xf32>, vector<128x128xf32>, vector<400x128xf32> -> vector<400x128xf32>
    %sqrt3A_160 = math.sqrt %dot_general3A_159 : vector<400x128xf32>
    %max3A_161 = arith.constant 9.99999996E-13 : f32
    %max3A_162 = vector.broadcast %max3A_161 : f32 to vector<400x128xf32>
    %max3A_163 = arith.maximumf %sqrt3A_160, %max3A_162 : vector<400x128xf32>
    %div3A_164 = arith.constant 1.000000e+00 : f32
    %div3A_165 = vector.broadcast %div3A_164 : f32 to vector<400x128xf32>
    %div3A_166 = arith.divf %div3A_165, %max3A_163 : vector<400x128xf32>
    %mul3A_167 = arith.mulf %add3A_156, %div3A_166 : vector<400x128xf32>
    %broadcast_in_dim3A_168 = vector.shape_cast %mul3A_167 : vector<400x128xf32> to vector<400x1x128xf32>
    %mul3A_169 = vector.broadcast %broadcast_in_dim3A_168 : vector<400x1x128xf32> to vector<400x32x128xf32>
    %mul3A_170 = arith.mulf %reshape3A, %mul3A_169 : vector<400x32x128xf32>
    %reshape3A_171 = vector.shape_cast %mul3A_170 : vector<400x32x128xf32> to vector<12800x128xf32>
    %dot_general3A_172 = arith.constant dense<0.000000e+00> : vector<12800x4xf32>
    %dot_general3A_173 = tpu.matmul %reshape3A_171, %convert_element_type3A_24, %dot_general3A_172 {dimension_numbers = #tpu.dot_dimension_numbers<[1], [0], [0], [1], [0, 0, 1, 1], [], []>, transpose_lhs_hint = false} : vector<12800x128xf32>, vector<128x4xf32>, vector<12800x4xf32> -> vector<12800x4xf32>
    %exp3A_174 = math.exp %dot_general3A_173 : vector<12800x4xf32>
    %dot_general3A_175 = arith.constant dense<0.000000e+00> : vector<12800x4xf32>
    %dot_general3A_176 = tpu.matmul %exp3A_174, %broadcast_in_dim3A_123, %dot_general3A_175 {dimension_numbers = #tpu.dot_dimension_numbers<[1], [0], [0], [1], [0, 0, 1, 1], [], []>, transpose_lhs_hint = false} : vector<12800x4xf32>, vector<4x4xf32>, vector<12800x4xf32> -> vector<12800x4xf32>
    %div3A_177 = arith.constant 1.000000e+00 : f32
    %div3A_178 = vector.broadcast %div3A_177 : f32 to vector<12800x4xf32>
    %div3A_179 = arith.divf %div3A_178, %dot_general3A_176 : vector<12800x4xf32>
    %mul3A_180 = arith.mulf %exp3A_174, %div3A_179 : vector<12800x4xf32>
    %transpose3A_181 = tpu.transpose %convert_element_type3A_24, [1, 0] : vector<128x4xf32> -> vector<4x128xf32>
    %dot_general3A_182 = arith.constant dense<0.000000e+00> : vector<12800x128xf32>
    %dot_general3A_183 = tpu.matmul %mul3A_180, %transpose3A_181, %dot_general3A_182 {dimension_numbers = #tpu.dot_dimension_numbers<[1], [0], [0], [1], [0, 0, 1, 1], [], []>, transpose_lhs_hint = false} : vector<12800x4xf32>, vector<4x128xf32>, vector<12800x128xf32> -> vector<12800x128xf32>
    %reshape3A_184 = vector.shape_cast %dot_general3A_183 : vector<12800x128xf32> to vector<400x32x128xf32>
    %mul3A_185 = arith.mulf %reshape3A_184, %reshape3A : vector<400x32x128xf32>
    %slice3A_186 = vector.extract_strided_slice %mul3A_185 {offsets = [0, 0, 0], sizes = [400, 16, 128], strides = [1, 1, 1]} : vector<400x32x128xf32> to vector<400x16x128xf32>
    %slice3A_187 = vector.extract_strided_slice %mul3A_185 {offsets = [0, 16, 0], sizes = [400, 16, 128], strides = [1, 1, 1]} : vector<400x32x128xf32> to vector<400x16x128xf32>
    %add3A_188 = arith.addf %slice3A_186, %slice3A_187 : vector<400x16x128xf32>
    %slice3A_189 = vector.extract_strided_slice %add3A_188 {offsets = [0, 0, 0], sizes = [400, 8, 128], strides = [1, 1, 1]} : vector<400x16x128xf32> to vector<400x8x128xf32>
    %slice3A_190 = vector.extract_strided_slice %add3A_188 {offsets = [0, 8, 0], sizes = [400, 8, 128], strides = [1, 1, 1]} : vector<400x16x128xf32> to vector<400x8x128xf32>
    %add3A_191 = arith.addf %slice3A_189, %slice3A_190 : vector<400x8x128xf32>
    %slice3A_192 = vector.extract_strided_slice %add3A_191 {offsets = [0, 0, 0], sizes = [400, 4, 128], strides = [1, 1, 1]} : vector<400x8x128xf32> to vector<400x4x128xf32>
    %slice3A_193 = vector.extract_strided_slice %add3A_191 {offsets = [0, 4, 0], sizes = [400, 4, 128], strides = [1, 1, 1]} : vector<400x8x128xf32> to vector<400x4x128xf32>
    %add3A_194 = arith.addf %slice3A_192, %slice3A_193 : vector<400x4x128xf32>
    %slice3A_195 = vector.extract_strided_slice %add3A_194 {offsets = [0, 0, 0], sizes = [400, 2, 128], strides = [1, 1, 1]} : vector<400x4x128xf32> to vector<400x2x128xf32>
    %slice3A_196 = vector.extract_strided_slice %add3A_194 {offsets = [0, 2, 0], sizes = [400, 2, 128], strides = [1, 1, 1]} : vector<400x4x128xf32> to vector<400x2x128xf32>
    %add3A_197 = arith.addf %slice3A_195, %slice3A_196 : vector<400x2x128xf32>
    %slice3A_198 = vector.extract_strided_slice %add3A_197 {offsets = [0, 0, 0], sizes = [400, 1, 128], strides = [1, 1, 1]} : vector<400x2x128xf32> to vector<400x1x128xf32>
    %slice3A_199 = vector.extract_strided_slice %add3A_197 {offsets = [0, 1, 0], sizes = [400, 1, 128], strides = [1, 1, 1]} : vector<400x2x128xf32> to vector<400x1x128xf32>
    %add3A_200 = arith.addf %slice3A_198, %slice3A_199 : vector<400x1x128xf32>
    %squeeze3A_201 = vector.shape_cast %add3A_200 : vector<400x1x128xf32> to vector<400x128xf32>
    %add3A_202 = arith.addf %squeeze3A_201, %get3A_98 : vector<400x128xf32>
    %swap3A = arith.constant 0 : index
    %swap3A_203 = arith.constant 0 : index
    %swap3A_204 = vector.load %arg3[%swap3A, %swap3A_203] : memref<400x128xf32, #tpu.memory_space<vmem>>, vector<400x128xf32>
    tpu.vector_store %arg3[%swap3A, %swap3A_203], %add3A_202 {strides = array<i32>} : memref<400x128xf32, #tpu.memory_space<vmem>>, vector<400x128xf32>,
    return
  }
  func.func @transform_0(%arg0: i32) -> (i32, i32, i32) {
    %c0_i32 = arith.constant 0 : i32
    %c0_i32_0 = arith.constant 0 : i32
    %c0_i32_1 = arith.constant 0 : i32
    return %arg0, %c0_i32, %c0_i32_0 : i32, i32, i32
  }
  func.func @transform_1(%arg0: i32) -> (i32, i32) {
    %c0_i32 = arith.constant 0 : i32
    %c0_i32_0 = arith.constant 0 : i32
    return %arg0, %c0_i32 : i32, i32
  }
  func.func @transform_2(%arg0: i32) -> (i32, i32) {
    %c0_i32 = arith.constant 0 : i32
    %c0_i32_0 = arith.constant 0 : i32
    return %arg0, %c0_i32 : i32, i32
  }
}

module attributes {stable_mosaic.version = 14 : i64} {
  func.func @_mix_body(%arg0: i32, %arg1: memref<1000x128xf32, #tpu.memory_space<vmem>>, %arg2: memref<1000x128xf32, #tpu.memory_space<vmem>>, %arg3: memref<1000x128xf32, #tpu.memory_space<vmem>>, %arg4: memref<3x1000x128xf32, #tpu.memory_space<vmem>>) attributes {dimension_semantics = [#tpu.dimension_semantics<arbitrary>], iteration_bounds = array<i64: 10>, scalar_prefetch = 0 : i64, scratch_operands = 0 : i64, tpu.core_type = #tpu.core_type<tc>, window_params = [{transform_indices = @transform_0, window_bounds = array<i64: 1000, 128>}, {transform_indices = @transform_1, window_bounds = array<i64: 1000, 128>}, {transform_indices = @transform_2, window_bounds = array<i64: 1000, 128>}, {transform_indices = @transform_3, window_bounds = array<i64: 3, 1000, 128>}]} {
    %get3A = arith.constant 0 : index
    %get3A_0 = arith.constant 0 : index
    %get3A_1 = vector.load %arg1[%get3A, %get3A_0] : memref<1000x128xf32, #tpu.memory_space<vmem>>, vector<1000x128xf32>
    %mul3A = arith.constant 2.500000e-01 : f32
    %mul3A_2 = vector.broadcast %mul3A : f32 to vector<1000x128xf32>
    %mul3A_3 = arith.mulf %mul3A_2, %get3A_1 : vector<1000x128xf32>
    %get3A_4 = arith.constant 0 : index
    %get3A_5 = arith.constant 0 : index
    %get3A_6 = vector.load %arg2[%get3A_4, %get3A_5] : memref<1000x128xf32, #tpu.memory_space<vmem>>, vector<1000x128xf32>
    %mul3A_7 = arith.constant 5.000000e-01 : f32
    %mul3A_8 = vector.broadcast %mul3A_7 : f32 to vector<1000x128xf32>
    %mul3A_9 = arith.mulf %mul3A_8, %get3A_6 : vector<1000x128xf32>
    %add3A = arith.addf %mul3A_3, %mul3A_9 : vector<1000x128xf32>
    %swap3A = arith.constant 0 : index
    %swap3A_10 = arith.constant 0 : index
    %swap3A_11 = arith.constant 0 : index
    %swap3A_12 = vector.load %arg4[%swap3A, %swap3A_10, %swap3A_11] : memref<3x1000x128xf32, #tpu.memory_space<vmem>>, vector<1x1000x128xf32>
    %swap3A_13 = vector.shape_cast %swap3A_12 : vector<1x1000x128xf32> to vector<1000x128xf32>
    %swap3A_14 = vector.shape_cast %get3A_1 : vector<1000x128xf32> to vector<1x1000x128xf32>
    tpu.vector_store %arg4[%swap3A, %swap3A_10, %swap3A_11], %swap3A_14 {strides = array<i32>} : memref<3x1000x128xf32, #tpu.memory_space<vmem>>, vector<1x1000x128xf32>,
    %swap3A_15 = arith.constant 1 : index
    %swap3A_16 = arith.constant 0 : index
    %swap3A_17 = arith.constant 0 : index
    %swap3A_18 = vector.load %arg4[%swap3A_15, %swap3A_16, %swap3A_17] : memref<3x1000x128xf32, #tpu.memory_space<vmem>>, vector<1x1000x128xf32>
    %swap3A_19 = vector.shape_cast %swap3A_18 : vector<1x1000x128xf32> to vector<1000x128xf32>
    %swap3A_20 = vector.shape_cast %add3A : vector<1000x128xf32> to vector<1x1000x128xf32>
    tpu.vector_store %arg4[%swap3A_15, %swap3A_16, %swap3A_17], %swap3A_20 {strides = array<i32>} : memref<3x1000x128xf32, #tpu.memory_space<vmem>>, vector<1x1000x128xf32>,
    %mul3A_21 = arith.constant 1.250000e-01 : f32
    %mul3A_22 = vector.broadcast %mul3A_21 : f32 to vector<1000x128xf32>
    %mul3A_23 = arith.mulf %mul3A_22, %get3A_1 : vector<1000x128xf32>
    %mul3A_24 = arith.constant 0.182764649 : f32
    %mul3A_25 = vector.broadcast %mul3A_24 : f32 to vector<1000x128xf32>
    %mul3A_26 = arith.mulf %mul3A_25, %add3A : vector<1000x128xf32>
    %add3A_27 = arith.addf %mul3A_23, %mul3A_26 : vector<1000x128xf32>
    %get3A_28 = arith.constant 0 : index
    %get3A_29 = arith.constant 0 : index
    %get3A_30 = vector.load %arg3[%get3A_28, %get3A_29] : memref<1000x128xf32, #tpu.memory_space<vmem>>, vector<1000x128xf32>
    %mul3A_31 = arith.constant 5.000000e-01 : f32
    %mul3A_32 = vector.broadcast %mul3A_31 : f32 to vector<1000x128xf32>
    %mul3A_33 = arith.mulf %mul3A_32, %get3A_30 : vector<1000x128xf32>
    %add3A_34 = arith.addf %add3A_27, %mul3A_33 : vector<1000x128xf32>
    %swap3A_35 = arith.constant 2 : index
    %swap3A_36 = arith.constant 0 : index
    %swap3A_37 = arith.constant 0 : index
    %swap3A_38 = vector.load %arg4[%swap3A_35, %swap3A_36, %swap3A_37] : memref<3x1000x128xf32, #tpu.memory_space<vmem>>, vector<1x1000x128xf32>
    %swap3A_39 = vector.shape_cast %swap3A_38 : vector<1x1000x128xf32> to vector<1000x128xf32>
    %swap3A_40 = vector.shape_cast %add3A_34 : vector<1000x128xf32> to vector<1x1000x128xf32>
    tpu.vector_store %arg4[%swap3A_35, %swap3A_36, %swap3A_37], %swap3A_40 {strides = array<i32>} : memref<3x1000x128xf32, #tpu.memory_space<vmem>>, vector<1x1000x128xf32>,
    return
  }
  func.func @transform_0(%arg0: i32) -> (i32, i32) {
    %c0_i32 = arith.constant 0 : i32
    %c0_i32_0 = arith.constant 0 : i32
    return %arg0, %c0_i32 : i32, i32
  }
  func.func @transform_1(%arg0: i32) -> (i32, i32) {
    %c0_i32 = arith.constant 0 : i32
    %c0_i32_0 = arith.constant 0 : i32
    return %arg0, %c0_i32 : i32, i32
  }
  func.func @transform_2(%arg0: i32) -> (i32, i32) {
    %c0_i32 = arith.constant 0 : i32
    %c0_i32_0 = arith.constant 0 : i32
    return %arg0, %c0_i32 : i32, i32
  }
  func.func @transform_3(%arg0: i32) -> (i32, i32, i32) {
    %c0_i32 = arith.constant 0 : i32
    %c0_i32_0 = arith.constant 0 : i32
    %c0_i32_1 = arith.constant 0 : i32
    return %c0_i32, %arg0, %c0_i32_0 : i32, i32, i32
  }
}

</mosaic_0001>

<sc_bundles>
// kernel: kernel.12.cloned.1.call-start
scs
__scs_entry_jumppad:
0x0: {  	(pc) =	sbr.rel $0x88, $3  }
0x1: {  	(tag) =	ssettag $0x0;
	lr =	simm.s32 $0x1  }
0x2: {  	[smem:$0x3F9F] =	sst lr;
	_ =	strace $0xD0000000  }
0x3: {  	_ = 	snop  }
0x4: {  	_ = 	snop  }
0x5: {  	_ = 	snop  }
0x6: {  	_ = 	snop  }
0x7: {  	_ = 	snop  }
__scs_overlays_trampoline_lowered:
0x8: {  	[smem:$0x3FAE] =	sst s0  }
0x9: {  	[smem:$0x3FAF] =	sst s1  }
0xa: {  	[smem:$0x3FB0] =	sst s2  }
0xb: {  	[smem:$0x3FB1] =	sst s3  }
0xc: {  	[smem:$0x3FB2] =	sst s4  }
0xd: {  	[smem:$0x3FB3] =	sst s5  }
0xe: {  	[smem:$0x3FB4] =	sst s6  }
0xf: {  	[smem:$0x3FB5] =	sst s7  }
0x10: {  	[smem:$0x3FB6] =	sst s8  }
0x11: {  	[smem:$0x3FB7] =	sst s9;
	s0 =	simm.s32 @!p0 $0x0  }
0x12: {  	s1 =	sld [smem:$0x3F9D];
	s0 =	simm.s32 @p0 $0x1  }
0x13: {  	[smem:$0x3FB8] =	sst s0;
	s0 =	simm.s32 @!p1 $0x0  }
0x14: {  	s2 =	sld [smem:$0x3F9C];
	s0 =	simm.s32 @p1 $0x1  }
0x15: {  	[smem:$0x3FB9] =	sst s0;
	s0 =	simm.s32 @!p2 $0x0  }
0x16: {  	s3 =	sld [smem:$0x3FDB];
	s0 =	simm.s32 @p2 $0x1  }
0x17: {  	s4 =	simm.s32 $0x1BF5;
	[smem:$0x3FBB] =	sst s0  }
0x18: {  	s0 =	sld [smem:$0x3F9E];
	_ =	swait.ge [sflag:s4], $0x0  }
0x19: {  	s7 =	sld [smem:$0x3F9F]  }
0x1a: {  	s8 =	sadd.s32 $0xFFFFE003, lr  }
0x1b: {  	s9 =	sadd.s32 $0xFFFFFEF7, lr;
	s5 =	simm.s32 $0xFFFFFFFF;
	p2 =	slt.u32 s8, $0xFFFFF086  }
0x1c: {  	p1 =	slt.u32 s9, $0xF7A;
	s5 =	simm.s32 @!p2 $0x0  }
0x1d: {  	s5 =	simm.s32 @p1 $0x1;
	p0 =	seq.s32 s7, s2  }
0x1e: {  	s7 =	smul.u32 @!p0 $0xF7A, s2;
	p2 =	seq.s32 @!p0 s5, $0x0  }
0x1f: {  	s9 =	smul.u32 $0xF7A, s1;
	s8 =	simm.s32 @!p0 $0x1BF5;
	p2 =	por !p2, p0  }
0x20: {  	[sflag:s8] =	ssyncset.s32 @!p0 $0xFFFFF086;
	s6 =	sadd.s32 @!p0 s3, s7;
	s7 =	simm.s32 @!p0 $0x108  }
0x21: {  	s3 =	sadd.s32 s3, s9;
	s6 =	sadd.s32 @!p0 $0x88, s6;
	s7 =	simm.s32 @p2 $0x1082  }
0x22: {  	[simem:s7], [sflag:s8] =	dma.local @!p0 [hbm:s6], $0xF7A  }
0x23: {  	s9 =	sor.u32 $0xD0000000, s2;
	s6 =	simm.s32 $0x108;
	_ =	swait.ge @!p0 [sflag:s8], $0x0  }
0x24: {  	s3 =	sadd.s32 $0x88, s3;
	s6 =	simm.s32 @!p1 $0x1082;
	[sflag:s4] =	ssyncset.s32 $0xFFFFF086  }
0x25: {  	[simem:s6], [sflag:s4] =	dma.local [hbm:s3], $0xF7A  }
0x26: {  	[smem:$0x3F9F] =	sst s1;
	(tag) =	ssettag s2;
	_ =	strace s9  }
0x27: {  	s1 =	sld [smem:$0x3FAF]  }
0x28: {  	s2 =	sld [smem:$0x3FB0]  }
0x29: {  	s4 =	sld [smem:$0x3FB2]  }
0x2a: {  	p0 =	seq.s32 s5, $0x0;
	s5 =	sld [smem:$0x3FB3]  }
0x2b: {  	s6 =	sld [smem:$0x3FB4]  }
0x2c: {  	s7 =	sld [smem:$0x3FB5]  }
0x2d: {  	s3 =	simm.s32 $0x108;
	s8 =	sld [smem:$0x3FB6]  }
0x2e: {  	s3 =	simm.s32 @!p0 $0x1082;
	s9 =	sld [smem:$0x3FB7]  }
0x2f: {  	lr =	sadd.s32 s0, s3;
	s0 =	sld [smem:$0x3FAE]  }
0x30: {  	s3 =	sld [smem:$0x3FB1]  }
0x31: {  	[smem:$0x3FBA] =	sst s10  }
0x32: {  	s10 =	sld [smem:$0x3FB8];
	_ =	sdelay $0x3  }
0x33: {  	p0 =	seq.s32 s10, $0x1;
	s10 =	sld [smem:$0x3FBA];
	_ =	sdelay $0x3  }
0x34: {  	[smem:$0x3FBA] =	sst s10  }
0x35: {  	s10 =	sld [smem:$0x3FB9];
	_ =	sdelay $0x3  }
0x36: {  	p1 =	seq.s32 s10, $0x1;
	s10 =	sld [smem:$0x3FBA];
	_ =	sdelay $0x3  }
0x37: {  	[smem:$0x3FBA] =	sst s10  }
0x38: {  	s10 =	sld [smem:$0x3FBB]  }
0x39: {  	_ = 	snop;
	(pc) =	sbr.ind lr, $3  }
0x3a: {  	_ = 	snop  }
0x3b: {  	_ = 	snop  }
0x3c: {  	p2 =	seq.s32 s10, $0x1;
	s10 =	sld [smem:$0x3FBA]  }
0x3d: {  	_ =	shalt  }
0x3e: {  	_ =	shalt  }
0x3f: {  	_ =	shalt  }
0x40: {  	_ =	shalt  }
0x41: {  	_ =	shalt  }
0x42: {  	_ =	shalt  }
0x43: {  	_ =	shalt  }
0x44: {  	_ =	shalt  }
0x45: {  	_ =	shalt  }
0x46: {  	_ =	shalt  }
0x47: {  	_ =	shalt  }
0x48: {  	_ =	shalt  }
0x49: {  	_ =	shalt  }
0x4a: {  	_ =	shalt  }
0x4b: {  	_ =	shalt  }
0x4c: {  	_ =	shalt  }
0x4d: {  	_ =	shalt  }
0x4e: {  	_ =	shalt  }
0x4f: {  	_ =	shalt  }
0x50: {  	_ =	shalt  }
0x51: {  	_ =	shalt  }
0x52: {  	_ =	shalt  }
0x53: {  	_ =	shalt  }
0x54: {  	_ =	shalt  }
0x55: {  	_ =	shalt  }
0x56: {  	_ =	shalt  }
0x57: {  	_ =	shalt  }
0x58: {  	_ =	shalt  }
0x59: {  	_ =	shalt  }
0x5a: {  	_ =	shalt  }
0x5b: {  	_ =	shalt  }
0x5c: {  	_ =	shalt  }
0x5d: {  	_ =	shalt  }
0x5e: {  	_ =	shalt  }
0x5f: {  	_ =	shalt  }
0x60: {  	_ =	shalt  }
0x61: {  	_ =	shalt  }
0x62: {  	_ =	shalt  }
0x63: {  	_ =	shalt  }
0x64: {  	_ =	shalt  }
0x65: {  	_ =	shalt  }
0x66: {  	_ =	shalt  }
0x67: {  	_ =	shalt  }
0x68: {  	_ =	shalt  }
0x69: {  	_ =	shalt  }
0x6a: {  	_ =	shalt  }
0x6b: {  	_ =	shalt  }
0x6c: {  	_ =	shalt  }
0x6d: {  	_ =	shalt  }
0x6e: {  	_ =	shalt  }
0x6f: {  	_ =	shalt  }
0x70: {  	_ =	shalt  }
0x71: {  	_ =	shalt  }
0x72: {  	_ =	shalt  }
0x73: {  	_ =	shalt  }
0x74: {  	_ =	shalt  }
0x75: {  	_ =	shalt  }
0x76: {  	_ =	shalt  }
0x77: {  	_ =	shalt  }
0x78: {  	_ =	shalt  }
0x79: {  	_ =	shalt  }
0x7a: {  	_ =	shalt  }
0x7b: {  	_ =	shalt  }
0x7c: {  	_ =	shalt  }
0x7d: {  	_ =	shalt  }
0x7e: {  	_ =	shalt  }
0x7f: {  	_ =	shalt  }
0x80: {  	_ =	shalt  }
0x81: {  	_ =	shalt  }
0x82: {  	_ =	shalt  }
0x83: {  	_ =	shalt  }
0x84: {  	_ =	shalt  }
0x85: {  	_ =	shalt  }
0x86: {  	_ =	shalt  }
0x87: {  	_ =	shalt  }
.Lfunc_end0:
.L_simem_size_0:
called_computation_lowered:
.L_overlay_start_0:
0x88: {  	s2 =	sld [smem:$0x3FD9]  }
0x89: {  	s3 =	sld [smem:$0x3FFE];
	_ =	sdelay $0x1  }
0x8a: {  	s1 =	srdreg.scid  }
0x8b: {  	s0 =	sand.u32 $0x1, s1  }
0x8c: {  	s17 =	sshll.u32 s0, $0xA;
	s2 =	sadd.s32 s3, s2  }
0x8d: {  	s2 =	sadd.s32 s2, s17  }
0x8e: {  	[smem:$0x3FC6] =	sst s2  }
0x8f: {  	_ = 	snop  }
0x90: {  	s2 =	sld [smem:$0x3FD0];
	(tm) =	ssettm $0x1  }
0x91: {  	s18 =	sld [smem:$0x3FFB];
	_ =	sdelay $0x3  }
0x92: {  	_ =	strace s18  }
0x93: {  	s3 =	sld [smem:$0x3FFC];
	_ =	sdelay $0x3  }
0x94: {  	_ =	strace s3  }
0x95: {  	s3 =	sld [smem:$0x3FFD];
	_ =	sdelay $0x3  }
0x96: {  	_ =	strace s3  }
0x97: {  	_ =	strace $0x8FFFFFFF  }
0x98: {  	s19 =	sld [smem:$0x3FDB];
	_ =	sdelay $0x1  }
0x99: {  	s4 =	simm.s32 $_scs_section_size  }
0x9a: {  	s5 =	simm.s32 $_size__tile_overlayer_lowered;
	s6 =	simm.s32 $_tile_overlayer_lowered  }
0x9b: {  	s22 =	simm.s32 $0x1BFF;
	s21 =	sshll.u32 s6, $0x1;
	s3 =	sadd.s32 s4, s19  }
0x9c: {  	s7 =	simm.s32 $0x0;
	s20 =	sshll.u32 s5, $0x1;
	s5 =	sadd.s32 s21, s3  }
0x9d: {  	[timem:s7], [sflag:s22] =	dma.local [hbm:s5], s20  }
0x9e: {  	_ =	swait.ge [sflag:s22], s20  }
0x9f: {  	s4 =	ssub.s32 $0x0, s20;
	[sflag:s22] =	ssyncset.done $0x0  }
0xa0: {  	[sflag:s22] =	ssyncadd.s32 s4;
	_ =	sdelay $0x1  }
0xa1: {  	s23 =	simm.s32 $0x1B8B  }
0xa2: {  	_ =	swait.ge [sflag:s23], $0x1  }
0xa3: {  	[sflag:s23] =	ssyncset.done $0x0  }
0xa4: {  	s25 =	simm.s32 $0x1B8E;
	s24 =	sld [smem:$0x3FFE];
	[sflag:s23] =	ssyncadd.s32 $0xFFFFFFFF  }
0xa5: {  	s26 =	simm.s32 $execute0_lowered;
	[smem:$0x3FD2] =	sst s25  }
0xa6: {  	s5 =	sshll.u32 s26, $0x1;
	_ =	strace $0x80000046;
	[dreg:$0x1] =	wrdreg $0xFFFFFFFF  }
0xa7: {  	s28 =	simm.s32 $_size_execute0_lowered;
	s3 =	sadd.s32 s3, s5;
	[dreg:$0x0] =	wrdreg $0x0  }
0xa8: {  	s5 =	sshll.u32 s28, $0x1;
	[dreg:$0x2] =	wrdreg s3  }
0xa9: {  	[dreg:$0x3] =	wrdreg s5  }
0xaa: {  	[dreg:$0x4] =	wrdreg $0xC0  }
0xab: {  	_ =	task [dreg:s7], $0x5FFFF  }
0xac: {  	[dreg:$0x1] =	wrdreg $0xFFFFFFFF  }
0xad: {  	[dreg:$0x0] =	wrdreg $0x60  }
0xae: {  	[dreg:$0x2] =	wrdreg s2  }
0xaf: {  	[dreg:$0x3] =	wrdreg s24  }
0xb0: {  	[dreg:$0x4] =	wrdreg $0x9  }
0xb1: {  	_ =	task.clear_ibuf [dreg:s7], $0x5FFFF;
	_ =	strace $0x90000046  }
0xb2: {  	s29 =	simm.s32 $0x9;
	_ =	strace $0x80000048  }
0xb3: {  	_ =	swait.ge [sflag:s29], $0x1  }
0xb4: {  	[sflag:s29] =	ssyncadd.s32 $0xFFFFFFFF  }
0xb5: {  	_ =	strace $0x90000048  }
0xb6: {  	_ =	sfence  }
0xb7: {  	s30 =	sld [smem:$0x0];
	_ =	sdelay $0x2  }
0xb8: {  	s31 =	sshll.u32 s1, $0xD;
	s1 =	sshrl.u32 s1, $0x2  }
0xb9: {  	s3 =	sand.u32 $0x4000, s31;
	s1 =	sadd.s32 s1, s30  }
0xba: {  	s0 =	sor.u32 s3, s0;
	s1 =	sshll.u32 s1, $0x11  }
0xbb: {  	s0 =	sor.u32 s1, s0  }
0xbc: {  	s0 =	sadd.s32 $0x8F2B, s0  }
0xbd: {  	[sflag:s0] =	ssyncadd.remote.s32 $0x1  }
0xbe: {  	_ =	sfence.sel $0xFFFF  }
0xbf: {  	[dreg:$0x0] =	wrdreg $0xFFFFFFFF;
	(pc) =	sbr.abs _section_cstart, $3  }
0xc0: {  	[dreg:$0x1] =	wrdreg $0xFFFFFFFF  }
0xc1: {  	_ =	task.clear_ibuf [dreg:s7], $0x2FFFF;
	_ =	strace $0x9FFFFFFF  }
0xc2: {  	(tm) =	ssettm $0x7FFFFFFF  }
0xc3: {  	_ =	shalt  }
tec
execute0_lowered:
.L_overlay_start_1:
0x0: {  	(tag) =	ssettag $0x1  }
0x1: {  	s0 =	srdreg.scid;
	s2 =	rddreg [dreg:$0x0]  }
0x2: {  	s9 =	stileid.u32;
	s4 =	rddreg [dreg:$0x1];
	s3 =	simm.s32 $0x0  }
0x3: {  	s12 =	simm.s32 $0x9;
	s13 =	simm.s32 $0x50;
	s14 =	simm.s32 $0x800  }
0x4: {  	s15 =	simm.s32 $0x1;
	s16 =	simm.s32 $0x5;
	s18 =	simm.s32 $0x3000  }
0x5: {  	s19 =	simm.s32 $0xF0;
	s20 =	simm.s32 $0x5800;
	s21 =	simm.s32 $0x140  }
0x6: {  	s22 =	simm.s32 $0x8000;
	s28 =	simm.s32 $0x7;
	s29 =	simm.s32 $0x8  }
0x7: {  	s0 =	sand.u32 $0x1, s0;
	s1 =	sshll.u32 s9, $0x1;
	s25 =	smul.u32 $0xFA00, s9  }
0x8: {  	s1 =	sor.u32 s0, s1;
	s6 =	ssub.s32 $0x2, s0;
	s0 =	smul.u32 $0x7D00, s0  }
0x9: {  	s30 =	simm.s32 $0x0;
	[smem:$0x7FF] =	sst s3;
	s5 =	smul.u32 $0x7D0, s1  }
0xa: {  	s8 =	sadd.s32 $0x4600, s4;
	_ =	strace $0x80000047;
	s7 =	smul.u32 $0x3E800, s1  }
0xb: {  	s23 =	sshrl.u32 s6, $0x1;
	s1 =	smul.u32 $0x7D00, s1;
	s31 =	sadd.s32 s25, s8  }
0xc: {  	s25 =	simm.s32 $0x4;
	s10 =	ssub.s32 s6, s23;
	s0 =	sadd.s32 s0, s31  }
0xd: {  	s23 =	simm.s32 $0x2;
	s5 =	sshrl.u32 s5, $0x3;
	s24 =	sshrl.u32 s7, $0x3  }
0xe: {  	s10 =	smax.u32 s10, $0x1;
	s11 =	sadd.s32 $0x1400, s0;
	s5 =	sadd.s32 s5, s4  }
0xf: {  	s26 =	sadd.s32 s8, s24;
	s24 =	simm.s32 $0x3;
	s4 =	sadd.s32 $0x2600, s5  }
0x10: {  	s5 =	sadd.s32 s8, s1;
	s6 =	sadd.s32 $0x6900, s26;
	s7 =	sadd.s32 $0x6E00, s26  }
0x11: {  	s8 =	sadd.s32 $0x7300, s26;
	s9 =	sadd.s32 $0x7800, s26;
	s26 =	simm.s32 $0x6  }
.LBB2_1:
0x12: {  	[tilespmem:s3], [sflag:$0x9] =	stream.linear.gather [hbm4b:s4+s3], $0x7D0, $0x38;
	[tilespmem:$0xA800] =	vst v63  }
0x13: {  	_ =	swait.ge [sflag:s12], $0x7D0  }
0x14: {  	[sflag:s12] =	ssyncset.done $0x0  }
0x15: {  	[sflag:s12] =	ssyncadd.s32 $0xFFFFF830  }
0x16: {  	[tilespmem:s14], [sflag:$0x1] =	stream.indirect.gather [hbm4b:s2+s13], $0x80, s3, s13, $0xb8;
	[tilespmem:$0xA800] =	vst v63  }
0x17: {  	_ =	swait.ge [sflag:s15], $0x2800  }
0x18: {  	[sflag:s15] =	ssyncset.done $0x0  }
0x19: {  	[sflag:s15] =	ssyncadd.s32 $0xFFFFD800  }
0x1a: {  	[hbm4b:s5+s3] =	stream.linear.scatter [tilespmem:s14], [sflag:$0x5], $0x2800, $0x38;
	[tilespmem:$0xA800] =	vst v63  }
0x1b: {  	_ =	swait.ge [sflag:s16], $0x2800  }
0x1c: {  	[sflag:s16] =	ssyncset.done $0x0  }
0x1d: {  	[sflag:s16] =	ssyncadd.s32 $0xFFFFD800  }
0x1e: {  	[tilespmem:s14], [sflag:$0x1] =	stream.indirect.gather [hbm4b:s2+s13], $0x80, s13, s13, $0xb8;
	[tilespmem:$0xA800] =	vst v63  }
0x1f: {  	s0 =	simm.s32 $0xA0  }
0x20: {  	[tilespmem:s18], [sflag:$0x2] =	stream.indirect.gather [hbm4b:s2+s13], $0x80, s0, s13, $0xb8;
	[tilespmem:$0xA800] =	vst v63  }
0x21: {  	_ = 	snop  }
0x22: {  	[tilespmem:s20], [sflag:$0x3] =	stream.indirect.gather [hbm4b:s2+s13], $0x80, s19, s13, $0xb8;
	[tilespmem:$0xA800] =	vst v63  }
0x23: {  	_ = 	snop  }
0x24: {  	[tilespmem:s22], [sflag:$0x4] =	stream.indirect.gather [hbm4b:s2+s13], $0x80, s21, s13, $0xb8;
	[tilespmem:$0xA800] =	vst v63  }
0x25: {  	_ =	swait.ge [sflag:s15], $0x2800  }
0x26: {  	[sflag:s15] =	ssyncset.done $0x0  }
0x27: {  	s1 =	sadd.s32 $0xFFFFF100, s11;
	[sflag:s15] =	ssyncadd.s32 $0xFFFFD800  }
0x28: {  	[hbm4b:s1+s3] =	stream.linear.scatter [tilespmem:s14], [sflag:$0x5], $0x2800, $0x38;
	[tilespmem:$0xA800] =	vst v63  }
0x29: {  	_ =	swait.ge [sflag:s23], $0x2800  }
0x2a: {  	[sflag:s23] =	ssyncset.done $0x0  }
0x2b: {  	s17 =	sadd.s32 $0xFFFFF600, s11;
	[sflag:s23] =	ssyncadd.s32 $0xFFFFD800  }
0x2c: {  	[hbm4b:s17+s3] =	stream.linear.scatter [tilespmem:s18], [sflag:$0x6], $0x2800, $0x38;
	[tilespmem:$0xA800] =	vst v63  }
0x2d: {  	_ =	swait.ge [sflag:s24], $0x2800  }
0x2e: {  	[sflag:s24] =	ssyncset.done $0x0  }
0x2f: {  	s1 =	sadd.s32 $0xFFFFFB00, s11;
	[sflag:s24] =	ssyncadd.s32 $0xFFFFD800  }
0x30: {  	[hbm4b:s1+s3] =	stream.linear.scatter [tilespmem:s20], [sflag:$0x7], $0x2800, $0x38;
	[tilespmem:$0xA800] =	vst v63  }
0x31: {  	_ =	swait.ge [sflag:s25], $0x2800  }
0x32: {  	[sflag:s25] =	ssyncset.done $0x0  }
0x33: {  	[sflag:s25] =	ssyncadd.s32 $0xFFFFD800  }
0x34: {  	[hbm4b:s11+s3] =	stream.linear.scatter [tilespmem:s22], [sflag:$0x8], $0x2800, $0x38;
	[tilespmem:$0xA800] =	vst v63  }
0x35: {  	_ =	swait.ge [sflag:s16], $0x2800  }
0x36: {  	[sflag:s16] =	ssyncset.done $0x0  }
0x37: {  	s17 =	simm.s32 $0x190;
	[sflag:s16] =	ssyncadd.s32 $0xFFFFD800  }
0x38: {  	[tilespmem:s14], [sflag:$0x1] =	stream.indirect.gather [hbm4b:s2+s13], $0x80, s17, s13, $0xb8;
	[tilespmem:$0xA800] =	vst v63  }
0x39: {  	_ =	swait.ge [sflag:s26], $0x2800  }
0x3a: {  	[sflag:s26] =	ssyncset.done $0x0  }
0x3b: {  	s1 =	simm.s32 $0x1E0;
	[sflag:s26] =	ssyncadd.s32 $0xFFFFD800  }
0x3c: {  	[tilespmem:s18], [sflag:$0x2] =	stream.indirect.gather [hbm4b:s2+s13], $0x80, s1, s13, $0xb8;
	[tilespmem:$0xA800] =	vst v63  }
0x3d: {  	_ =	swait.ge [sflag:s28], $0x2800  }
0x3e: {  	[sflag:s28] =	ssyncset.done $0x0  }
0x3f: {  	s17 =	simm.s32 $0x230;
	[sflag:s28] =	ssyncadd.s32 $0xFFFFD800  }
0x40: {  	[tilespmem:s20], [sflag:$0x3] =	stream.indirect.gather [hbm4b:s2+s13], $0x80, s17, s13, $0xb8;
	[tilespmem:$0xA800] =	vst v63  }
0x41: {  	_ =	swait.ge [sflag:s29], $0x2800  }
0x42: {  	s31 =	simm.s32 $0x500;
	[sflag:s29] =	ssyncset.done $0x0  }
0x43: {  	s0 =	simm.s32 $0x280;
	s1 =	sadd.s32 $0x1400, s11;
	[sflag:s29] =	ssyncadd.s32 $0xFFFFD800  }
.LBB2_2:
0x44: {  	[tilespmem:s22], [sflag:$0x4] =	stream.indirect.gather [hbm4b:s2+s13], $0x80, s0, s13, $0xb8;
	[tilespmem:$0xA800] =	vst v63  }
0x45: {  	s0 =	smov.u32 s31  }
0x46: {  	p0 =	sne.s32 s31, $0x1400;
	s31 =	sadd.s32 $0x500, s31;
	_ =	swait.ge [sflag:s15], $0x2800  }
0x47: {  	[sflag:s15] =	ssyncset.done $0x0  }
0x48: {  	s17 =	sadd.s32 $0xFFFFF100, s1;
	[sflag:s15] =	ssyncadd.s32 $0xFFFFD800  }
0x49: {  	[hbm4b:s17+s3] =	stream.linear.scatter [tilespmem:s14], [sflag:$0x5], $0x2800, $0x38;
	[tilespmem:$0xA800] =	vst v63  }
0x4a: {  	_ =	swait.ge [sflag:s23], $0x2800  }
0x4b: {  	[sflag:s23] =	ssyncset.done $0x0  }
0x4c: {  	s17 =	sadd.s32 $0xFFFFF600, s1;
	[sflag:s23] =	ssyncadd.s32 $0xFFFFD800  }
0x4d: {  	[hbm4b:s17+s3] =	stream.linear.scatter [tilespmem:s18], [sflag:$0x6], $0x2800, $0x38;
	[tilespmem:$0xA800] =	vst v63  }
0x4e: {  	_ =	swait.ge [sflag:s24], $0x2800  }
0x4f: {  	[sflag:s24] =	ssyncset.done $0x0  }
0x50: {  	s17 =	sadd.s32 $0xFFFFFB00, s1;
	[sflag:s24] =	ssyncadd.s32 $0xFFFFD800  }
0x51: {  	[hbm4b:s17+s3] =	stream.linear.scatter [tilespmem:s20], [sflag:$0x7], $0x2800, $0x38;
	[tilespmem:$0xA800] =	vst v63  }
0x52: {  	_ =	swait.ge [sflag:s25], $0x2800  }
0x53: {  	[sflag:s25] =	ssyncset.done $0x0  }
0x54: {  	[sflag:s25] =	ssyncadd.s32 $0xFFFFD800  }
0x55: {  	[hbm4b:s1+s3] =	stream.linear.scatter [tilespmem:s22], [sflag:$0x8], $0x2800, $0x38;
	[tilespmem:$0xA800] =	vst v63  }
0x56: {  	_ =	swait.ge [sflag:s16], $0x2800  }
0x57: {  	s0 =	sshra.s32 s0, $0x2;
	[sflag:s16] =	ssyncset.done $0x0  }
0x58: {  	s17 =	sadd.s32 $0x190, s0;
	[sflag:s16] =	ssyncadd.s32 $0xFFFFD800  }
0x59: {  	[tilespmem:s14], [sflag:$0x1] =	stream.indirect.gather [hbm4b:s2+s13], $0x80, s17, s13, $0xb8;
	[tilespmem:$0xA800] =	vst v63  }
0x5a: {  	_ =	swait.ge [sflag:s26], $0x2800  }
0x5b: {  	[sflag:s26] =	ssyncset.done $0x0  }
0x5c: {  	s17 =	sadd.s32 $0x1E0, s0;
	[sflag:s26] =	ssyncadd.s32 $0xFFFFD800  }
0x5d: {  	[tilespmem:s18], [sflag:$0x2] =	stream.indirect.gather [hbm4b:s2+s13], $0x80, s17, s13, $0xb8;
	[tilespmem:$0xA800] =	vst v63  }
0x5e: {  	_ =	swait.ge [sflag:s28], $0x2800  }
0x5f: {  	[sflag:s28] =	ssyncset.done $0x0  }
.Ltmp0:
0x60: {  	s17 =	sadd.s32 $0x230, s0;
	[sflag:s28] =	ssyncadd.s32 $0xFFFFD800;
	(pc) =	sbr.rel @p0 .LBB2_2-.Ltmp0, $4  }
0x61: {  	[tilespmem:s20], [sflag:$0x3] =	stream.indirect.gather [hbm4b:s2+s13], $0x80, s17, s13, $0xb8;
	[tilespmem:$0xA800] =	vst v63  }
0x62: {  	_ =	swait.ge [sflag:s29], $0x2800  }
0x63: {  	[sflag:s29] =	ssyncset.done $0x0  }
0x64: {  	s1 =	sadd.s32 $0x1400, s1;
	s0 =	sadd.s32 $0x280, s0;
	[sflag:s29] =	ssyncadd.s32 $0xFFFFD800  }
0x65: {  	[tilespmem:s22], [sflag:$0x4] =	stream.indirect.gather [hbm4b:s2+s13], $0x80, s0, s13, $0xb8;
	[tilespmem:$0xA800] =	vst v63  }
0x66: {  	_ =	swait.ge [sflag:s15], $0x2800  }
0x67: {  	[sflag:s15] =	ssyncset.done $0x0  }
0x68: {  	[sflag:s15] =	ssyncadd.s32 $0xFFFFD800  }
0x69: {  	[hbm4b:s6+s3] =	stream.linear.scatter [tilespmem:s14], [sflag:$0x5], $0x2800, $0x38;
	[tilespmem:$0xA800] =	vst v63  }
0x6a: {  	_ =	swait.ge [sflag:s23], $0x2800  }
0x6b: {  	[sflag:s23] =	ssyncset.done $0x0  }
0x6c: {  	[sflag:s23] =	ssyncadd.s32 $0xFFFFD800  }
0x6d: {  	[hbm4b:s7+s3] =	stream.linear.scatter [tilespmem:s18], [sflag:$0x6], $0x2800, $0x38;
	[tilespmem:$0xA800] =	vst v63  }
0x6e: {  	_ =	swait.ge [sflag:s24], $0x2800  }
0x6f: {  	[sflag:s24] =	ssyncset.done $0x0  }
0x70: {  	[sflag:s24] =	ssyncadd.s32 $0xFFFFD800  }
0x71: {  	[hbm4b:s8+s3] =	stream.linear.scatter [tilespmem:s20], [sflag:$0x7], $0x2800, $0x38;
	[tilespmem:$0xA800] =	vst v63  }
0x72: {  	_ =	swait.ge [sflag:s25], $0x2800  }
0x73: {  	[sflag:s25] =	ssyncset.done $0x0  }
0x74: {  	[sflag:s25] =	ssyncadd.s32 $0xFFFFD800  }
0x75: {  	[hbm4b:s9+s3] =	stream.linear.scatter [tilespmem:s22], [sflag:$0x8], $0x2800, $0x38;
	[tilespmem:$0xA800] =	vst v63  }
0x76: {  	_ =	swait.ge [sflag:s16], $0x2800  }
0x77: {  	[sflag:s16] =	ssyncset.done $0x0  }
0x78: {  	[sflag:s16] =	ssyncadd.s32 $0xFFFFD800  }
0x79: {  	_ =	swait.ge [sflag:s26], $0x2800  }
0x7a: {  	[sflag:s26] =	ssyncset.done $0x0  }
0x7b: {  	s30 =	sadd.s32 $0x1, s30;
	[sflag:s26] =	ssyncadd.s32 $0xFFFFD800  }
0x7c: {  	p0 =	sne.s32 s30, s10;
	_ =	swait.ge [sflag:s28], $0x2800  }
.Ltmp1:
0x7d: {  	[sflag:s28] =	ssyncset.done $0x0;
	(pc) =	sbr.rel @p0 .LBB2_1-.Ltmp1, $4  }
0x7e: {  	[sflag:s28] =	ssyncadd.s32 $0xFFFFD800  }
0x7f: {  	_ =	swait.ge [sflag:s29], $0x2800  }
0x80: {  	[sflag:s29] =	ssyncset.done $0x0  }
0x81: {  	[sflag:s29] =	ssyncadd.s32 $0xFFFFD800  }
0x82: {  	_ =	sfence.sel $0x180000  }
0x83: {  	[bflag:$0x0] =	sbarrier.arrive $0xFFFF  }
0x84: {  	_ =	strace $0x90000047  }
0x85: {  	s0 =	stileid.u32;
	[bflag:$0x2] =	sbarrier.arrive $0xFFFF  }
0x86: {  	p0 =	sne.s32 s0, $0x0;
	s0 =	rddreg [dreg:$0x2]  }
0x87: {  	s0 =	sadd.s32 @!p0 $0x100000, s0  }
0x88: {  	[sflag:s0] =	ssyncadd.tile.s32 @!p0 $0x1;
	_ =	shalt  }
.Lfunc_end2:
_tile_overlayer_lowered:
.L_overlay_start_2:
0x89: {  	(tag) =	ssettag $0x2  }
0x8a: {  	s0 =	rddreg [dreg:$0x0];
	s2 =	stileid.u32  }
0x8b: {  	s1 =	rddreg [dreg:$0x1];
	p0 =	sne.s32 s2, $0x0  }
0x8c: {  	s3 =	rddreg [dreg:$0x2];
	[bflag:$0x3] =	sbarrier.arrive $0xFFFF;
	s2 =	simm.s32 @!p0 $0x1C09  }
0x8d: {  	[timem:s3], [sflag:s2] =	dma.local @!p0 [hbm:s0], s1  }
0x8e: {  	s0 =	simm.s32 @!p0 $0x9  }
0x8f: {  	_ =	swait.ge @!p0 [sflag:s0], s1  }
0x90: {  	s1 =	ssub.s32 @!p0 $0x0, s1;
	[sflag:s0] =	ssyncset.done @!p0 $0x0  }
0x91: {  	[sflag:s0] =	ssyncadd.s32 @!p0 s1  }
0x92: {  	[bflag:$0x3] =	sbarrier.arrive $0xFFFF  }
0x93: {  	_ =	shalt  }

// kernel: kernel.15.cloned.1.call-start
scs
__scs_entry_jumppad:
0x0: {  	(pc) =	sbr.rel $0x88, $3  }
0x1: {  	(tag) =	ssettag $0x0;
	lr =	simm.s32 $0x1  }
0x2: {  	[smem:$0x3F9F] =	sst lr;
	_ =	strace $0xD0000000  }
0x3: {  	_ = 	snop  }
0x4: {  	_ = 	snop  }
0x5: {  	_ = 	snop  }
0x6: {  	_ = 	snop  }
0x7: {  	_ = 	snop  }
__scs_overlays_trampoline_lowered:
0x8: {  	[smem:$0x3FAE] =	sst s0  }
0x9: {  	[smem:$0x3FAF] =	sst s1  }
0xa: {  	[smem:$0x3FB0] =	sst s2  }
0xb: {  	[smem:$0x3FB1] =	sst s3  }
0xc: {  	[smem:$0x3FB2] =	sst s4  }
0xd: {  	[smem:$0x3FB3] =	sst s5  }
0xe: {  	[smem:$0x3FB4] =	sst s6  }
0xf: {  	[smem:$0x3FB5] =	sst s7  }
0x10: {  	[smem:$0x3FB6] =	sst s8  }
0x11: {  	[smem:$0x3FB7] =	sst s9;
	s0 =	simm.s32 @!p0 $0x0  }
0x12: {  	s1 =	sld [smem:$0x3F9D];
	s0 =	simm.s32 @p0 $0x1  }
0x13: {  	[smem:$0x3FB8] =	sst s0;
	s0 =	simm.s32 @!p1 $0x0  }
0x14: {  	s2 =	sld [smem:$0x3F9C];
	s0 =	simm.s32 @p1 $0x1  }
0x15: {  	[smem:$0x3FB9] =	sst s0;
	s0 =	simm.s32 @!p2 $0x0  }
0x16: {  	s3 =	sld [smem:$0x3FDB];
	s0 =	simm.s32 @p2 $0x1  }
0x17: {  	s4 =	simm.s32 $0x1BF5;
	[smem:$0x3FBB] =	sst s0  }
0x18: {  	s0 =	sld [smem:$0x3F9E];
	_ =	swait.ge [sflag:s4], $0x0  }
0x19: {  	s7 =	sld [smem:$0x3F9F]  }
0x1a: {  	s8 =	sadd.s32 $0xFFFFE003, lr  }
0x1b: {  	s9 =	sadd.s32 $0xFFFFFEF7, lr;
	s5 =	simm.s32 $0xFFFFFFFF;
	p2 =	slt.u32 s8, $0xFFFFF086  }
0x1c: {  	p1 =	slt.u32 s9, $0xF7A;
	s5 =	simm.s32 @!p2 $0x0  }
0x1d: {  	s5 =	simm.s32 @p1 $0x1;
	p0 =	seq.s32 s7, s2  }
0x1e: {  	s7 =	smul.u32 @!p0 $0xF7A, s2;
	p2 =	seq.s32 @!p0 s5, $0x0  }
0x1f: {  	s9 =	smul.u32 $0xF7A, s1;
	s8 =	simm.s32 @!p0 $0x1BF5;
	p2 =	por !p2, p0  }
0x20: {  	[sflag:s8] =	ssyncset.s32 @!p0 $0xFFFFF086;
	s6 =	sadd.s32 @!p0 s3, s7;
	s7 =	simm.s32 @!p0 $0x108  }
0x21: {  	s3 =	sadd.s32 s3, s9;
	s6 =	sadd.s32 @!p0 $0x88, s6;
	s7 =	simm.s32 @p2 $0x1082  }
0x22: {  	[simem:s7], [sflag:s8] =	dma.local @!p0 [hbm:s6], $0xF7A  }
0x23: {  	s9 =	sor.u32 $0xD0000000, s2;
	s6 =	simm.s32 $0x108;
	_ =	swait.ge @!p0 [sflag:s8], $0x0  }
0x24: {  	s3 =	sadd.s32 $0x88, s3;
	s6 =	simm.s32 @!p1 $0x1082;
	[sflag:s4] =	ssyncset.s32 $0xFFFFF086  }
0x25: {  	[simem:s6], [sflag:s4] =	dma.local [hbm:s3], $0xF7A  }
0x26: {  	[smem:$0x3F9F] =	sst s1;
	(tag) =	ssettag s2;
	_ =	strace s9  }
0x27: {  	s1 =	sld [smem:$0x3FAF]  }
0x28: {  	s2 =	sld [smem:$0x3FB0]  }
0x29: {  	s4 =	sld [smem:$0x3FB2]  }
0x2a: {  	p0 =	seq.s32 s5, $0x0;
	s5 =	sld [smem:$0x3FB3]  }
0x2b: {  	s6 =	sld [smem:$0x3FB4]  }
0x2c: {  	s7 =	sld [smem:$0x3FB5]  }
0x2d: {  	s3 =	simm.s32 $0x108;
	s8 =	sld [smem:$0x3FB6]  }
0x2e: {  	s3 =	simm.s32 @!p0 $0x1082;
	s9 =	sld [smem:$0x3FB7]  }
0x2f: {  	lr =	sadd.s32 s0, s3;
	s0 =	sld [smem:$0x3FAE]  }
0x30: {  	s3 =	sld [smem:$0x3FB1]  }
0x31: {  	[smem:$0x3FBA] =	sst s10  }
0x32: {  	s10 =	sld [smem:$0x3FB8];
	_ =	sdelay $0x3  }
0x33: {  	p0 =	seq.s32 s10, $0x1;
	s10 =	sld [smem:$0x3FBA];
	_ =	sdelay $0x3  }
0x34: {  	[smem:$0x3FBA] =	sst s10  }
0x35: {  	s10 =	sld [smem:$0x3FB9];
	_ =	sdelay $0x3  }
0x36: {  	p1 =	seq.s32 s10, $0x1;
	s10 =	sld [smem:$0x3FBA];
	_ =	sdelay $0x3  }
0x37: {  	[smem:$0x3FBA] =	sst s10  }
0x38: {  	s10 =	sld [smem:$0x3FBB]  }
0x39: {  	_ = 	snop;
	(pc) =	sbr.ind lr, $3  }
0x3a: {  	_ = 	snop  }
0x3b: {  	_ = 	snop  }
0x3c: {  	p2 =	seq.s32 s10, $0x1;
	s10 =	sld [smem:$0x3FBA]  }
0x3d: {  	_ =	shalt  }
0x3e: {  	_ =	shalt  }
0x3f: {  	_ =	shalt  }
0x40: {  	_ =	shalt  }
0x41: {  	_ =	shalt  }
0x42: {  	_ =	shalt  }
0x43: {  	_ =	shalt  }
0x44: {  	_ =	shalt  }
0x45: {  	_ =	shalt  }
0x46: {  	_ =	shalt  }
0x47: {  	_ =	shalt  }
0x48: {  	_ =	shalt  }
0x49: {  	_ =	shalt  }
0x4a: {  	_ =	shalt  }
0x4b: {  	_ =	shalt  }
0x4c: {  	_ =	shalt  }
0x4d: {  	_ =	shalt  }
0x4e: {  	_ =	shalt  }
0x4f: {  	_ =	shalt  }
0x50: {  	_ =	shalt  }
0x51: {  	_ =	shalt  }
0x52: {  	_ =	shalt  }
0x53: {  	_ =	shalt  }
0x54: {  	_ =	shalt  }
0x55: {  	_ =	shalt  }
0x56: {  	_ =	shalt  }
0x57: {  	_ =	shalt  }
0x58: {  	_ =	shalt  }
0x59: {  	_ =	shalt  }
0x5a: {  	_ =	shalt  }
0x5b: {  	_ =	shalt  }
0x5c: {  	_ =	shalt  }
0x5d: {  	_ =	shalt  }
0x5e: {  	_ =	shalt  }
0x5f: {  	_ =	shalt  }
0x60: {  	_ =	shalt  }
0x61: {  	_ =	shalt  }
0x62: {  	_ =	shalt  }
0x63: {  	_ =	shalt  }
0x64: {  	_ =	shalt  }
0x65: {  	_ =	shalt  }
0x66: {  	_ =	shalt  }
0x67: {  	_ =	shalt  }
0x68: {  	_ =	shalt  }
0x69: {  	_ =	shalt  }
0x6a: {  	_ =	shalt  }
0x6b: {  	_ =	shalt  }
0x6c: {  	_ =	shalt  }
0x6d: {  	_ =	shalt  }
0x6e: {  	_ =	shalt  }
0x6f: {  	_ =	shalt  }
0x70: {  	_ =	shalt  }
0x71: {  	_ =	shalt  }
0x72: {  	_ =	shalt  }
0x73: {  	_ =	shalt  }
0x74: {  	_ =	shalt  }
0x75: {  	_ =	shalt  }
0x76: {  	_ =	shalt  }
0x77: {  	_ =	shalt  }
0x78: {  	_ =	shalt  }
0x79: {  	_ =	shalt  }
0x7a: {  	_ =	shalt  }
0x7b: {  	_ =	shalt  }
0x7c: {  	_ =	shalt  }
0x7d: {  	_ =	shalt  }
0x7e: {  	_ =	shalt  }
0x7f: {  	_ =	shalt  }
0x80: {  	_ =	shalt  }
0x81: {  	_ =	shalt  }
0x82: {  	_ =	shalt  }
0x83: {  	_ =	shalt  }
0x84: {  	_ =	shalt  }
0x85: {  	_ =	shalt  }
0x86: {  	_ =	shalt  }
0x87: {  	_ =	shalt  }
.Lfunc_end0:
.L_simem_size_0:
called_computation.1_lowered:
.L_overlay_start_0:
0x88: {  	s2 =	sld [smem:$0x3FD9]  }
0x89: {  	s3 =	sld [smem:$0x3FFE];
	_ =	sdelay $0x1  }
0x8a: {  	s1 =	srdreg.scid  }
0x8b: {  	s0 =	sand.u32 $0x1, s1  }
0x8c: {  	s17 =	sshll.u32 s0, $0xA;
	s2 =	sadd.s32 s3, s2  }
0x8d: {  	s2 =	sadd.s32 s2, s17  }
0x8e: {  	[smem:$0x3FC6] =	sst s2  }
0x8f: {  	_ = 	snop  }
0x90: {  	s18 =	sld [smem:$0x3FD0];
	(tm) =	ssettm $0x1  }
0x91: {  	s19 =	sld [smem:$0x3FFB];
	_ =	sdelay $0x3  }
0x92: {  	_ =	strace s19  }
0x93: {  	s2 =	sld [smem:$0x3FFC];
	_ =	sdelay $0x3  }
0x94: {  	_ =	strace s2  }
0x95: {  	s2 =	sld [smem:$0x3FFD];
	_ =	sdelay $0x3  }
0x96: {  	_ =	strace s2  }
0x97: {  	_ =	strace $0x8FFFFFFF  }
0x98: {  	s20 =	sld [smem:$0x3FDB];
	_ =	sdelay $0x1  }
0x99: {  	s4 =	simm.s32 $_scs_section_size  }
0x9a: {  	s5 =	simm.s32 $_size__tile_overlayer_lowered;
	s6 =	simm.s32 $_tile_overlayer_lowered  }
0x9b: {  	s7 =	simm.s32 $0x1BFF;
	s21 =	sshll.u32 s6, $0x1;
	s4 =	sadd.s32 s4, s20  }
0x9c: {  	s22 =	simm.s32 $0x0;
	s5 =	sshll.u32 s5, $0x1;
	s6 =	sadd.s32 s21, s4  }
0x9d: {  	[timem:s22], [sflag:s7] =	dma.local [hbm:s6], s5  }
0x9e: {  	_ =	swait.ge [sflag:s7], s5  }
0x9f: {  	s5 =	ssub.s32 $0x0, s5;
	[sflag:s7] =	ssyncset.done $0x0  }
0xa0: {  	[sflag:s7] =	ssyncadd.s32 s5;
	_ =	sdelay $0x1  }
0xa1: {  	s23 =	simm.s32 $0x1B8B  }
0xa2: {  	_ =	swait.ge [sflag:s23], $0x1  }
0xa3: {  	[sflag:s23] =	ssyncset.done $0x0  }
0xa4: {  	[sflag:s23] =	ssyncadd.s32 $0xFFFFFFFF  }
0xa5: {  	s5 =	sld [smem:$0x0]  }
0xa6: {  	s6 =	sand.u32 $0xFFFFFFFE, s1  }
0xa7: {  	p0 =	sne.s32 s1, s6  }
0xa8: {  	s6 =	sshll.u32 @p0 s6, $0xE  }
0xa9: {  	s6 =	sadd.s32 @p0 $0x11B8D, s6;
	s7 =	sshll.u32 @p0 s5, $0x11  }
0xaa: {  	s6 =	sor.u32 @p0 s7, s6  }
0xab: {  	[sflag:s6] =	ssyncadd.remote.s32 @p0 $0x1;
	_ =	sdelay $0x1  }
0xac: {  	s6 =	simm.s32 @p0 $0x1B8D  }
0xad: {  	_ =	swait.eq @p0 [sflag:s6], $0x1  }
0xae: {  	[sflag:s6] =	ssyncadd.s32 @p0 $0xFFFFFFFF  }
0xaf: {  	s7 =	sshll.u32 @!p0 s1, $0xE  }
0xb0: {  	s7 =	sor.u32 @!p0 $0x4000, s7;
	s6 =	simm.s32 @!p0 $0x1B8D  }
0xb1: {  	s5 =	sshll.u32 @!p0 s5, $0x11;
	s7 =	sadd.s32 @!p0 $0x11B8D, s7;
	_ =	swait.eq @!p0 [sflag:s6], $0x1  }
0xb2: {  	s5 =	sor.u32 @!p0 s5, s7;
	[sflag:s6] =	ssyncadd.s32 @!p0 $0xFFFFFFFF  }
0xb3: {  	s25 =	simm.s32 $0x1B8E;
	s24 =	sld [smem:$0x3FFE];
	[sflag:s5] =	ssyncadd.remote.s32 @!p0 $0x1  }
0xb4: {  	s26 =	simm.s32 $execute0_lowered;
	[smem:$0x3FD2] =	sst s25  }
0xb5: {  	s6 =	sshll.u32 s26, $0x1;
	_ =	strace $0x80000049;
	[dreg:$0x1] =	wrdreg $0xFFFFFFFF  }
0xb6: {  	s28 =	simm.s32 $_size_execute0_lowered;
	s4 =	sadd.s32 s4, s6;
	[dreg:$0x0] =	wrdreg $0x0  }
0xb7: {  	s6 =	sshll.u32 s28, $0x1;
	[dreg:$0x2] =	wrdreg s4  }
0xb8: {  	[dreg:$0x3] =	wrdreg s6  }
0xb9: {  	[dreg:$0x4] =	wrdreg $0xC0  }
0xba: {  	_ =	task [dreg:s22], $0x5FFFF  }
0xbb: {  	[dreg:$0x1] =	wrdreg $0xFFFFFFFF  }
0xbc: {  	[dreg:$0x0] =	wrdreg $0x60  }
0xbd: {  	[dreg:$0x2] =	wrdreg s18  }
0xbe: {  	[dreg:$0x3] =	wrdreg s24  }
0xbf: {  	[dreg:$0x4] =	wrdreg $0xA  }
0xc0: {  	_ =	task.clear_ibuf [dreg:s22], $0x5FFFF;
	_ =	strace $0x90000049  }
0xc1: {  	s29 =	simm.s32 $0xA;
	_ =	strace $0x8000004B  }
0xc2: {  	_ =	swait.ge [sflag:s29], $0x1  }
0xc3: {  	[sflag:s29] =	ssyncadd.s32 $0xFFFFFFFF  }
0xc4: {  	_ =	strace $0x9000004B  }
0xc5: {  	_ =	sfence  }
0xc6: {  	s30 =	sld [smem:$0x0];
	_ =	sdelay $0x2  }
0xc7: {  	s31 =	sshll.u32 s1, $0xD;
	s1 =	sshrl.u32 s1, $0x2  }
0xc8: {  	s4 =	sand.u32 $0x4000, s31;
	s1 =	sadd.s32 s1, s30  }
0xc9: {  	s0 =	sor.u32 s4, s0;
	s1 =	sshll.u32 s1, $0x11  }
0xca: {  	s0 =	sor.u32 s1, s0  }
0xcb: {  	s0 =	sadd.s32 $0x8F2B, s0  }
0xcc: {  	[sflag:s0] =	ssyncadd.remote.s32 $0x1  }
0xcd: {  	_ =	sfence.sel $0xFFFF  }
0xce: {  	[dreg:$0x0] =	wrdreg $0xFFFFFFFF;
	(pc) =	sbr.abs _section_cstart, $3  }
0xcf: {  	[dreg:$0x1] =	wrdreg $0xFFFFFFFF  }
0xd0: {  	_ =	task.clear_ibuf [dreg:s22], $0x2FFFF;
	_ =	strace $0x9FFFFFFF  }
0xd1: {  	(tm) =	ssettm $0x7FFFFFFF  }
tec
execute0_lowered:
.L_overlay_start_1:
0x0: {  	(tag) =	ssettag $0x1  }
0x1: {  	s1 =	srdreg.scid  }
0x2: {  	s0 =	stileid.u32;
	s2 =	rddreg [dreg:$0x0]  }
0x3: {  	s5 =	rddreg [dreg:$0x1];
	s3 =	simm.s32 $0x0;
	s13 =	simm.s32 $0x1F80  }
0x4: {  	s14 =	simm.s32 $0x4780;
	s15 =	simm.s32 $0xA0;
	s16 =	simm.s32 $0x6F80  }
0x5: {  	s17 =	simm.s32 $0xF0;
	s18 =	simm.s32 $0x9780;
	s19 =	simm.s32 $0x1  }
0x6: {  	s20 =	simm.s32 $0x2;
	s21 =	simm.s32 $0x3;
	s22 =	simm.s32 $0x4  }
0x7: {  	s23 =	simm.s32 $0x5;
	s24 =	simm.s32 $0x6;
	s25 =	simm.s32 $0x7  }
0x8: {  	s28 =	simm.s32 $0x0;
	s6 =	sand.u32 $0x1, s1;
	s26 =	sshll.u32 s0, $0x1  }
0x9: {  	[smem:$0x7FF] =	sst s3;
	s9 =	sadd.s32 $0x123A00, s5;
	s11 =	smul.u32 $0x3E800, s0  }
0xa: {  	s4 =	sor.u32 s6, s26;
	_ =	strace $0x8000004A;
	s12 =	smul.u32 $0x1F400, s6  }
0xb: {  	s8 =	ssub.s32 $0x2, s6;
	s26 =	simm.s32 $0x8;
	s7 =	smul.u32 $0x1F40, s4  }
0xc: {  	s4 =	smul.u32 $0xFA000, s4;
	s29 =	sshrl.u32 s8, $0x1;
	s11 =	sadd.s32 s11, s9  }
0xd: {  	s10 =	ssub.s32 s8, s29;
	s31 =	sadd.s32 s12, s11;
	s11 =	simm.s32 $0x9  }
0xe: {  	s12 =	simm.s32 $0x50;
	s7 =	sshrl.u32 s7, $0x3;
	s4 =	sshrl.u32 s4, $0x3  }
0xf: {  	s7 =	sadd.s32 s7, s5;
	s30 =	sadd.s32 s9, s4;
	s9 =	smax.u32 s10, $0x1  }
0x10: {  	s10 =	sadd.s32 $0xF00, s31;
	s4 =	sadd.s32 $0x11BC00, s7;
	s5 =	sadd.s32 $0x1E000, s30  }
0x11: {  	s6 =	sadd.s32 $0x1E500, s30;
	s7 =	sadd.s32 $0x1EA00, s30;
	s8 =	sadd.s32 $0x1EF00, s30  }
.LBB2_1:
0x12: {  	[tilespmem:s3], [sflag:$0x9] =	stream.linear.gather [hbm4b:s4+s3], $0x1F40, $0x38;
	[tilespmem:$0xBF80] =	vst v63  }
0x13: {  	_ =	swait.ge [sflag:s11], $0x1F40  }
0x14: {  	[sflag:s11] =	ssyncset.done $0x0  }
0x15: {  	[sflag:s11] =	ssyncadd.s32 $0xFFFFE0C0  }
0x16: {  	[tilespmem:s13], [sflag:$0x1] =	stream.indirect.gather [hbm4b:s2+s12], $0x80, s3, s12, $0xb8;
	[tilespmem:$0xBF80] =	vst v63  }
0x17: {  	_ = 	snop  }
0x18: {  	[tilespmem:s14], [sflag:$0x2] =	stream.indirect.gather [hbm4b:s2+s12], $0x80, s12, s12, $0xb8;
	[tilespmem:$0xBF80] =	vst v63  }
0x19: {  	_ = 	snop  }
0x1a: {  	[tilespmem:s16], [sflag:$0x3] =	stream.indirect.gather [hbm4b:s2+s12], $0x80, s15, s12, $0xb8;
	[tilespmem:$0xBF80] =	vst v63  }
0x1b: {  	_ = 	snop  }
0x1c: {  	[tilespmem:s18], [sflag:$0x4] =	stream.indirect.gather [hbm4b:s2+s12], $0x80, s17, s12, $0xb8;
	[tilespmem:$0xBF80] =	vst v63  }
0x1d: {  	_ =	swait.ge [sflag:s19], $0x2800  }
0x1e: {  	[sflag:s19] =	ssyncset.done $0x0  }
0x1f: {  	s29 =	sadd.s32 $0xFFFFF100, s10;
	[sflag:s19] =	ssyncadd.s32 $0xFFFFD800  }
0x20: {  	[hbm4b:s29+s3] =	stream.linear.scatter [tilespmem:s13], [sflag:$0x5], $0x2800, $0x38;
	[tilespmem:$0xBF80] =	vst v63  }
0x21: {  	_ =	swait.ge [sflag:s20], $0x2800  }
0x22: {  	[sflag:s20] =	ssyncset.done $0x0  }
0x23: {  	s29 =	sadd.s32 $0xFFFFF600, s10;
	[sflag:s20] =	ssyncadd.s32 $0xFFFFD800  }
0x24: {  	[hbm4b:s29+s3] =	stream.linear.scatter [tilespmem:s14], [sflag:$0x6], $0x2800, $0x38;
	[tilespmem:$0xBF80] =	vst v63  }
0x25: {  	_ =	swait.ge [sflag:s21], $0x2800  }
0x26: {  	[sflag:s21] =	ssyncset.done $0x0  }
0x27: {  	s29 =	sadd.s32 $0xFFFFFB00, s10;
	[sflag:s21] =	ssyncadd.s32 $0xFFFFD800  }
0x28: {  	[hbm4b:s29+s3] =	stream.linear.scatter [tilespmem:s16], [sflag:$0x7], $0x2800, $0x38;
	[tilespmem:$0xBF80] =	vst v63  }
0x29: {  	_ =	swait.ge [sflag:s22], $0x2800  }
0x2a: {  	[sflag:s22] =	ssyncset.done $0x0  }
0x2b: {  	[sflag:s22] =	ssyncadd.s32 $0xFFFFD800  }
0x2c: {  	[hbm4b:s10+s3] =	stream.linear.scatter [tilespmem:s18], [sflag:$0x8], $0x2800, $0x38;
	[tilespmem:$0xBF80] =	vst v63  }
0x2d: {  	_ =	swait.ge [sflag:s23], $0x2800  }
0x2e: {  	[sflag:s23] =	ssyncset.done $0x0  }
0x2f: {  	s29 =	simm.s32 $0x140;
	[sflag:s23] =	ssyncadd.s32 $0xFFFFD800  }
0x30: {  	[tilespmem:s13], [sflag:$0x1] =	stream.indirect.gather [hbm4b:s2+s12], $0x80, s29, s12, $0xb8;
	[tilespmem:$0xBF80] =	vst v63  }
0x31: {  	_ =	swait.ge [sflag:s24], $0x2800  }
0x32: {  	[sflag:s24] =	ssyncset.done $0x0  }
0x33: {  	s29 =	simm.s32 $0x190;
	[sflag:s24] =	ssyncadd.s32 $0xFFFFD800  }
0x34: {  	[tilespmem:s14], [sflag:$0x2] =	stream.indirect.gather [hbm4b:s2+s12], $0x80, s29, s12, $0xb8;
	[tilespmem:$0xBF80] =	vst v63  }
0x35: {  	_ =	swait.ge [sflag:s25], $0x2800  }
0x36: {  	[sflag:s25] =	ssyncset.done $0x0  }
0x37: {  	s29 =	simm.s32 $0x1E0;
	[sflag:s25] =	ssyncadd.s32 $0xFFFFD800  }
0x38: {  	[tilespmem:s16], [sflag:$0x3] =	stream.indirect.gather [hbm4b:s2+s12], $0x80, s29, s12, $0xb8;
	[tilespmem:$0xBF80] =	vst v63  }
0x39: {  	_ =	swait.ge [sflag:s26], $0x2800  }
0x3a: {  	s31 =	simm.s32 $0x230;
	[sflag:s26] =	ssyncset.done $0x0  }
0x3b: {  	s30 =	sadd.s32 $0x1400, s10;
	s29 =	simm.s32 $0x500;
	[sflag:s26] =	ssyncadd.s32 $0xFFFFD800  }
.LBB2_2:
0x3c: {  	[tilespmem:s18], [sflag:$0x4] =	stream.indirect.gather [hbm4b:s2+s12], $0x80, s31, s12, $0xb8;
	[tilespmem:$0xBF80] =	vst v63  }
0x3d: {  	s31 =	smov.u32 s29  }
0x3e: {  	p0 =	sne.s32 s29, $0x7300;
	s29 =	sadd.s32 $0x500, s29;
	_ =	swait.ge [sflag:s19], $0x2800  }
0x3f: {  	[sflag:s19] =	ssyncset.done $0x0  }
0x40: {  	s1 =	sadd.s32 $0xFFFFF100, s30;
	[sflag:s19] =	ssyncadd.s32 $0xFFFFD800  }
0x41: {  	[hbm4b:s1+s3] =	stream.linear.scatter [tilespmem:s13], [sflag:$0x5], $0x2800, $0x38;
	[tilespmem:$0xBF80] =	vst v63  }
0x42: {  	_ =	swait.ge [sflag:s20], $0x2800  }
0x43: {  	[sflag:s20] =	ssyncset.done $0x0  }
0x44: {  	s1 =	sadd.s32 $0xFFFFF600, s30;
	[sflag:s20] =	ssyncadd.s32 $0xFFFFD800  }
0x45: {  	[hbm4b:s1+s3] =	stream.linear.scatter [tilespmem:s14], [sflag:$0x6], $0x2800, $0x38;
	[tilespmem:$0xBF80] =	vst v63  }
0x46: {  	_ =	swait.ge [sflag:s21], $0x2800  }
0x47: {  	[sflag:s21] =	ssyncset.done $0x0  }
0x48: {  	s1 =	sadd.s32 $0xFFFFFB00, s30;
	[sflag:s21] =	ssyncadd.s32 $0xFFFFD800  }
0x49: {  	[hbm4b:s1+s3] =	stream.linear.scatter [tilespmem:s16], [sflag:$0x7], $0x2800, $0x38;
	[tilespmem:$0xBF80] =	vst v63  }
0x4a: {  	_ =	swait.ge [sflag:s22], $0x2800  }
0x4b: {  	[sflag:s22] =	ssyncset.done $0x0  }
0x4c: {  	[sflag:s22] =	ssyncadd.s32 $0xFFFFD800  }
0x4d: {  	[hbm4b:s30+s3] =	stream.linear.scatter [tilespmem:s18], [sflag:$0x8], $0x2800, $0x38;
	[tilespmem:$0xBF80] =	vst v63  }
0x4e: {  	_ =	swait.ge [sflag:s23], $0x2800  }
0x4f: {  	s1 =	sshra.s32 s31, $0x2;
	[sflag:s23] =	ssyncset.done $0x0  }
0x50: {  	s31 =	sadd.s32 $0x140, s1;
	[sflag:s23] =	ssyncadd.s32 $0xFFFFD800  }
0x51: {  	[tilespmem:s13], [sflag:$0x1] =	stream.indirect.gather [hbm4b:s2+s12], $0x80, s31, s12, $0xb8;
	[tilespmem:$0xBF80] =	vst v63  }
0x52: {  	_ =	swait.ge [sflag:s24], $0x2800  }
0x53: {  	[sflag:s24] =	ssyncset.done $0x0  }
0x54: {  	s31 =	sadd.s32 $0x190, s1;
	[sflag:s24] =	ssyncadd.s32 $0xFFFFD800  }
0x55: {  	[tilespmem:s14], [sflag:$0x2] =	stream.indirect.gather [hbm4b:s2+s12], $0x80, s31, s12, $0xb8;
	[tilespmem:$0xBF80] =	vst v63  }
0x56: {  	_ =	swait.ge [sflag:s25], $0x2800  }
0x57: {  	[sflag:s25] =	ssyncset.done $0x0  }
.Ltmp0:
0x58: {  	s31 =	sadd.s32 $0x1E0, s1;
	[sflag:s25] =	ssyncadd.s32 $0xFFFFD800;
	(pc) =	sbr.rel @p0 .LBB2_2-.Ltmp0, $4  }
0x59: {  	[tilespmem:s16], [sflag:$0x3] =	stream.indirect.gather [hbm4b:s2+s12], $0x80, s31, s12, $0xb8;
	[tilespmem:$0xBF80] =	vst v63  }
0x5a: {  	_ =	swait.ge [sflag:s26], $0x2800  }
0x5b: {  	[sflag:s26] =	ssyncset.done $0x0  }
0x5c: {  	s30 =	sadd.s32 $0x1400, s30;
	s31 =	sadd.s32 $0x230, s1;
	[sflag:s26] =	ssyncadd.s32 $0xFFFFD800  }
0x5d: {  	[tilespmem:s18], [sflag:$0x4] =	stream.indirect.gather [hbm4b:s2+s12], $0x80, s31, s12, $0xb8;
	[tilespmem:$0xBF80] =	vst v63  }
0x5e: {  	_ =	swait.ge [sflag:s19], $0x2800  }
0x5f: {  	[sflag:s19] =	ssyncset.done $0x0  }
0x60: {  	[sflag:s19] =	ssyncadd.s32 $0xFFFFD800  }
0x61: {  	[hbm4b:s5+s3] =	stream.linear.scatter [tilespmem:s13], [sflag:$0x5], $0x2800, $0x38;
	[tilespmem:$0xBF80] =	vst v63  }
0x62: {  	_ =	swait.ge [sflag:s20], $0x2800  }
0x63: {  	[sflag:s20] =	ssyncset.done $0x0  }
0x64: {  	[sflag:s20] =	ssyncadd.s32 $0xFFFFD800  }
0x65: {  	[hbm4b:s6+s3] =	stream.linear.scatter [tilespmem:s14], [sflag:$0x6], $0x2800, $0x38;
	[tilespmem:$0xBF80] =	vst v63  }
0x66: {  	_ =	swait.ge [sflag:s21], $0x2800  }
0x67: {  	[sflag:s21] =	ssyncset.done $0x0  }
0x68: {  	[sflag:s21] =	ssyncadd.s32 $0xFFFFD800  }
0x69: {  	[hbm4b:s7+s3] =	stream.linear.scatter [tilespmem:s16], [sflag:$0x7], $0x2800, $0x38;
	[tilespmem:$0xBF80] =	vst v63  }
0x6a: {  	_ =	swait.ge [sflag:s22], $0x2800  }
0x6b: {  	[sflag:s22] =	ssyncset.done $0x0  }
0x6c: {  	[sflag:s22] =	ssyncadd.s32 $0xFFFFD800  }
0x6d: {  	[hbm4b:s8+s3] =	stream.linear.scatter [tilespmem:s18], [sflag:$0x8], $0x2800, $0x38;
	[tilespmem:$0xBF80] =	vst v63  }
0x6e: {  	_ =	swait.ge [sflag:s23], $0x2800  }
0x6f: {  	[sflag:s23] =	ssyncset.done $0x0  }
0x70: {  	[sflag:s23] =	ssyncadd.s32 $0xFFFFD800  }
0x71: {  	_ =	swait.ge [sflag:s24], $0x2800  }
0x72: {  	[sflag:s24] =	ssyncset.done $0x0  }
0x73: {  	s28 =	sadd.s32 $0x1, s28;
	[sflag:s24] =	ssyncadd.s32 $0xFFFFD800  }
0x74: {  	p0 =	sne.s32 s28, s9;
	_ =	swait.ge [sflag:s25], $0x2800  }
.Ltmp1:
0x75: {  	[sflag:s25] =	ssyncset.done $0x0;
	(pc) =	sbr.rel @p0 .LBB2_1-.Ltmp1, $4  }
0x76: {  	[sflag:s25] =	ssyncadd.s32 $0xFFFFD800  }
0x77: {  	_ =	swait.ge [sflag:s26], $0x2800  }
0x78: {  	[sflag:s26] =	ssyncset.done $0x0  }
0x79: {  	[sflag:s26] =	ssyncadd.s32 $0xFFFFD800  }
0x7a: {  	_ =	sfence.sel $0x180000  }
0x7b: {  	[bflag:$0x0] =	sbarrier.arrive $0xFFFF  }
0x7c: {  	_ =	strace $0x9000004A  }
0x7d: {  	[bflag:$0x2] =	sbarrier.arrive $0xFFFF  }
0x7e: {  	p0 =	sne.s32 s0, $0x0;
	s0 =	rddreg [dreg:$0x2]  }
0x7f: {  	s0 =	sadd.s32 @!p0 $0x100000, s0  }
0x80: {  	[sflag:s0] =	ssyncadd.tile.s32 @!p0 $0x1;
	_ =	shalt  }
.Lfunc_end2:
_tile_overlayer_lowered:
.L_overlay_start_2:
0x81: {  	(tag) =	ssettag $0x2  }
0x82: {  	s0 =	rddreg [dreg:$0x0];
	s2 =	stileid.u32  }
0x83: {  	s1 =	rddreg [dreg:$0x1];
	p0 =	sne.s32 s2, $0x0  }
0x84: {  	s3 =	rddreg [dreg:$0x2];
	[bflag:$0x3] =	sbarrier.arrive $0xFFFF;
	s2 =	simm.s32 @!p0 $0x1C09  }
0x85: {  	[timem:s3], [sflag:s2] =	dma.local @!p0 [hbm:s0], s1  }
0x86: {  	s0 =	simm.s32 @!p0 $0x9  }
0x87: {  	_ =	swait.ge @!p0 [sflag:s0], s1  }
0x88: {  	s1 =	ssub.s32 @!p0 $0x0, s1;
	[sflag:s0] =	ssyncset.done @!p0 $0x0  }
0x89: {  	[sflag:s0] =	ssyncadd.s32 @!p0 s1  }
0x8a: {  	[bflag:$0x3] =	sbarrier.arrive $0xFFFF  }
0x8b: {  	_ =	shalt  }

// kernel: kernel.18.cloned.1.call-start
scs
__scs_entry_jumppad:
0x0: {  	(pc) =	sbr.rel $0x88, $3  }
0x1: {  	(tag) =	ssettag $0x0;
	lr =	simm.s32 $0x1  }
0x2: {  	[smem:$0x3F9F] =	sst lr;
	_ =	strace $0xD0000000  }
0x3: {  	_ = 	snop  }
0x4: {  	_ = 	snop  }
0x5: {  	_ = 	snop  }
0x6: {  	_ = 	snop  }
0x7: {  	_ = 	snop  }
__scs_overlays_trampoline_lowered:
0x8: {  	[smem:$0x3FAE] =	sst s0  }
0x9: {  	[smem:$0x3FAF] =	sst s1  }
0xa: {  	[smem:$0x3FB0] =	sst s2  }
0xb: {  	[smem:$0x3FB1] =	sst s3  }
0xc: {  	[smem:$0x3FB2] =	sst s4  }
0xd: {  	[smem:$0x3FB3] =	sst s5  }
0xe: {  	[smem:$0x3FB4] =	sst s6  }
0xf: {  	[smem:$0x3FB5] =	sst s7  }
0x10: {  	[smem:$0x3FB6] =	sst s8  }
0x11: {  	[smem:$0x3FB7] =	sst s9;
	s0 =	simm.s32 @!p0 $0x0  }
0x12: {  	s1 =	sld [smem:$0x3F9D];
	s0 =	simm.s32 @p0 $0x1  }
0x13: {  	[smem:$0x3FB8] =	sst s0;
	s0 =	simm.s32 @!p1 $0x0  }
0x14: {  	s2 =	sld [smem:$0x3F9C];
	s0 =	simm.s32 @p1 $0x1  }
0x15: {  	[smem:$0x3FB9] =	sst s0;
	s0 =	simm.s32 @!p2 $0x0  }
0x16: {  	s3 =	sld [smem:$0x3FDB];
	s0 =	simm.s32 @p2 $0x1  }
0x17: {  	s4 =	simm.s32 $0x1BF5;
	[smem:$0x3FBB] =	sst s0  }
0x18: {  	s0 =	sld [smem:$0x3F9E];
	_ =	swait.ge [sflag:s4], $0x0  }
0x19: {  	s7 =	sld [smem:$0x3F9F]  }
0x1a: {  	s8 =	sadd.s32 $0xFFFFE003, lr  }
0x1b: {  	s9 =	sadd.s32 $0xFFFFFEF7, lr;
	s5 =	simm.s32 $0xFFFFFFFF;
	p2 =	slt.u32 s8, $0xFFFFF086  }
0x1c: {  	p1 =	slt.u32 s9, $0xF7A;
	s5 =	simm.s32 @!p2 $0x0  }
0x1d: {  	s5 =	simm.s32 @p1 $0x1;
	p0 =	seq.s32 s7, s2  }
0x1e: {  	s7 =	smul.u32 @!p0 $0xF7A, s2;
	p2 =	seq.s32 @!p0 s5, $0x0  }
0x1f: {  	s9 =	smul.u32 $0xF7A, s1;
	s8 =	simm.s32 @!p0 $0x1BF5;
	p2 =	por !p2, p0  }
0x20: {  	[sflag:s8] =	ssyncset.s32 @!p0 $0xFFFFF086;
	s6 =	sadd.s32 @!p0 s3, s7;
	s7 =	simm.s32 @!p0 $0x108  }
0x21: {  	s3 =	sadd.s32 s3, s9;
	s6 =	sadd.s32 @!p0 $0x88, s6;
	s7 =	simm.s32 @p2 $0x1082  }
0x22: {  	[simem:s7], [sflag:s8] =	dma.local @!p0 [hbm:s6], $0xF7A  }
0x23: {  	s9 =	sor.u32 $0xD0000000, s2;
	s6 =	simm.s32 $0x108;
	_ =	swait.ge @!p0 [sflag:s8], $0x0  }
0x24: {  	s3 =	sadd.s32 $0x88, s3;
	s6 =	simm.s32 @!p1 $0x1082;
	[sflag:s4] =	ssyncset.s32 $0xFFFFF086  }
0x25: {  	[simem:s6], [sflag:s4] =	dma.local [hbm:s3], $0xF7A  }
0x26: {  	[smem:$0x3F9F] =	sst s1;
	(tag) =	ssettag s2;
	_ =	strace s9  }
0x27: {  	s1 =	sld [smem:$0x3FAF]  }
0x28: {  	s2 =	sld [smem:$0x3FB0]  }
0x29: {  	s4 =	sld [smem:$0x3FB2]  }
0x2a: {  	p0 =	seq.s32 s5, $0x0;
	s5 =	sld [smem:$0x3FB3]  }
0x2b: {  	s6 =	sld [smem:$0x3FB4]  }
0x2c: {  	s7 =	sld [smem:$0x3FB5]  }
0x2d: {  	s3 =	simm.s32 $0x108;
	s8 =	sld [smem:$0x3FB6]  }
0x2e: {  	s3 =	simm.s32 @!p0 $0x1082;
	s9 =	sld [smem:$0x3FB7]  }
0x2f: {  	lr =	sadd.s32 s0, s3;
	s0 =	sld [smem:$0x3FAE]  }
0x30: {  	s3 =	sld [smem:$0x3FB1]  }
0x31: {  	[smem:$0x3FBA] =	sst s10  }
0x32: {  	s10 =	sld [smem:$0x3FB8];
	_ =	sdelay $0x3  }
0x33: {  	p0 =	seq.s32 s10, $0x1;
	s10 =	sld [smem:$0x3FBA];
	_ =	sdelay $0x3  }
0x34: {  	[smem:$0x3FBA] =	sst s10  }
0x35: {  	s10 =	sld [smem:$0x3FB9];
	_ =	sdelay $0x3  }
0x36: {  	p1 =	seq.s32 s10, $0x1;
	s10 =	sld [smem:$0x3FBA];
	_ =	sdelay $0x3  }
0x37: {  	[smem:$0x3FBA] =	sst s10  }
0x38: {  	s10 =	sld [smem:$0x3FBB]  }
0x39: {  	_ = 	snop;
	(pc) =	sbr.ind lr, $3  }
0x3a: {  	_ = 	snop  }
0x3b: {  	_ = 	snop  }
0x3c: {  	p2 =	seq.s32 s10, $0x1;
	s10 =	sld [smem:$0x3FBA]  }
0x3d: {  	_ =	shalt  }
0x3e: {  	_ =	shalt  }
0x3f: {  	_ =	shalt  }
0x40: {  	_ =	shalt  }
0x41: {  	_ =	shalt  }
0x42: {  	_ =	shalt  }
0x43: {  	_ =	shalt  }
0x44: {  	_ =	shalt  }
0x45: {  	_ =	shalt  }
0x46: {  	_ =	shalt  }
0x47: {  	_ =	shalt  }
0x48: {  	_ =	shalt  }
0x49: {  	_ =	shalt  }
0x4a: {  	_ =	shalt  }
0x4b: {  	_ =	shalt  }
0x4c: {  	_ =	shalt  }
0x4d: {  	_ =	shalt  }
0x4e: {  	_ =	shalt  }
0x4f: {  	_ =	shalt  }
0x50: {  	_ =	shalt  }
0x51: {  	_ =	shalt  }
0x52: {  	_ =	shalt  }
0x53: {  	_ =	shalt  }
0x54: {  	_ =	shalt  }
0x55: {  	_ =	shalt  }
0x56: {  	_ =	shalt  }
0x57: {  	_ =	shalt  }
0x58: {  	_ =	shalt  }
0x59: {  	_ =	shalt  }
0x5a: {  	_ =	shalt  }
0x5b: {  	_ =	shalt  }
0x5c: {  	_ =	shalt  }
0x5d: {  	_ =	shalt  }
0x5e: {  	_ =	shalt  }
0x5f: {  	_ =	shalt  }
0x60: {  	_ =	shalt  }
0x61: {  	_ =	shalt  }
0x62: {  	_ =	shalt  }
0x63: {  	_ =	shalt  }
0x64: {  	_ =	shalt  }
0x65: {  	_ =	shalt  }
0x66: {  	_ =	shalt  }
0x67: {  	_ =	shalt  }
0x68: {  	_ =	shalt  }
0x69: {  	_ =	shalt  }
0x6a: {  	_ =	shalt  }
0x6b: {  	_ =	shalt  }
0x6c: {  	_ =	shalt  }
0x6d: {  	_ =	shalt  }
0x6e: {  	_ =	shalt  }
0x6f: {  	_ =	shalt  }
0x70: {  	_ =	shalt  }
0x71: {  	_ =	shalt  }
0x72: {  	_ =	shalt  }
0x73: {  	_ =	shalt  }
0x74: {  	_ =	shalt  }
0x75: {  	_ =	shalt  }
0x76: {  	_ =	shalt  }
0x77: {  	_ =	shalt  }
0x78: {  	_ =	shalt  }
0x79: {  	_ =	shalt  }
0x7a: {  	_ =	shalt  }
0x7b: {  	_ =	shalt  }
0x7c: {  	_ =	shalt  }
0x7d: {  	_ =	shalt  }
0x7e: {  	_ =	shalt  }
0x7f: {  	_ =	shalt  }
0x80: {  	_ =	shalt  }
0x81: {  	_ =	shalt  }
0x82: {  	_ =	shalt  }
0x83: {  	_ =	shalt  }
0x84: {  	_ =	shalt  }
0x85: {  	_ =	shalt  }
0x86: {  	_ =	shalt  }
0x87: {  	_ =	shalt  }
.Lfunc_end0:
.L_simem_size_0:
called_computation.2_lowered:
.L_overlay_start_0:
0x88: {  	s2 =	sld [smem:$0x3FD9]  }
0x89: {  	s3 =	sld [smem:$0x3FFE];
	_ =	sdelay $0x1  }
0x8a: {  	s1 =	srdreg.scid  }
0x8b: {  	s0 =	sand.u32 $0x1, s1  }
0x8c: {  	s17 =	sshll.u32 s0, $0xA;
	s2 =	sadd.s32 s3, s2  }
0x8d: {  	s2 =	sadd.s32 s2, s17  }
0x8e: {  	[smem:$0x3FC6] =	sst s2  }
0x8f: {  	_ = 	snop  }
0x90: {  	s18 =	sld [smem:$0x3FD0];
	(tm) =	ssettm $0x1  }
0x91: {  	s19 =	sld [smem:$0x3FFB];
	_ =	sdelay $0x3  }
0x92: {  	_ =	strace s19  }
0x93: {  	s2 =	sld [smem:$0x3FFC];
	_ =	sdelay $0x3  }
0x94: {  	_ =	strace s2  }
0x95: {  	s2 =	sld [smem:$0x3FFD];
	_ =	sdelay $0x3  }
0x96: {  	_ =	strace s2  }
0x97: {  	_ =	strace $0x8FFFFFFF  }
0x98: {  	s20 =	sld [smem:$0x3FDB];
	_ =	sdelay $0x1  }
0x99: {  	s4 =	simm.s32 $_scs_section_size  }
0x9a: {  	s5 =	simm.s32 $_size__tile_overlayer_lowered;
	s6 =	simm.s32 $_tile_overlayer_lowered  }
0x9b: {  	s7 =	simm.s32 $0x1BFF;
	s21 =	sshll.u32 s6, $0x1;
	s4 =	sadd.s32 s4, s20  }
0x9c: {  	s22 =	simm.s32 $0x0;
	s5 =	sshll.u32 s5, $0x1;
	s6 =	sadd.s32 s21, s4  }
0x9d: {  	[timem:s22], [sflag:s7] =	dma.local [hbm:s6], s5  }
0x9e: {  	_ =	swait.ge [sflag:s7], s5  }
0x9f: {  	s5 =	ssub.s32 $0x0, s5;
	[sflag:s7] =	ssyncset.done $0x0  }
0xa0: {  	[sflag:s7] =	ssyncadd.s32 s5;
	_ =	sdelay $0x1  }
0xa1: {  	s23 =	simm.s32 $0x1B8B  }
0xa2: {  	_ =	swait.ge [sflag:s23], $0x1  }
0xa3: {  	[sflag:s23] =	ssyncset.done $0x0  }
0xa4: {  	[sflag:s23] =	ssyncadd.s32 $0xFFFFFFFF  }
0xa5: {  	s5 =	sld [smem:$0x0]  }
0xa6: {  	s6 =	sand.u32 $0xFFFFFFFE, s1  }
0xa7: {  	p0 =	sne.s32 s1, s6  }
0xa8: {  	s6 =	sshll.u32 @p0 s6, $0xE  }
0xa9: {  	s6 =	sadd.s32 @p0 $0x11B8D, s6;
	s7 =	sshll.u32 @p0 s5, $0x11  }
0xaa: {  	s6 =	sor.u32 @p0 s7, s6  }
0xab: {  	[sflag:s6] =	ssyncadd.remote.s32 @p0 $0x1;
	_ =	sdelay $0x1  }
0xac: {  	s6 =	simm.s32 @p0 $0x1B8D  }
0xad: {  	_ =	swait.eq @p0 [sflag:s6], $0x1  }
0xae: {  	[sflag:s6] =	ssyncadd.s32 @p0 $0xFFFFFFFF  }
0xaf: {  	s7 =	sshll.u32 @!p0 s1, $0xE  }
0xb0: {  	s7 =	sor.u32 @!p0 $0x4000, s7;
	s6 =	simm.s32 @!p0 $0x1B8D  }
0xb1: {  	s5 =	sshll.u32 @!p0 s5, $0x11;
	s7 =	sadd.s32 @!p0 $0x11B8D, s7;
	_ =	swait.eq @!p0 [sflag:s6], $0x1  }
0xb2: {  	s5 =	sor.u32 @!p0 s5, s7;
	[sflag:s6] =	ssyncadd.s32 @!p0 $0xFFFFFFFF  }
0xb3: {  	s25 =	simm.s32 $0x1B8E;
	s24 =	sld [smem:$0x3FFE];
	[sflag:s5] =	ssyncadd.remote.s32 @!p0 $0x1  }
0xb4: {  	s26 =	simm.s32 $execute0_lowered;
	[smem:$0x3FD2] =	sst s25  }
0xb5: {  	s6 =	sshll.u32 s26, $0x1;
	_ =	strace $0x8000004F;
	[dreg:$0x1] =	wrdreg $0xFFFFFFFF  }
0xb6: {  	s28 =	simm.s32 $_size_execute0_lowered;
	s4 =	sadd.s32 s4, s6;
	[dreg:$0x0] =	wrdreg $0x0  }
0xb7: {  	s6 =	sshll.u32 s28, $0x1;
	[dreg:$0x2] =	wrdreg s4  }
0xb8: {  	[dreg:$0x3] =	wrdreg s6  }
0xb9: {  	[dreg:$0x4] =	wrdreg $0xC0  }
0xba: {  	_ =	task [dreg:s22], $0x5FFFF  }
0xbb: {  	[dreg:$0x1] =	wrdreg $0xFFFFFFFF  }
0xbc: {  	[dreg:$0x0] =	wrdreg $0x60  }
0xbd: {  	[dreg:$0x2] =	wrdreg s18  }
0xbe: {  	[dreg:$0x3] =	wrdreg s24  }
0xbf: {  	[dreg:$0x4] =	wrdreg $0xB  }
0xc0: {  	_ =	task.clear_ibuf [dreg:s22], $0x5FFFF;
	_ =	strace $0x9000004F  }
0xc1: {  	s29 =	simm.s32 $0xB;
	_ =	strace $0x80000051  }
0xc2: {  	_ =	swait.ge [sflag:s29], $0x1  }
0xc3: {  	[sflag:s29] =	ssyncadd.s32 $0xFFFFFFFF  }
0xc4: {  	_ =	strace $0x90000051  }
0xc5: {  	_ =	sfence  }
0xc6: {  	s30 =	sld [smem:$0x0];
	_ =	sdelay $0x2  }
0xc7: {  	s31 =	sshll.u32 s1, $0xD;
	s1 =	sshrl.u32 s1, $0x2  }
0xc8: {  	s4 =	sand.u32 $0x4000, s31;
	s1 =	sadd.s32 s1, s30  }
0xc9: {  	s0 =	sor.u32 s4, s0;
	s1 =	sshll.u32 s1, $0x11  }
0xca: {  	s0 =	sor.u32 s1, s0  }
0xcb: {  	s0 =	sadd.s32 $0x8F2B, s0  }
0xcc: {  	[sflag:s0] =	ssyncadd.remote.s32 $0x1  }
0xcd: {  	_ =	sfence.sel $0xFFFF  }
0xce: {  	[dreg:$0x0] =	wrdreg $0xFFFFFFFF;
	(pc) =	sbr.abs _section_cstart, $3  }
0xcf: {  	[dreg:$0x1] =	wrdreg $0xFFFFFFFF  }
0xd0: {  	_ =	task.clear_ibuf [dreg:s22], $0x2FFFF;
	_ =	strace $0x9FFFFFFF  }
0xd1: {  	(tm) =	ssettm $0x7FFFFFFF  }
tec
execute0_lowered:
.L_overlay_start_1:
0x0: {  	(tag) =	ssettag $0x1  }
0x1: {  	s0 =	srdreg.scid;
	s2 =	rddreg [dreg:$0x0]  }
0x2: {  	s9 =	stileid.u32;
	s4 =	rddreg [dreg:$0x1];
	s3 =	simm.s32 $0x0  }
0x3: {  	s12 =	simm.s32 $0x9;
	s13 =	simm.s32 $0x50;
	s14 =	simm.s32 $0x2780  }
0x4: {  	s15 =	simm.s32 $0x1;
	s16 =	simm.s32 $0x5;
	s18 =	simm.s32 $0x4F80  }
0x5: {  	s19 =	simm.s32 $0xF0;
	s20 =	simm.s32 $0x7780;
	s21 =	simm.s32 $0x140  }
0x6: {  	s22 =	simm.s32 $0x9F80;
	s28 =	simm.s32 $0x7;
	s29 =	simm.s32 $0x8  }
0x7: {  	s0 =	sand.u32 $0x1, s0;
	s1 =	sshll.u32 s9, $0x1;
	s25 =	smul.u32 $0x4E200, s9  }
0x8: {  	s1 =	sor.u32 s0, s1;
	s6 =	ssub.s32 $0x2, s0;
	s0 =	smul.u32 $0x27100, s0  }
0x9: {  	[smem:$0x7FF] =	sst s3;
	s8 =	sadd.s32 $0x9EDA00, s4;
	s5 =	smul.u32 $0x2710, s1  }
0xa: {  	s30 =	simm.s32 $0x0;
	_ =	strace $0x80000050;
	s7 =	smul.u32 $0x138800, s1  }
0xb: {  	s23 =	sshrl.u32 s6, $0x1;
	s1 =	smul.u32 $0x27100, s1;
	s31 =	sadd.s32 s25, s8  }
0xc: {  	s25 =	simm.s32 $0x4;
	s10 =	ssub.s32 s6, s23;
	s0 =	sadd.s32 s0, s31  }
0xd: {  	s23 =	simm.s32 $0x2;
	s5 =	sshrl.u32 s5, $0x3;
	s24 =	sshrl.u32 s7, $0x3  }
0xe: {  	s10 =	smax.u32 s10, $0x1;
	s11 =	sadd.s32 $0x1400, s0;
	s5 =	sadd.s32 s5, s4  }
0xf: {  	s26 =	sadd.s32 s8, s24;
	s24 =	simm.s32 $0x3;
	s4 =	sadd.s32 $0xFE600, s5  }
0x10: {  	s5 =	sadd.s32 s8, s1;
	s6 =	sadd.s32 $0x25D00, s26;
	s7 =	sadd.s32 $0x26200, s26  }
0x11: {  	s8 =	sadd.s32 $0x26700, s26;
	s9 =	sadd.s32 $0x26C00, s26;
	s26 =	simm.s32 $0x6  }
.LBB2_1:
0x12: {  	[tilespmem:s3], [sflag:$0x9] =	stream.linear.gather [hbm4b:s4+s3], $0x2710, $0x38;
	[tilespmem:$0xC780] =	vst v63  }
0x13: {  	_ =	swait.ge [sflag:s12], $0x2710  }
0x14: {  	[sflag:s12] =	ssyncset.done $0x0  }
0x15: {  	[sflag:s12] =	ssyncadd.s32 $0xFFFFD8F0  }
0x16: {  	[tilespmem:s14], [sflag:$0x1] =	stream.indirect.gather [hbm4b:s2+s13], $0x80, s3, s13, $0xb8;
	[tilespmem:$0xC780] =	vst v63  }
0x17: {  	_ =	swait.ge [sflag:s15], $0x2800  }
0x18: {  	[sflag:s15] =	ssyncset.done $0x0  }
0x19: {  	[sflag:s15] =	ssyncadd.s32 $0xFFFFD800  }
0x1a: {  	[hbm4b:s5+s3] =	stream.linear.scatter [tilespmem:s14], [sflag:$0x5], $0x2800, $0x38;
	[tilespmem:$0xC780] =	vst v63  }
0x1b: {  	_ =	swait.ge [sflag:s16], $0x2800  }
0x1c: {  	[sflag:s16] =	ssyncset.done $0x0  }
0x1d: {  	[sflag:s16] =	ssyncadd.s32 $0xFFFFD800  }
0x1e: {  	[tilespmem:s14], [sflag:$0x1] =	stream.indirect.gather [hbm4b:s2+s13], $0x80, s13, s13, $0xb8;
	[tilespmem:$0xC780] =	vst v63  }
0x1f: {  	s0 =	simm.s32 $0xA0  }
0x20: {  	[tilespmem:s18], [sflag:$0x2] =	stream.indirect.gather [hbm4b:s2+s13], $0x80, s0, s13, $0xb8;
	[tilespmem:$0xC780] =	vst v63  }
0x21: {  	_ = 	snop  }
0x22: {  	[tilespmem:s20], [sflag:$0x3] =	stream.indirect.gather [hbm4b:s2+s13], $0x80, s19, s13, $0xb8;
	[tilespmem:$0xC780] =	vst v63  }
0x23: {  	_ = 	snop  }
0x24: {  	[tilespmem:s22], [sflag:$0x4] =	stream.indirect.gather [hbm4b:s2+s13], $0x80, s21, s13, $0xb8;
	[tilespmem:$0xC780] =	vst v63  }
0x25: {  	_ =	swait.ge [sflag:s15], $0x2800  }
0x26: {  	[sflag:s15] =	ssyncset.done $0x0  }
0x27: {  	s1 =	sadd.s32 $0xFFFFF100, s11;
	[sflag:s15] =	ssyncadd.s32 $0xFFFFD800  }
0x28: {  	[hbm4b:s1+s3] =	stream.linear.scatter [tilespmem:s14], [sflag:$0x5], $0x2800, $0x38;
	[tilespmem:$0xC780] =	vst v63  }
0x29: {  	_ =	swait.ge [sflag:s23], $0x2800  }
0x2a: {  	[sflag:s23] =	ssyncset.done $0x0  }
0x2b: {  	s17 =	sadd.s32 $0xFFFFF600, s11;
	[sflag:s23] =	ssyncadd.s32 $0xFFFFD800  }
0x2c: {  	[hbm4b:s17+s3] =	stream.linear.scatter [tilespmem:s18], [sflag:$0x6], $0x2800, $0x38;
	[tilespmem:$0xC780] =	vst v63  }
0x2d: {  	_ =	swait.ge [sflag:s24], $0x2800  }
0x2e: {  	[sflag:s24] =	ssyncset.done $0x0  }
0x2f: {  	s1 =	sadd.s32 $0xFFFFFB00, s11;
	[sflag:s24] =	ssyncadd.s32 $0xFFFFD800  }
0x30: {  	[hbm4b:s1+s3] =	stream.linear.scatter [tilespmem:s20], [sflag:$0x7], $0x2800, $0x38;
	[tilespmem:$0xC780] =	vst v63  }
0x31: {  	_ =	swait.ge [sflag:s25], $0x2800  }
0x32: {  	[sflag:s25] =	ssyncset.done $0x0  }
0x33: {  	[sflag:s25] =	ssyncadd.s32 $0xFFFFD800  }
0x34: {  	[hbm4b:s11+s3] =	stream.linear.scatter [tilespmem:s22], [sflag:$0x8], $0x2800, $0x38;
	[tilespmem:$0xC780] =	vst v63  }
0x35: {  	_ =	swait.ge [sflag:s16], $0x2800  }
0x36: {  	[sflag:s16] =	ssyncset.done $0x0  }
0x37: {  	s17 =	simm.s32 $0x190;
	[sflag:s16] =	ssyncadd.s32 $0xFFFFD800  }
0x38: {  	[tilespmem:s14], [sflag:$0x1] =	stream.indirect.gather [hbm4b:s2+s13], $0x80, s17, s13, $0xb8;
	[tilespmem:$0xC780] =	vst v63  }
0x39: {  	_ =	swait.ge [sflag:s26], $0x2800  }
0x3a: {  	[sflag:s26] =	ssyncset.done $0x0  }
0x3b: {  	s1 =	simm.s32 $0x1E0;
	[sflag:s26] =	ssyncadd.s32 $0xFFFFD800  }
0x3c: {  	[tilespmem:s18], [sflag:$0x2] =	stream.indirect.gather [hbm4b:s2+s13], $0x80, s1, s13, $0xb8;
	[tilespmem:$0xC780] =	vst v63  }
0x3d: {  	_ =	swait.ge [sflag:s28], $0x2800  }
0x3e: {  	[sflag:s28] =	ssyncset.done $0x0  }
0x3f: {  	s17 =	simm.s32 $0x230;
	[sflag:s28] =	ssyncadd.s32 $0xFFFFD800  }
0x40: {  	[tilespmem:s20], [sflag:$0x3] =	stream.indirect.gather [hbm4b:s2+s13], $0x80, s17, s13, $0xb8;
	[tilespmem:$0xC780] =	vst v63  }
0x41: {  	_ =	swait.ge [sflag:s29], $0x2800  }
0x42: {  	s31 =	simm.s32 $0x500;
	[sflag:s29] =	ssyncset.done $0x0  }
0x43: {  	s0 =	simm.s32 $0x280;
	s1 =	sadd.s32 $0x1400, s11;
	[sflag:s29] =	ssyncadd.s32 $0xFFFFD800  }
.LBB2_2:
0x44: {  	[tilespmem:s22], [sflag:$0x4] =	stream.indirect.gather [hbm4b:s2+s13], $0x80, s0, s13, $0xb8;
	[tilespmem:$0xC780] =	vst v63  }
0x45: {  	s0 =	smov.u32 s31  }
0x46: {  	p0 =	sne.s32 s31, $0x9100;
	s31 =	sadd.s32 $0x500, s31;
	_ =	swait.ge [sflag:s15], $0x2800  }
0x47: {  	[sflag:s15] =	ssyncset.done $0x0  }
0x48: {  	s17 =	sadd.s32 $0xFFFFF100, s1;
	[sflag:s15] =	ssyncadd.s32 $0xFFFFD800  }
0x49: {  	[hbm4b:s17+s3] =	stream.linear.scatter [tilespmem:s14], [sflag:$0x5], $0x2800, $0x38;
	[tilespmem:$0xC780] =	vst v63  }
0x4a: {  	_ =	swait.ge [sflag:s23], $0x2800  }
0x4b: {  	[sflag:s23] =	ssyncset.done $0x0  }
0x4c: {  	s17 =	sadd.s32 $0xFFFFF600, s1;
	[sflag:s23] =	ssyncadd.s32 $0xFFFFD800  }
0x4d: {  	[hbm4b:s17+s3] =	stream.linear.scatter [tilespmem:s18], [sflag:$0x6], $0x2800, $0x38;
	[tilespmem:$0xC780] =	vst v63  }
0x4e: {  	_ =	swait.ge [sflag:s24], $0x2800  }
0x4f: {  	[sflag:s24] =	ssyncset.done $0x0  }
0x50: {  	s17 =	sadd.s32 $0xFFFFFB00, s1;
	[sflag:s24] =	ssyncadd.s32 $0xFFFFD800  }
0x51: {  	[hbm4b:s17+s3] =	stream.linear.scatter [tilespmem:s20], [sflag:$0x7], $0x2800, $0x38;
	[tilespmem:$0xC780] =	vst v63  }
0x52: {  	_ =	swait.ge [sflag:s25], $0x2800  }
0x53: {  	[sflag:s25] =	ssyncset.done $0x0  }
0x54: {  	[sflag:s25] =	ssyncadd.s32 $0xFFFFD800  }
0x55: {  	[hbm4b:s1+s3] =	stream.linear.scatter [tilespmem:s22], [sflag:$0x8], $0x2800, $0x38;
	[tilespmem:$0xC780] =	vst v63  }
0x56: {  	_ =	swait.ge [sflag:s16], $0x2800  }
0x57: {  	s0 =	sshra.s32 s0, $0x2;
	[sflag:s16] =	ssyncset.done $0x0  }
0x58: {  	s17 =	sadd.s32 $0x190, s0;
	[sflag:s16] =	ssyncadd.s32 $0xFFFFD800  }
0x59: {  	[tilespmem:s14], [sflag:$0x1] =	stream.indirect.gather [hbm4b:s2+s13], $0x80, s17, s13, $0xb8;
	[tilespmem:$0xC780] =	vst v63  }
0x5a: {  	_ =	swait.ge [sflag:s26], $0x2800  }
0x5b: {  	[sflag:s26] =	ssyncset.done $0x0  }
0x5c: {  	s17 =	sadd.s32 $0x1E0, s0;
	[sflag:s26] =	ssyncadd.s32 $0xFFFFD800  }
0x5d: {  	[tilespmem:s18], [sflag:$0x2] =	stream.indirect.gather [hbm4b:s2+s13], $0x80, s17, s13, $0xb8;
	[tilespmem:$0xC780] =	vst v63  }
0x5e: {  	_ =	swait.ge [sflag:s28], $0x2800  }
0x5f: {  	[sflag:s28] =	ssyncset.done $0x0  }
.Ltmp0:
0x60: {  	s17 =	sadd.s32 $0x230, s0;
	[sflag:s28] =	ssyncadd.s32 $0xFFFFD800;
	(pc) =	sbr.rel @p0 .LBB2_2-.Ltmp0, $4  }
0x61: {  	[tilespmem:s20], [sflag:$0x3] =	stream.indirect.gather [hbm4b:s2+s13], $0x80, s17, s13, $0xb8;
	[tilespmem:$0xC780] =	vst v63  }
0x62: {  	_ =	swait.ge [sflag:s29], $0x2800  }
0x63: {  	[sflag:s29] =	ssyncset.done $0x0  }
0x64: {  	s1 =	sadd.s32 $0x1400, s1;
	s0 =	sadd.s32 $0x280, s0;
	[sflag:s29] =	ssyncadd.s32 $0xFFFFD800  }
0x65: {  	[tilespmem:s22], [sflag:$0x4] =	stream.indirect.gather [hbm4b:s2+s13], $0x80, s0, s13, $0xb8;
	[tilespmem:$0xC780] =	vst v63  }
0x66: {  	_ =	swait.ge [sflag:s15], $0x2800  }
0x67: {  	[sflag:s15] =	ssyncset.done $0x0  }
0x68: {  	[sflag:s15] =	ssyncadd.s32 $0xFFFFD800  }
0x69: {  	[hbm4b:s6+s3] =	stream.linear.scatter [tilespmem:s14], [sflag:$0x5], $0x2800, $0x38;
	[tilespmem:$0xC780] =	vst v63  }
0x6a: {  	_ =	swait.ge [sflag:s23], $0x2800  }
0x6b: {  	[sflag:s23] =	ssyncset.done $0x0  }
0x6c: {  	[sflag:s23] =	ssyncadd.s32 $0xFFFFD800  }
0x6d: {  	[hbm4b:s7+s3] =	stream.linear.scatter [tilespmem:s18], [sflag:$0x6], $0x2800, $0x38;
	[tilespmem:$0xC780] =	vst v63  }
0x6e: {  	_ =	swait.ge [sflag:s24], $0x2800  }
0x6f: {  	[sflag:s24] =	ssyncset.done $0x0  }
0x70: {  	[sflag:s24] =	ssyncadd.s32 $0xFFFFD800  }
0x71: {  	[hbm4b:s8+s3] =	stream.linear.scatter [tilespmem:s20], [sflag:$0x7], $0x2800, $0x38;
	[tilespmem:$0xC780] =	vst v63  }
0x72: {  	_ =	swait.ge [sflag:s25], $0x2800  }
0x73: {  	[sflag:s25] =	ssyncset.done $0x0  }
0x74: {  	[sflag:s25] =	ssyncadd.s32 $0xFFFFD800  }
0x75: {  	[hbm4b:s9+s3] =	stream.linear.scatter [tilespmem:s22], [sflag:$0x8], $0x2800, $0x38;
	[tilespmem:$0xC780] =	vst v63  }
0x76: {  	_ =	swait.ge [sflag:s16], $0x2800  }
0x77: {  	[sflag:s16] =	ssyncset.done $0x0  }
0x78: {  	[sflag:s16] =	ssyncadd.s32 $0xFFFFD800  }
0x79: {  	_ =	swait.ge [sflag:s26], $0x2800  }
0x7a: {  	[sflag:s26] =	ssyncset.done $0x0  }
0x7b: {  	s30 =	sadd.s32 $0x1, s30;
	[sflag:s26] =	ssyncadd.s32 $0xFFFFD800  }
0x7c: {  	p0 =	sne.s32 s30, s10;
	_ =	swait.ge [sflag:s28], $0x2800  }
.Ltmp1:
0x7d: {  	[sflag:s28] =	ssyncset.done $0x0;
	(pc) =	sbr.rel @p0 .LBB2_1-.Ltmp1, $4  }
0x7e: {  	[sflag:s28] =	ssyncadd.s32 $0xFFFFD800  }
0x7f: {  	_ =	swait.ge [sflag:s29], $0x2800  }
0x80: {  	[sflag:s29] =	ssyncset.done $0x0  }
0x81: {  	[sflag:s29] =	ssyncadd.s32 $0xFFFFD800  }
0x82: {  	_ =	sfence.sel $0x180000  }
0x83: {  	[bflag:$0x0] =	sbarrier.arrive $0xFFFF  }
0x84: {  	_ =	strace $0x90000050  }
0x85: {  	s0 =	stileid.u32;
	[bflag:$0x2] =	sbarrier.arrive $0xFFFF  }
0x86: {  	p0 =	sne.s32 s0, $0x0;
	s0 =	rddreg [dreg:$0x2]  }
0x87: {  	s0 =	sadd.s32 @!p0 $0x100000, s0  }
0x88: {  	[sflag:s0] =	ssyncadd.tile.s32 @!p0 $0x1;
	_ =	shalt  }
.Lfunc_end2:
_tile_overlayer_lowered:
.L_overlay_start_2:
0x89: {  	(tag) =	ssettag $0x2  }
0x8a: {  	s0 =	rddreg [dreg:$0x0];
	s2 =	stileid.u32  }
0x8b: {  	s1 =	rddreg [dreg:$0x1];
	p0 =	sne.s32 s2, $0x0  }
0x8c: {  	s3 =	rddreg [dreg:$0x2];
	[bflag:$0x3] =	sbarrier.arrive $0xFFFF;
	s2 =	simm.s32 @!p0 $0x1C09  }
0x8d: {  	[timem:s3], [sflag:s2] =	dma.local @!p0 [hbm:s0], s1  }
0x8e: {  	s0 =	simm.s32 @!p0 $0x9  }
0x8f: {  	_ =	swait.ge @!p0 [sflag:s0], s1  }
0x90: {  	s1 =	ssub.s32 @!p0 $0x0, s1;
	[sflag:s0] =	ssyncset.done @!p0 $0x0  }
0x91: {  	[sflag:s0] =	ssyncadd.s32 @!p0 s1  }
0x92: {  	[bflag:$0x3] =	sbarrier.arrive $0xFFFF  }
0x93: {  	_ =	shalt  }

// kernel: kernel.21.cloned.1.call-start
scs
__scs_entry_jumppad:
0x0: {  	(pc) =	sbr.rel $0x88, $3  }
0x1: {  	(tag) =	ssettag $0x0;
	lr =	simm.s32 $0x1  }
0x2: {  	[smem:$0x3F9F] =	sst lr;
	_ =	strace $0xD0000000  }
0x3: {  	_ = 	snop  }
0x4: {  	_ = 	snop  }
0x5: {  	_ = 	snop  }
0x6: {  	_ = 	snop  }
0x7: {  	_ = 	snop  }
__scs_overlays_trampoline_lowered:
0x8: {  	[smem:$0x3FAE] =	sst s0  }
0x9: {  	[smem:$0x3FAF] =	sst s1  }
0xa: {  	[smem:$0x3FB0] =	sst s2  }
0xb: {  	[smem:$0x3FB1] =	sst s3  }
0xc: {  	[smem:$0x3FB2] =	sst s4  }
0xd: {  	[smem:$0x3FB3] =	sst s5  }
0xe: {  	[smem:$0x3FB4] =	sst s6  }
0xf: {  	[smem:$0x3FB5] =	sst s7  }
0x10: {  	[smem:$0x3FB6] =	sst s8  }
0x11: {  	[smem:$0x3FB7] =	sst s9;
	s0 =	simm.s32 @!p0 $0x0  }
0x12: {  	s1 =	sld [smem:$0x3F9D];
	s0 =	simm.s32 @p0 $0x1  }
0x13: {  	[smem:$0x3FB8] =	sst s0;
	s0 =	simm.s32 @!p1 $0x0  }
0x14: {  	s2 =	sld [smem:$0x3F9C];
	s0 =	simm.s32 @p1 $0x1  }
0x15: {  	[smem:$0x3FB9] =	sst s0;
	s0 =	simm.s32 @!p2 $0x0  }
0x16: {  	s3 =	sld [smem:$0x3FDB];
	s0 =	simm.s32 @p2 $0x1  }
0x17: {  	s4 =	simm.s32 $0x1BF5;
	[smem:$0x3FBB] =	sst s0  }
0x18: {  	s0 =	sld [smem:$0x3F9E];
	_ =	swait.ge [sflag:s4], $0x0  }
0x19: {  	s7 =	sld [smem:$0x3F9F]  }
0x1a: {  	s8 =	sadd.s32 $0xFFFFE003, lr  }
0x1b: {  	s9 =	sadd.s32 $0xFFFFFEF7, lr;
	s5 =	simm.s32 $0xFFFFFFFF;
	p2 =	slt.u32 s8, $0xFFFFF086  }
0x1c: {  	p1 =	slt.u32 s9, $0xF7A;
	s5 =	simm.s32 @!p2 $0x0  }
0x1d: {  	s5 =	simm.s32 @p1 $0x1;
	p0 =	seq.s32 s7, s2  }
0x1e: {  	s7 =	smul.u32 @!p0 $0xF7A, s2;
	p2 =	seq.s32 @!p0 s5, $0x0  }
0x1f: {  	s9 =	smul.u32 $0xF7A, s1;
	s8 =	simm.s32 @!p0 $0x1BF5;
	p2 =	por !p2, p0  }
0x20: {  	[sflag:s8] =	ssyncset.s32 @!p0 $0xFFFFF086;
	s6 =	sadd.s32 @!p0 s3, s7;
	s7 =	simm.s32 @!p0 $0x108  }
0x21: {  	s3 =	sadd.s32 s3, s9;
	s6 =	sadd.s32 @!p0 $0x88, s6;
	s7 =	simm.s32 @p2 $0x1082  }
0x22: {  	[simem:s7], [sflag:s8] =	dma.local @!p0 [hbm:s6], $0xF7A  }
0x23: {  	s9 =	sor.u32 $0xD0000000, s2;
	s6 =	simm.s32 $0x108;
	_ =	swait.ge @!p0 [sflag:s8], $0x0  }
0x24: {  	s3 =	sadd.s32 $0x88, s3;
	s6 =	simm.s32 @!p1 $0x1082;
	[sflag:s4] =	ssyncset.s32 $0xFFFFF086  }
0x25: {  	[simem:s6], [sflag:s4] =	dma.local [hbm:s3], $0xF7A  }
0x26: {  	[smem:$0x3F9F] =	sst s1;
	(tag) =	ssettag s2;
	_ =	strace s9  }
0x27: {  	s1 =	sld [smem:$0x3FAF]  }
0x28: {  	s2 =	sld [smem:$0x3FB0]  }
0x29: {  	s4 =	sld [smem:$0x3FB2]  }
0x2a: {  	p0 =	seq.s32 s5, $0x0;
	s5 =	sld [smem:$0x3FB3]  }
0x2b: {  	s6 =	sld [smem:$0x3FB4]  }
0x2c: {  	s7 =	sld [smem:$0x3FB5]  }
0x2d: {  	s3 =	simm.s32 $0x108;
	s8 =	sld [smem:$0x3FB6]  }
0x2e: {  	s3 =	simm.s32 @!p0 $0x1082;
	s9 =	sld [smem:$0x3FB7]  }
0x2f: {  	lr =	sadd.s32 s0, s3;
	s0 =	sld [smem:$0x3FAE]  }
0x30: {  	s3 =	sld [smem:$0x3FB1]  }
0x31: {  	[smem:$0x3FBA] =	sst s10  }
0x32: {  	s10 =	sld [smem:$0x3FB8];
	_ =	sdelay $0x3  }
0x33: {  	p0 =	seq.s32 s10, $0x1;
	s10 =	sld [smem:$0x3FBA];
	_ =	sdelay $0x3  }
0x34: {  	[smem:$0x3FBA] =	sst s10  }
0x35: {  	s10 =	sld [smem:$0x3FB9];
	_ =	sdelay $0x3  }
0x36: {  	p1 =	seq.s32 s10, $0x1;
	s10 =	sld [smem:$0x3FBA];
	_ =	sdelay $0x3  }
0x37: {  	[smem:$0x3FBA] =	sst s10  }
0x38: {  	s10 =	sld [smem:$0x3FBB]  }
0x39: {  	_ = 	snop;
	(pc) =	sbr.ind lr, $3  }
0x3a: {  	_ = 	snop  }
0x3b: {  	_ = 	snop  }
0x3c: {  	p2 =	seq.s32 s10, $0x1;
	s10 =	sld [smem:$0x3FBA]  }
0x3d: {  	_ =	shalt  }
0x3e: {  	_ =	shalt  }
0x3f: {  	_ =	shalt  }
0x40: {  	_ =	shalt  }
0x41: {  	_ =	shalt  }
0x42: {  	_ =	shalt  }
0x43: {  	_ =	shalt  }
0x44: {  	_ =	shalt  }
0x45: {  	_ =	shalt  }
0x46: {  	_ =	shalt  }
0x47: {  	_ =	shalt  }
0x48: {  	_ =	shalt  }
0x49: {  	_ =	shalt  }
0x4a: {  	_ =	shalt  }
0x4b: {  	_ =	shalt  }
0x4c: {  	_ =	shalt  }
0x4d: {  	_ =	shalt  }
0x4e: {  	_ =	shalt  }
0x4f: {  	_ =	shalt  }
0x50: {  	_ =	shalt  }
0x51: {  	_ =	shalt  }
0x52: {  	_ =	shalt  }
0x53: {  	_ =	shalt  }
0x54: {  	_ =	shalt  }
0x55: {  	_ =	shalt  }
0x56: {  	_ =	shalt  }
0x57: {  	_ =	shalt  }
0x58: {  	_ =	shalt  }
0x59: {  	_ =	shalt  }
0x5a: {  	_ =	shalt  }
0x5b: {  	_ =	shalt  }
0x5c: {  	_ =	shalt  }
0x5d: {  	_ =	shalt  }
0x5e: {  	_ =	shalt  }
0x5f: {  	_ =	shalt  }
0x60: {  	_ =	shalt  }
0x61: {  	_ =	shalt  }
0x62: {  	_ =	shalt  }
0x63: {  	_ =	shalt  }
0x64: {  	_ =	shalt  }
0x65: {  	_ =	shalt  }
0x66: {  	_ =	shalt  }
0x67: {  	_ =	shalt  }
0x68: {  	_ =	shalt  }
0x69: {  	_ =	shalt  }
0x6a: {  	_ =	shalt  }
0x6b: {  	_ =	shalt  }
0x6c: {  	_ =	shalt  }
0x6d: {  	_ =	shalt  }
0x6e: {  	_ =	shalt  }
0x6f: {  	_ =	shalt  }
0x70: {  	_ =	shalt  }
0x71: {  	_ =	shalt  }
0x72: {  	_ =	shalt  }
0x73: {  	_ =	shalt  }
0x74: {  	_ =	shalt  }
0x75: {  	_ =	shalt  }
0x76: {  	_ =	shalt  }
0x77: {  	_ =	shalt  }
0x78: {  	_ =	shalt  }
0x79: {  	_ =	shalt  }
0x7a: {  	_ =	shalt  }
0x7b: {  	_ =	shalt  }
0x7c: {  	_ =	shalt  }
0x7d: {  	_ =	shalt  }
0x7e: {  	_ =	shalt  }
0x7f: {  	_ =	shalt  }
0x80: {  	_ =	shalt  }
0x81: {  	_ =	shalt  }
0x82: {  	_ =	shalt  }
0x83: {  	_ =	shalt  }
0x84: {  	_ =	shalt  }
0x85: {  	_ =	shalt  }
0x86: {  	_ =	shalt  }
0x87: {  	_ =	shalt  }
.Lfunc_end0:
.L_simem_size_0:
called_computation.3_lowered:
.L_overlay_start_0:
0x88: {  	s2 =	sld [smem:$0x3FD9]  }
0x89: {  	s3 =	sld [smem:$0x3FFE];
	_ =	sdelay $0x1  }
0x8a: {  	s1 =	srdreg.scid  }
0x8b: {  	s0 =	sand.u32 $0x1, s1  }
0x8c: {  	s17 =	sshll.u32 s0, $0xA;
	s2 =	sadd.s32 s3, s2  }
0x8d: {  	s2 =	sadd.s32 s2, s17  }
0x8e: {  	[smem:$0x3FC6] =	sst s2  }
0x8f: {  	_ = 	snop  }
0x90: {  	s18 =	sld [smem:$0x3FD0];
	(tm) =	ssettm $0x1  }
0x91: {  	s19 =	sld [smem:$0x3FFB];
	_ =	sdelay $0x3  }
0x92: {  	_ =	strace s19  }
0x93: {  	s2 =	sld [smem:$0x3FFC];
	_ =	sdelay $0x3  }
0x94: {  	_ =	strace s2  }
0x95: {  	s2 =	sld [smem:$0x3FFD];
	_ =	sdelay $0x3  }
0x96: {  	_ =	strace s2  }
0x97: {  	_ =	strace $0x8FFFFFFF  }
0x98: {  	s20 =	sld [smem:$0x3FDB];
	_ =	sdelay $0x1  }
0x99: {  	s4 =	simm.s32 $_scs_section_size  }
0x9a: {  	s5 =	simm.s32 $_size__tile_overlayer_lowered;
	s6 =	simm.s32 $_tile_overlayer_lowered  }
0x9b: {  	s7 =	simm.s32 $0x1BFF;
	s21 =	sshll.u32 s6, $0x1;
	s4 =	sadd.s32 s4, s20  }
0x9c: {  	s22 =	simm.s32 $0x0;
	s5 =	sshll.u32 s5, $0x1;
	s6 =	sadd.s32 s21, s4  }
0x9d: {  	[timem:s22], [sflag:s7] =	dma.local [hbm:s6], s5  }
0x9e: {  	_ =	swait.ge [sflag:s7], s5  }
0x9f: {  	s5 =	ssub.s32 $0x0, s5;
	[sflag:s7] =	ssyncset.done $0x0  }
0xa0: {  	[sflag:s7] =	ssyncadd.s32 s5;
	_ =	sdelay $0x1  }
0xa1: {  	s23 =	simm.s32 $0x1B8B  }
0xa2: {  	_ =	swait.ge [sflag:s23], $0x1  }
0xa3: {  	[sflag:s23] =	ssyncset.done $0x0  }
0xa4: {  	[sflag:s23] =	ssyncadd.s32 $0xFFFFFFFF  }
0xa5: {  	s5 =	sld [smem:$0x0]  }
0xa6: {  	s6 =	sand.u32 $0xFFFFFFFE, s1  }
0xa7: {  	p0 =	sne.s32 s1, s6  }
0xa8: {  	s6 =	sshll.u32 @p0 s6, $0xE  }
0xa9: {  	s6 =	sadd.s32 @p0 $0x11B8D, s6;
	s7 =	sshll.u32 @p0 s5, $0x11  }
0xaa: {  	s6 =	sor.u32 @p0 s7, s6  }
0xab: {  	[sflag:s6] =	ssyncadd.remote.s32 @p0 $0x1;
	_ =	sdelay $0x1  }
0xac: {  	s6 =	simm.s32 @p0 $0x1B8D  }
0xad: {  	_ =	swait.eq @p0 [sflag:s6], $0x1  }
0xae: {  	[sflag:s6] =	ssyncadd.s32 @p0 $0xFFFFFFFF  }
0xaf: {  	s7 =	sshll.u32 @!p0 s1, $0xE  }
0xb0: {  	s7 =	sor.u32 @!p0 $0x4000, s7;
	s6 =	simm.s32 @!p0 $0x1B8D  }
0xb1: {  	s5 =	sshll.u32 @!p0 s5, $0x11;
	s7 =	sadd.s32 @!p0 $0x11B8D, s7;
	_ =	swait.eq @!p0 [sflag:s6], $0x1  }
0xb2: {  	s5 =	sor.u32 @!p0 s5, s7;
	[sflag:s6] =	ssyncadd.s32 @!p0 $0xFFFFFFFF  }
0xb3: {  	s25 =	simm.s32 $0x1B8E;
	s24 =	sld [smem:$0x3FFE];
	[sflag:s5] =	ssyncadd.remote.s32 @!p0 $0x1  }
0xb4: {  	s26 =	simm.s32 $execute0_lowered;
	[smem:$0x3FD2] =	sst s25  }
0xb5: {  	s6 =	sshll.u32 s26, $0x1;
	_ =	strace $0x8000004C;
	[dreg:$0x1] =	wrdreg $0xFFFFFFFF  }
0xb6: {  	s28 =	simm.s32 $_size_execute0_lowered;
	s4 =	sadd.s32 s4, s6;
	[dreg:$0x0] =	wrdreg $0x0  }
0xb7: {  	s6 =	sshll.u32 s28, $0x1;
	[dreg:$0x2] =	wrdreg s4  }
0xb8: {  	[dreg:$0x3] =	wrdreg s6  }
0xb9: {  	[dreg:$0x4] =	wrdreg $0xC0  }
0xba: {  	_ =	task [dreg:s22], $0x5FFFF  }
0xbb: {  	[dreg:$0x1] =	wrdreg $0xFFFFFFFF  }
0xbc: {  	[dreg:$0x0] =	wrdreg $0x60  }
0xbd: {  	[dreg:$0x2] =	wrdreg s18  }
0xbe: {  	[dreg:$0x3] =	wrdreg s24  }
0xbf: {  	[dreg:$0x4] =	wrdreg $0xC  }
0xc0: {  	_ =	task.clear_ibuf [dreg:s22], $0x5FFFF;
	_ =	strace $0x9000004C  }
0xc1: {  	s29 =	simm.s32 $0xC;
	_ =	strace $0x8000004E  }
0xc2: {  	_ =	swait.ge [sflag:s29], $0x1  }
0xc3: {  	[sflag:s29] =	ssyncadd.s32 $0xFFFFFFFF  }
0xc4: {  	_ =	strace $0x9000004E  }
0xc5: {  	_ =	sfence  }
0xc6: {  	s30 =	sld [smem:$0x0];
	_ =	sdelay $0x2  }
0xc7: {  	s31 =	sshll.u32 s1, $0xD;
	s1 =	sshrl.u32 s1, $0x2  }
0xc8: {  	s4 =	sand.u32 $0x4000, s31;
	s1 =	sadd.s32 s1, s30  }
0xc9: {  	s0 =	sor.u32 s4, s0;
	s1 =	sshll.u32 s1, $0x11  }
0xca: {  	s0 =	sor.u32 s1, s0  }
0xcb: {  	s0 =	sadd.s32 $0x8F2B, s0  }
0xcc: {  	[sflag:s0] =	ssyncadd.remote.s32 $0x1  }
0xcd: {  	_ =	sfence.sel $0xFFFF  }
0xce: {  	[dreg:$0x0] =	wrdreg $0xFFFFFFFF;
	(pc) =	sbr.abs _section_cstart, $3  }
0xcf: {  	[dreg:$0x1] =	wrdreg $0xFFFFFFFF  }
0xd0: {  	_ =	task.clear_ibuf [dreg:s22], $0x2FFFF;
	_ =	strace $0x9FFFFFFF  }
0xd1: {  	(tm) =	ssettm $0x7FFFFFFF  }
tec
execute0_lowered:
.L_overlay_start_1:
0x0: {  	(tag) =	ssettag $0x1  }
0x1: {  	s0 =	srdreg.scid;
	s2 =	rddreg [dreg:$0x0]  }
0x2: {  	s9 =	stileid.u32;
	s4 =	rddreg [dreg:$0x1];
	s3 =	simm.s32 $0x0  }
0x3: {  	s12 =	simm.s32 $0x9;
	s13 =	simm.s32 $0x50;
	s14 =	simm.s32 $0x2780  }
0x4: {  	s15 =	simm.s32 $0x1;
	s16 =	simm.s32 $0x5;
	s18 =	simm.s32 $0x4F80  }
0x5: {  	s19 =	simm.s32 $0xF0;
	s20 =	simm.s32 $0x7780;
	s21 =	simm.s32 $0x140  }
0x6: {  	s22 =	simm.s32 $0x9F80;
	s28 =	simm.s32 $0x7;
	s29 =	simm.s32 $0x8  }
0x7: {  	s0 =	sand.u32 $0x1, s0;
	s1 =	sshll.u32 s9, $0x1;
	s25 =	smul.u32 $0x4E200, s9  }
0x8: {  	s1 =	sor.u32 s0, s1;
	s6 =	ssub.s32 $0x2, s0;
	s0 =	smul.u32 $0x27100, s0  }
0x9: {  	[smem:$0x7FF] =	sst s3;
	s8 =	sadd.s32 $0x50BA00, s4;
	s5 =	smul.u32 $0x2710, s1  }
0xa: {  	s30 =	simm.s32 $0x0;
	_ =	strace $0x8000004D;
	s7 =	smul.u32 $0x138800, s1  }
0xb: {  	s23 =	sshrl.u32 s6, $0x1;
	s1 =	smul.u32 $0x27100, s1;
	s31 =	sadd.s32 s25, s8  }
0xc: {  	s25 =	simm.s32 $0x4;
	s10 =	ssub.s32 s6, s23;
	s0 =	sadd.s32 s0, s31  }
0xd: {  	s23 =	simm.s32 $0x2;
	s5 =	sshrl.u32 s5, $0x3;
	s24 =	sshrl.u32 s7, $0x3  }
0xe: {  	s10 =	smax.u32 s10, $0x1;
	s11 =	sadd.s32 $0x1400, s0;
	s5 =	sadd.s32 s5, s4  }
0xf: {  	s26 =	sadd.s32 s8, s24;
	s24 =	simm.s32 $0x3;
	s4 =	sadd.s32 $0x108400, s5  }
0x10: {  	s5 =	sadd.s32 s8, s1;
	s6 =	sadd.s32 $0x25D00, s26;
	s7 =	sadd.s32 $0x26200, s26  }
0x11: {  	s8 =	sadd.s32 $0x26700, s26;
	s9 =	sadd.s32 $0x26C00, s26;
	s26 =	simm.s32 $0x6  }
.LBB2_1:
0x12: {  	[tilespmem:s3], [sflag:$0x9] =	stream.linear.gather [hbm4b:s4+s3], $0x2710, $0x38;
	[tilespmem:$0xC780] =	vst v63  }
0x13: {  	_ =	swait.ge [sflag:s12], $0x2710  }
0x14: {  	[sflag:s12] =	ssyncset.done $0x0  }
0x15: {  	[sflag:s12] =	ssyncadd.s32 $0xFFFFD8F0  }
0x16: {  	[tilespmem:s14], [sflag:$0x1] =	stream.indirect.gather [hbm4b:s2+s13], $0x80, s3, s13, $0xb8;
	[tilespmem:$0xC780] =	vst v63  }
0x17: {  	_ =	swait.ge [sflag:s15], $0x2800  }
0x18: {  	[sflag:s15] =	ssyncset.done $0x0  }
0x19: {  	[sflag:s15] =	ssyncadd.s32 $0xFFFFD800  }
0x1a: {  	[hbm4b:s5+s3] =	stream.linear.scatter [tilespmem:s14], [sflag:$0x5], $0x2800, $0x38;
	[tilespmem:$0xC780] =	vst v63  }
0x1b: {  	_ =	swait.ge [sflag:s16], $0x2800  }
0x1c: {  	[sflag:s16] =	ssyncset.done $0x0  }
0x1d: {  	[sflag:s16] =	ssyncadd.s32 $0xFFFFD800  }
0x1e: {  	[tilespmem:s14], [sflag:$0x1] =	stream.indirect.gather [hbm4b:s2+s13], $0x80, s13, s13, $0xb8;
	[tilespmem:$0xC780] =	vst v63  }
0x1f: {  	s0 =	simm.s32 $0xA0  }
0x20: {  	[tilespmem:s18], [sflag:$0x2] =	stream.indirect.gather [hbm4b:s2+s13], $0x80, s0, s13, $0xb8;
	[tilespmem:$0xC780] =	vst v63  }
0x21: {  	_ = 	snop  }
0x22: {  	[tilespmem:s20], [sflag:$0x3] =	stream.indirect.gather [hbm4b:s2+s13], $0x80, s19, s13, $0xb8;
	[tilespmem:$0xC780] =	vst v63  }
0x23: {  	_ = 	snop  }
0x24: {  	[tilespmem:s22], [sflag:$0x4] =	stream.indirect.gather [hbm4b:s2+s13], $0x80, s21, s13, $0xb8;
	[tilespmem:$0xC780] =	vst v63  }
0x25: {  	_ =	swait.ge [sflag:s15], $0x2800  }
0x26: {  	[sflag:s15] =	ssyncset.done $0x0  }
0x27: {  	s1 =	sadd.s32 $0xFFFFF100, s11;
	[sflag:s15] =	ssyncadd.s32 $0xFFFFD800  }
0x28: {  	[hbm4b:s1+s3] =	stream.linear.scatter [tilespmem:s14], [sflag:$0x5], $0x2800, $0x38;
	[tilespmem:$0xC780] =	vst v63  }
0x29: {  	_ =	swait.ge [sflag:s23], $0x2800  }
0x2a: {  	[sflag:s23] =	ssyncset.done $0x0  }
0x2b: {  	s17 =	sadd.s32 $0xFFFFF600, s11;
	[sflag:s23] =	ssyncadd.s32 $0xFFFFD800  }
0x2c: {  	[hbm4b:s17+s3] =	stream.linear.scatter [tilespmem:s18], [sflag:$0x6], $0x2800, $0x38;
	[tilespmem:$0xC780] =	vst v63  }
0x2d: {  	_ =	swait.ge [sflag:s24], $0x2800  }
0x2e: {  	[sflag:s24] =	ssyncset.done $0x0  }
0x2f: {  	s1 =	sadd.s32 $0xFFFFFB00, s11;
	[sflag:s24] =	ssyncadd.s32 $0xFFFFD800  }
0x30: {  	[hbm4b:s1+s3] =	stream.linear.scatter [tilespmem:s20], [sflag:$0x7], $0x2800, $0x38;
	[tilespmem:$0xC780] =	vst v63  }
0x31: {  	_ =	swait.ge [sflag:s25], $0x2800  }
0x32: {  	[sflag:s25] =	ssyncset.done $0x0  }
0x33: {  	[sflag:s25] =	ssyncadd.s32 $0xFFFFD800  }
0x34: {  	[hbm4b:s11+s3] =	stream.linear.scatter [tilespmem:s22], [sflag:$0x8], $0x2800, $0x38;
	[tilespmem:$0xC780] =	vst v63  }
0x35: {  	_ =	swait.ge [sflag:s16], $0x2800  }
0x36: {  	[sflag:s16] =	ssyncset.done $0x0  }
0x37: {  	s17 =	simm.s32 $0x190;
	[sflag:s16] =	ssyncadd.s32 $0xFFFFD800  }
0x38: {  	[tilespmem:s14], [sflag:$0x1] =	stream.indirect.gather [hbm4b:s2+s13], $0x80, s17, s13, $0xb8;
	[tilespmem:$0xC780] =	vst v63  }
0x39: {  	_ =	swait.ge [sflag:s26], $0x2800  }
0x3a: {  	[sflag:s26] =	ssyncset.done $0x0  }
0x3b: {  	s1 =	simm.s32 $0x1E0;
	[sflag:s26] =	ssyncadd.s32 $0xFFFFD800  }
0x3c: {  	[tilespmem:s18], [sflag:$0x2] =	stream.indirect.gather [hbm4b:s2+s13], $0x80, s1, s13, $0xb8;
	[tilespmem:$0xC780] =	vst v63  }
0x3d: {  	_ =	swait.ge [sflag:s28], $0x2800  }
0x3e: {  	[sflag:s28] =	ssyncset.done $0x0  }
0x3f: {  	s17 =	simm.s32 $0x230;
	[sflag:s28] =	ssyncadd.s32 $0xFFFFD800  }
0x40: {  	[tilespmem:s20], [sflag:$0x3] =	stream.indirect.gather [hbm4b:s2+s13], $0x80, s17, s13, $0xb8;
	[tilespmem:$0xC780] =	vst v63  }
0x41: {  	_ =	swait.ge [sflag:s29], $0x2800  }
0x42: {  	s31 =	simm.s32 $0x500;
	[sflag:s29] =	ssyncset.done $0x0  }
0x43: {  	s0 =	simm.s32 $0x280;
	s1 =	sadd.s32 $0x1400, s11;
	[sflag:s29] =	ssyncadd.s32 $0xFFFFD800  }
.LBB2_2:
0x44: {  	[tilespmem:s22], [sflag:$0x4] =	stream.indirect.gather [hbm4b:s2+s13], $0x80, s0, s13, $0xb8;
	[tilespmem:$0xC780] =	vst v63  }
0x45: {  	s0 =	smov.u32 s31  }
0x46: {  	p0 =	sne.s32 s31, $0x9100;
	s31 =	sadd.s32 $0x500, s31;
	_ =	swait.ge [sflag:s15], $0x2800  }
0x47: {  	[sflag:s15] =	ssyncset.done $0x0  }
0x48: {  	s17 =	sadd.s32 $0xFFFFF100, s1;
	[sflag:s15] =	ssyncadd.s32 $0xFFFFD800  }
0x49: {  	[hbm4b:s17+s3] =	stream.linear.scatter [tilespmem:s14], [sflag:$0x5], $0x2800, $0x38;
	[tilespmem:$0xC780] =	vst v63  }
0x4a: {  	_ =	swait.ge [sflag:s23], $0x2800  }
0x4b: {  	[sflag:s23] =	ssyncset.done $0x0  }
0x4c: {  	s17 =	sadd.s32 $0xFFFFF600, s1;
	[sflag:s23] =	ssyncadd.s32 $0xFFFFD800  }
0x4d: {  	[hbm4b:s17+s3] =	stream.linear.scatter [tilespmem:s18], [sflag:$0x6], $0x2800, $0x38;
	[tilespmem:$0xC780] =	vst v63  }
0x4e: {  	_ =	swait.ge [sflag:s24], $0x2800  }
0x4f: {  	[sflag:s24] =	ssyncset.done $0x0  }
0x50: {  	s17 =	sadd.s32 $0xFFFFFB00, s1;
	[sflag:s24] =	ssyncadd.s32 $0xFFFFD800  }
0x51: {  	[hbm4b:s17+s3] =	stream.linear.scatter [tilespmem:s20], [sflag:$0x7], $0x2800, $0x38;
	[tilespmem:$0xC780] =	vst v63  }
0x52: {  	_ =	swait.ge [sflag:s25], $0x2800  }
0x53: {  	[sflag:s25] =	ssyncset.done $0x0  }
0x54: {  	[sflag:s25] =	ssyncadd.s32 $0xFFFFD800  }
0x55: {  	[hbm4b:s1+s3] =	stream.linear.scatter [tilespmem:s22], [sflag:$0x8], $0x2800, $0x38;
	[tilespmem:$0xC780] =	vst v63  }
0x56: {  	_ =	swait.ge [sflag:s16], $0x2800  }
0x57: {  	s0 =	sshra.s32 s0, $0x2;
	[sflag:s16] =	ssyncset.done $0x0  }
0x58: {  	s17 =	sadd.s32 $0x190, s0;
	[sflag:s16] =	ssyncadd.s32 $0xFFFFD800  }
0x59: {  	[tilespmem:s14], [sflag:$0x1] =	stream.indirect.gather [hbm4b:s2+s13], $0x80, s17, s13, $0xb8;
	[tilespmem:$0xC780] =	vst v63  }
0x5a: {  	_ =	swait.ge [sflag:s26], $0x2800  }
0x5b: {  	[sflag:s26] =	ssyncset.done $0x0  }
0x5c: {  	s17 =	sadd.s32 $0x1E0, s0;
	[sflag:s26] =	ssyncadd.s32 $0xFFFFD800  }
0x5d: {  	[tilespmem:s18], [sflag:$0x2] =	stream.indirect.gather [hbm4b:s2+s13], $0x80, s17, s13, $0xb8;
	[tilespmem:$0xC780] =	vst v63  }
0x5e: {  	_ =	swait.ge [sflag:s28], $0x2800  }
0x5f: {  	[sflag:s28] =	ssyncset.done $0x0  }
.Ltmp0:
0x60: {  	s17 =	sadd.s32 $0x230, s0;
	[sflag:s28] =	ssyncadd.s32 $0xFFFFD800;
	(pc) =	sbr.rel @p0 .LBB2_2-.Ltmp0, $4  }
0x61: {  	[tilespmem:s20], [sflag:$0x3] =	stream.indirect.gather [hbm4b:s2+s13], $0x80, s17, s13, $0xb8;
	[tilespmem:$0xC780] =	vst v63  }
0x62: {  	_ =	swait.ge [sflag:s29], $0x2800  }
0x63: {  	[sflag:s29] =	ssyncset.done $0x0  }
0x64: {  	s1 =	sadd.s32 $0x1400, s1;
	s0 =	sadd.s32 $0x280, s0;
	[sflag:s29] =	ssyncadd.s32 $0xFFFFD800  }
0x65: {  	[tilespmem:s22], [sflag:$0x4] =	stream.indirect.gather [hbm4b:s2+s13], $0x80, s0, s13, $0xb8;
	[tilespmem:$0xC780] =	vst v63  }
0x66: {  	_ =	swait.ge [sflag:s15], $0x2800  }
0x67: {  	[sflag:s15] =	ssyncset.done $0x0  }
0x68: {  	[sflag:s15] =	ssyncadd.s32 $0xFFFFD800  }
0x69: {  	[hbm4b:s6+s3] =	stream.linear.scatter [tilespmem:s14], [sflag:$0x5], $0x2800, $0x38;
	[tilespmem:$0xC780] =	vst v63  }
0x6a: {  	_ =	swait.ge [sflag:s23], $0x2800  }
0x6b: {  	[sflag:s23] =	ssyncset.done $0x0  }
0x6c: {  	[sflag:s23] =	ssyncadd.s32 $0xFFFFD800  }
0x6d: {  	[hbm4b:s7+s3] =	stream.linear.scatter [tilespmem:s18], [sflag:$0x6], $0x2800, $0x38;
	[tilespmem:$0xC780] =	vst v63  }
0x6e: {  	_ =	swait.ge [sflag:s24], $0x2800  }
0x6f: {  	[sflag:s24] =	ssyncset.done $0x0  }
0x70: {  	[sflag:s24] =	ssyncadd.s32 $0xFFFFD800  }
0x71: {  	[hbm4b:s8+s3] =	stream.linear.scatter [tilespmem:s20], [sflag:$0x7], $0x2800, $0x38;
	[tilespmem:$0xC780] =	vst v63  }
0x72: {  	_ =	swait.ge [sflag:s25], $0x2800  }
0x73: {  	[sflag:s25] =	ssyncset.done $0x0  }
0x74: {  	[sflag:s25] =	ssyncadd.s32 $0xFFFFD800  }
0x75: {  	[hbm4b:s9+s3] =	stream.linear.scatter [tilespmem:s22], [sflag:$0x8], $0x2800, $0x38;
	[tilespmem:$0xC780] =	vst v63  }
0x76: {  	_ =	swait.ge [sflag:s16], $0x2800  }
0x77: {  	[sflag:s16] =	ssyncset.done $0x0  }
0x78: {  	[sflag:s16] =	ssyncadd.s32 $0xFFFFD800  }
0x79: {  	_ =	swait.ge [sflag:s26], $0x2800  }
0x7a: {  	[sflag:s26] =	ssyncset.done $0x0  }
0x7b: {  	s30 =	sadd.s32 $0x1, s30;
	[sflag:s26] =	ssyncadd.s32 $0xFFFFD800  }
0x7c: {  	p0 =	sne.s32 s30, s10;
	_ =	swait.ge [sflag:s28], $0x2800  }
.Ltmp1:
0x7d: {  	[sflag:s28] =	ssyncset.done $0x0;
	(pc) =	sbr.rel @p0 .LBB2_1-.Ltmp1, $4  }
0x7e: {  	[sflag:s28] =	ssyncadd.s32 $0xFFFFD800  }
0x7f: {  	_ =	swait.ge [sflag:s29], $0x2800  }
0x80: {  	[sflag:s29] =	ssyncset.done $0x0  }
0x81: {  	[sflag:s29] =	ssyncadd.s32 $0xFFFFD800  }
0x82: {  	_ =	sfence.sel $0x180000  }
0x83: {  	[bflag:$0x0] =	sbarrier.arrive $0xFFFF  }
0x84: {  	_ =	strace $0x9000004D  }
0x85: {  	s0 =	stileid.u32;
	[bflag:$0x2] =	sbarrier.arrive $0xFFFF  }
0x86: {  	p0 =	sne.s32 s0, $0x0;
	s0 =	rddreg [dreg:$0x2]  }
0x87: {  	s0 =	sadd.s32 @!p0 $0x100000, s0  }
0x88: {  	[sflag:s0] =	ssyncadd.tile.s32 @!p0 $0x1;
	_ =	shalt  }
.Lfunc_end2:
_tile_overlayer_lowered:
.L_overlay_start_2:
0x89: {  	(tag) =	ssettag $0x2  }
0x8a: {  	s0 =	rddreg [dreg:$0x0];
	s2 =	stileid.u32  }
0x8b: {  	s1 =	rddreg [dreg:$0x1];
	p0 =	sne.s32 s2, $0x0  }
0x8c: {  	s3 =	rddreg [dreg:$0x2];
	[bflag:$0x3] =	sbarrier.arrive $0xFFFF;
	s2 =	simm.s32 @!p0 $0x1C09  }
0x8d: {  	[timem:s3], [sflag:s2] =	dma.local @!p0 [hbm:s0], s1  }
0x8e: {  	s0 =	simm.s32 @!p0 $0x9  }
0x8f: {  	_ =	swait.ge @!p0 [sflag:s0], s1  }
0x90: {  	s1 =	ssub.s32 @!p0 $0x0, s1;
	[sflag:s0] =	ssyncset.done @!p0 $0x0  }
0x91: {  	[sflag:s0] =	ssyncadd.s32 @!p0 s1  }
0x92: {  	[bflag:$0x3] =	sbarrier.arrive $0xFFFF  }
0x93: {  	_ =	shalt  }

</sc_bundles>
